<compile_context>
chip_gen: v7x
topology: tpu7x:2x2x1
jax: 0.10.2.dev20260603
libtpu: 0.0.44.dev20260713+nightly
codegen_flags: <defaults>
</compile_context>

<pallas_src>
import functools

import jax
import jax.numpy as jnp
from jax import lax
from jax.experimental import pallas as pl
from jax.experimental.pallas import tpu as pltpu
from jax.experimental.pallas import tpu_sc as plsc

N = 10000
E = 320000
D = 128
DE = 16
H = 128
NL = 3
G = 64

_NC = 2
_NS = 16
_NW = _NC * _NS
_EW = E // _NW
_C = 80
_NCHUNK = _EW // _C
_RC = 80
_NRC = N // _RC

_f32 = jnp.float32


_EB = 4000


def _edge_body(ea_ref, w_ref, b_ref, e0_ref, e1_ref, e2_ref):
    r = jnp.dot(ea_ref[...].astype(jnp.bfloat16), w_ref[...].astype(jnp.bfloat16),
                preferred_element_type=_f32) + b_ref[...]
    e0_ref[...] = r[:, 0:H]
    e1_ref[...] = r[:, H:2 * H]
    e2_ref[...] = r[:, 2 * H:3 * H]


def _edge_feats(ea, wcat, bcat):
    eshape = jax.ShapeDtypeStruct((E, H), _f32)
    return pl.pallas_call(
        _edge_body,
        grid=(E // _EB,),
        in_specs=[
            pl.BlockSpec((_EB, DE), lambda i: (i, 0)),
            pl.BlockSpec((DE, 3 * H), lambda i: (0, 0)),
            pl.BlockSpec((1, 3 * H), lambda i: (0, 0)),
        ],
        out_specs=[
            pl.BlockSpec((_EB, H), lambda i: (i, 0)),
            pl.BlockSpec((_EB, H), lambda i: (i, 0)),
            pl.BlockSpec((_EB, H), lambda i: (i, 0)),
        ],
        out_shape=[eshape, eshape, eshape],
    )(ea, wcat, bcat)


def _sc_body(h_hbm, e_hbm, src_hbm, dst_hbm, out_hbm,
             src_v, dst_v, rows_v, e_v, zbuf, agg_sh, sem):
    c = lax.axis_index("c")
    s = lax.axis_index("s")
    wid = s * _NC + c

    def _zrow(i, _):
        for j in range(H // 16):
            zbuf[i, pl.ds(j * 16, 16)] = jnp.zeros((16,), _f32)
        return 0
    lax.fori_loop(0, _RC, _zrow, 0)
    nrc = (_NRC - s + _NS - 1) // _NS

    def _zchunk(t, _):
        r0 = (t * _NS + s) * _RC
        pltpu.sync_copy(zbuf, agg_sh.at[pl.ds(r0, _RC), :])
        return 0
    lax.fori_loop(0, nrc, _zchunk, 0)
    plsc.subcore_barrier()

    def _chunk(t, _):
        base = wid * _EW + t * _C
        pltpu.sync_copy(src_hbm.at[pl.ds(base, _C)], src_v)
        pltpu.sync_copy(dst_hbm.at[pl.ds(base, _C)], dst_v)
        cp = pltpu.async_copy(h_hbm.at[src_v], rows_v, sem)
        pltpu.sync_copy(e_hbm.at[pl.ds(base, _C), :], e_v)
        cp.wait()

        def _row(i, _):
            for j in range(H // 16):
                sl = pl.ds(j * 16, 16)
                rows_v[i, sl] = jnp.maximum(rows_v[i, sl] + e_v[i, sl], 0.0)
            return 0
        lax.fori_loop(0, _C, _row, 0)
        pltpu.sync_copy(rows_v, agg_sh.at[dst_v], add=True)
        return 0
    lax.fori_loop(0, _NCHUNK, _chunk, 0)
    plsc.subcore_barrier()

    def _wchunk(t, _):
        r0 = (t * _NS + s) * _RC
        pltpu.sync_copy(agg_sh.at[pl.ds(r0, _RC), :], zbuf)
        pltpu.sync_copy(zbuf, out_hbm.at[c, pl.ds(r0, _RC), :])
        return 0
    lax.fori_loop(0, nrc, _wchunk, 0)


_sc_aggregate = functools.partial(
    pl.kernel,
    out_type=jax.ShapeDtypeStruct((_NC, N, H), _f32),
    mesh=plsc.VectorSubcoreMesh(core_axis_name="c", subcore_axis_name="s"),
    scratch_types=[
        pltpu.VMEM((_C,), jnp.int32),
        pltpu.VMEM((_C,), jnp.int32),
        pltpu.VMEM((_C, H), _f32),
        pltpu.VMEM((_C, H), _f32),
        pltpu.VMEM((_RC, H), _f32),
        pltpu.VMEM_SHARED((N, H), _f32),
        pltpu.SemaphoreType.DMA,
    ],
)(_sc_body)


_NB = 1000


def _update_body(h_ref, agg_ref, w1_ref, b1_ref, w2_ref, b2_ref, s_ref, o_ref):
    a = agg_ref[0] + agg_ref[1]
    z = h_ref[...] * s_ref[0, 0] + a
    z = jnp.maximum(jnp.dot(z.astype(jnp.bfloat16), w1_ref[...].astype(jnp.bfloat16),
                            preferred_element_type=_f32) + b1_ref[...], 0.0)
    o_ref[...] = jnp.dot(z.astype(jnp.bfloat16), w2_ref[...].astype(jnp.bfloat16),
                         preferred_element_type=_f32) + b2_ref[...]


def _node_update(h, agg2, w1, b1, w2, b2, scale):
    return pl.pallas_call(
        _update_body,
        grid=(N // _NB,),
        in_specs=[
            pl.BlockSpec((_NB, H), lambda i: (i, 0)),
            pl.BlockSpec((_NC, _NB, H), lambda i: (0, i, 0)),
            pl.BlockSpec((H, H), lambda i: (0, 0)),
            pl.BlockSpec((1, H), lambda i: (0, 0)),
            pl.BlockSpec((H, H), lambda i: (0, 0)),
            pl.BlockSpec((1, H), lambda i: (0, 0)),
            pl.BlockSpec((1, 1), lambda i: (0, 0)),
        ],
        out_specs=pl.BlockSpec((_NB, H), lambda i: (i, 0)),
        out_shape=jax.ShapeDtypeStruct((N, H), _f32),
    )(h, agg2, w1, b1, w2, b2, scale)


def _final_body(h1_ref, h2_ref, h3_ref, b3_ref, w0_ref, w1_ref, w2_ref,
                bjk_ref, bns_ref, bnb_ref, bng_ref, bnbeta_ref,
                wh1_ref, bh1_ref, wh2_ref, bh2_ref,
                o_ref, sums, cnt):
    i = pl.program_id(0)

    @pl.when(i == 0)
    def _():
        sums[...] = jnp.zeros_like(sums)
        cnt[...] = jnp.zeros_like(cnt)

    hjk = (jnp.dot(h1_ref[...].astype(jnp.bfloat16), w0_ref[...].astype(jnp.bfloat16),
                   preferred_element_type=_f32)
           + jnp.dot(h2_ref[...].astype(jnp.bfloat16), w1_ref[...].astype(jnp.bfloat16),
                     preferred_element_type=_f32)
           + jnp.dot(h3_ref[...].astype(jnp.bfloat16), w2_ref[...].astype(jnp.bfloat16),
                     preferred_element_type=_f32)
           + bjk_ref[...])
    b = b3_ref[0, 0, :]
    oh = (b[:, None] == lax.broadcasted_iota(jnp.int32, (_NB, G), 1)).astype(_f32)
    sums[...] += lax.dot_general(oh, hjk, (((0,), (0,)), ((), ())),
                                 preferred_element_type=_f32, precision=lax.Precision.HIGHEST)
    cnt[...] += lax.dot_general(oh, jnp.ones((_NB, 1), _f32),
                                (((0,), (0,)), ((), ())),
                                preferred_element_type=_f32, precision=lax.Precision.DEFAULT)

    @pl.when(i == N // _NB - 1)
    def _():
        pooled = sums[...] / jnp.maximum(cnt[...], 1.0)
        q = ((pooled - bns_ref[...]) / jnp.sqrt(bnb_ref[...] + 1e-5)
             * bng_ref[...] + bnbeta_ref[...])
        q = jnp.maximum(jnp.dot(q.astype(jnp.bfloat16), wh1_ref[...].astype(jnp.bfloat16),
                                preferred_element_type=_f32) + bh1_ref[...], 0.0)
        o_ref[...] = (jnp.dot(q.astype(jnp.bfloat16), wh2_ref[...].astype(jnp.bfloat16),
                              preferred_element_type=_f32) + bh2_ref[...])


def _final(h1, h2, h3, batch3, wjk, bjk, bnm, bnv, bng, bnbeta,
           wh1, bh1, wh2, bh2):
    full = lambda shape: pl.BlockSpec(shape, lambda i: tuple(0 for _ in shape))
    return pl.pallas_call(
        _final_body,
        grid=(N // _NB,),
        in_specs=[
            pl.BlockSpec((_NB, H), lambda i: (i, 0)),
            pl.BlockSpec((_NB, H), lambda i: (i, 0)),
            pl.BlockSpec((_NB, H), lambda i: (i, 0)),
            pl.BlockSpec((1, 1, _NB), lambda i: (i, 0, 0)),
            full((H, H)), full((H, H)), full((H, H)),
            full((1, H)), full((1, H)), full((1, H)), full((1, H)), full((1, H)),
            full((H, G)), full((1, G)), full((G, 1)), full((1, 1)),
        ],
        out_specs=full((G, 1)),
        out_shape=jax.ShapeDtypeStruct((G, 1), _f32),
        scratch_shapes=[
            pltpu.VMEM((G, H), _f32),
            pltpu.VMEM((G, 1), _f32),
        ],
    )(h1, h2, h3, batch3, wjk[0], wjk[1], wjk[2], bjk, bnm, bnv, bng, bnbeta,
      wh1, bh1, wh2, bh2)


def kernel(x, edge_index, edge_attr, batch, params):
    src = edge_index[0].astype(jnp.int32)
    dst = edge_index[1].astype(jnp.int32)
    h = x.astype(_f32)
    ea = edge_attr.astype(_f32)

    wcat = jnp.concatenate([params["conv%d" % l]["We"] for l in range(NL)], axis=1)
    bcat = jnp.concatenate([params["conv%d" % l]["be"] for l in range(NL)]).reshape(1, 3 * H)
    es = _edge_feats(ea, wcat, bcat)

    outs = []
    for l in range(NL):
        p = params["conv%d" % l]
        agg2 = _sc_aggregate(h, es[l], src, dst)
        scale = (1.0 + p["eps"]).astype(_f32).reshape(1, 1)
        h = _node_update(h, agg2, p["W1"], p["b1"].reshape(1, H),
                         p["W2"], p["b2"].reshape(1, H), scale)
        outs.append(h)

    batch3 = batch.astype(jnp.int32).reshape(N // _NB, 1, _NB)
    wjk = params["Wjk"].reshape(NL, H, H)
    bjk = params["bjk"].reshape(1, H)
    out = _final(outs[0], outs[1], outs[2], batch3, wjk, bjk,
                 params["bn_mean"].reshape(1, H), params["bn_var"].reshape(1, H),
                 params["bn_gamma"].reshape(1, H), params["bn_beta"].reshape(1, H),
                 params["Wh1"], params["bh1"].reshape(1, G),
                 params["Wh2"], params["bh2"].reshape(1, 1))
    return out[:, 0]

# --- scband reference (transcript-rebuilt; emitter-appended) ---
"""Pipeline reference for scband-gnnregressor-89069031785257 (READ-ONLY COPY).

The authoritative reference and input builder live on the scoring server;
editing this copy changes nothing except your own understanding.
"""

import jax, jax.numpy as jnp
import numpy as np

N = 10000
E = 320000
D = 128
DE = 16
H = 128
L = 3
G = 64


def _init_params(key):
    ks = iter(jax.random.split(key, 40))
    params = {}
    for l in range(L):
        cin = D if l == 0 else H
        params["conv%d" % l] = {
            "We": jax.random.normal(next(ks), (DE, cin), jnp.float32) * 0.1,
            "be": jnp.zeros((cin,), jnp.float32),
            "eps": jnp.float32(0.0),
            "W1": jax.random.normal(next(ks), (cin, H), jnp.float32) * (1.0 / np.sqrt(cin)),
            "b1": jnp.zeros((H,), jnp.float32),
            "W2": jax.random.normal(next(ks), (H, H), jnp.float32) * (1.0 / np.sqrt(H)),
            "b2": jnp.zeros((H,), jnp.float32),
        }
    params["Wjk"] = jax.random.normal(next(ks), (L * H, H), jnp.float32) * (1.0 / np.sqrt(L * H))
    params["bjk"] = jnp.zeros((H,), jnp.float32)
    params["bn_gamma"] = jnp.ones((H,), jnp.float32)
    params["bn_beta"] = jnp.zeros((H,), jnp.float32)
    params["bn_mean"] = jnp.zeros((H,), jnp.float32)
    params["bn_var"] = jnp.ones((H,), jnp.float32)
    params["Wh1"] = jax.random.normal(next(ks), (H, 64), jnp.float32) * (1.0 / np.sqrt(H))
    params["bh1"] = jnp.zeros((64,), jnp.float32)
    params["Wh2"] = jax.random.normal(next(ks), (64, 1), jnp.float32) * 0.125
    params["bh2"] = jnp.zeros((1,), jnp.float32)
    return params


def setup_inputs(seed: int = 0) -> dict:
    key = jax.random.key(seed)
    k0, k1, k2, k3 = jax.random.split(key, 4)
    x = jax.random.normal(k0, (N, D), dtype=jnp.float32)
    edge_index = jax.random.randint(k1, (2, E), 0, N)
    edge_attr = jax.random.normal(k2, (E, DE), dtype=jnp.float32)
    batch = jnp.sort(jax.random.randint(k3, (N,), 0, G))
    params = _init_params(jax.random.key(1))
    return {"x": x, "edge_index": edge_index, "edge_attr": edge_attr, "batch": batch, "params": params}


def reference(x, edge_index, edge_attr, batch, params):
    src = edge_index[0]
    dst = edge_index[1]
    h = x.astype(jnp.float32)
    ea = edge_attr.astype(jnp.float32)
    outs = []
    for l in range(L):
        p = params["conv%d" % l]
        # GINEConv: message = relu(x_j + lin(edge_attr)); sum-aggregate; nn((1+eps)*x_i + aggr)
        e = ea @ p["We"] + p["be"]
        m = jax.nn.relu(h[src] + e)
        agg = jax.ops.segment_sum(m, dst, num_segments=N)
        z = (1.0 + p["eps"]) * h + agg
        z = jax.nn.relu(z @ p["W1"] + p["b1"])
        h = z @ p["W2"] + p["b2"]
        outs.append(h)
    # JumpingKnowledge 'cat' + final linear projection back to hidden
    hcat = jnp.concatenate(outs, axis=1)
    h = hcat @ params["Wjk"] + params["bjk"]
    # global_mean_pool over graph ids
    sums = jax.ops.segment_sum(h, batch, num_segments=G)
    cnt = jax.ops.segment_sum(jnp.ones((N, 1), h.dtype), batch, num_segments=G)
    pooled = sums / jnp.maximum(cnt, 1.0)
    # head MLP: BatchNorm1d (eval-mode running stats) -> Linear -> ReLU -> Linear
    q = (pooled - params["bn_mean"]) / jnp.sqrt(params["bn_var"] + 1e-5) * params["bn_gamma"] + params["bn_beta"]
    q = jax.nn.relu(q @ params["Wh1"] + params["bh1"])
    out = q @ params["Wh2"] + params["bh2"]
    return out.squeeze(1)

if __name__ == "__main__":
    import jax
    _d = setup_inputs()
    print(jax.jit(kernel)(*tuple(_d.values())))

</pallas_src>

<mosaic_0001>
#map = affine_map<(d0, d1) -> (0, 0)>
#map1 = affine_map<(d0, d1) -> (0)>
#map2 = affine_map<(d0, d1) -> (0, 0, 0)>
module attributes {stable_mosaic.version = 14 : i64} {
  func.func @_sc_body(%arg0: i32, %arg1: i32, %arg2: memref<10000x128xf32, #tpu.memory_space<hbm>>, %arg3: memref<320000x128xf32, #tpu.memory_space<hbm>>, %arg4: memref<320000xi32, #tpu.memory_space<hbm>>, %arg5: memref<320000xi32, #tpu.memory_space<hbm>>, %arg6: memref<2x10000x128xf32, #tpu.memory_space<hbm>>, %arg7: memref<80xi32, #tpu.memory_space<vmem>>, %arg8: memref<80xi32, #tpu.memory_space<vmem>>, %arg9: memref<80x128xf32, #tpu.memory_space<vmem>>, %arg10: memref<80x128xf32, #tpu.memory_space<vmem>>, %arg11: memref<80x128xf32, #tpu.memory_space<vmem>>, %arg12: memref<10000x128xf32, #tpu.memory_space<vmem_shared>>, %arg13: memref<!tpu.dma_semaphore, #tpu.memory_space<semaphore_mem>>) attributes {dimension_semantics = [#tpu.dimension_semantics<core_parallel>, #tpu.dimension_semantics<subcore_parallel>], iteration_bounds = array<i64: 2, 16>, scalar_prefetch = 0 : i64, scratch_operands = 7 : i64, tpu.core_type = #tpu.core_type<sc_vector_subcore>, window_params = [{transform_indices = #map}, {transform_indices = #map}, {transform_indices = #map1}, {transform_indices = #map1}, {transform_indices = #map2}]} {
    %mul3A = arith.constant 2 : i32
    %mul3A_0 = arith.muli %arg1, %mul3A : i32
    %add3A = arith.addi %mul3A_0, %arg0 : i32
    %scan3A = arith.constant 0 : i32
    %scan3A_1 = arith.constant 0 : i32
    %scan3A_2 = arith.constant 80 : i32
    %scan3A_3 = arith.addi %scan3A_1, %scan3A_2 : i32
    %scan3A_4 = arith.constant 1 : i32
    %scan3A_5 = scf.for %scan3A_60 = %scan3A_1 to %scan3A_3 step %scan3A_4 iter_args(%scan3A_61 = %scan3A) -> (i32)  : i32 {
      %broadcast_in_dim3A = arith.constant 0.000000e+00 : f32
      %broadcast_in_dim3A_62 = vector.broadcast %broadcast_in_dim3A : f32 to vector<16xf32>
      %swap3A = arith.index_cast %scan3A_60 : i32 to index
      %swap3A_63 = arith.constant 0 : index
      %swap3A_64 = tpu.vector_load %arg11[%swap3A, %swap3A_63] {strides = array<i32>} : memref<80x128xf32, #tpu.memory_space<vmem>>, vector<1x16xf32>,
      %swap3A_65 = vector.shape_cast %swap3A_64 : vector<1x16xf32> to vector<16xf32>
      %swap3A_66 = vector.shape_cast %broadcast_in_dim3A_62 : vector<16xf32> to vector<1x16xf32>
      tpu.vector_store %arg11[%swap3A, %swap3A_63], %swap3A_66 {strides = array<i32>} : memref<80x128xf32, #tpu.memory_space<vmem>>, vector<1x16xf32>,
      %broadcast_in_dim3A_67 = arith.constant 0.000000e+00 : f32
      %broadcast_in_dim3A_68 = vector.broadcast %broadcast_in_dim3A_67 : f32 to vector<16xf32>
      %swap3A_69 = arith.index_cast %scan3A_60 : i32 to index
      %swap3A_70 = arith.constant 16 : index
      %swap3A_71 = tpu.vector_load %arg11[%swap3A_69, %swap3A_70] {strides = array<i32>} : memref<80x128xf32, #tpu.memory_space<vmem>>, vector<1x16xf32>,
      %swap3A_72 = vector.shape_cast %swap3A_71 : vector<1x16xf32> to vector<16xf32>
      %swap3A_73 = vector.shape_cast %broadcast_in_dim3A_68 : vector<16xf32> to vector<1x16xf32>
      tpu.vector_store %arg11[%swap3A_69, %swap3A_70], %swap3A_73 {strides = array<i32>} : memref<80x128xf32, #tpu.memory_space<vmem>>, vector<1x16xf32>,
      %broadcast_in_dim3A_74 = arith.constant 0.000000e+00 : f32
      %broadcast_in_dim3A_75 = vector.broadcast %broadcast_in_dim3A_74 : f32 to vector<16xf32>
      %swap3A_76 = arith.index_cast %scan3A_60 : i32 to index
      %swap3A_77 = arith.constant 32 : index
      %swap3A_78 = tpu.vector_load %arg11[%swap3A_76, %swap3A_77] {strides = array<i32>} : memref<80x128xf32, #tpu.memory_space<vmem>>, vector<1x16xf32>,
      %swap3A_79 = vector.shape_cast %swap3A_78 : vector<1x16xf32> to vector<16xf32>
      %swap3A_80 = vector.shape_cast %broadcast_in_dim3A_75 : vector<16xf32> to vector<1x16xf32>
      tpu.vector_store %arg11[%swap3A_76, %swap3A_77], %swap3A_80 {strides = array<i32>} : memref<80x128xf32, #tpu.memory_space<vmem>>, vector<1x16xf32>,
      %broadcast_in_dim3A_81 = arith.constant 0.000000e+00 : f32
      %broadcast_in_dim3A_82 = vector.broadcast %broadcast_in_dim3A_81 : f32 to vector<16xf32>
      %swap3A_83 = arith.index_cast %scan3A_60 : i32 to index
      %swap3A_84 = arith.constant 48 : index
      %swap3A_85 = tpu.vector_load %arg11[%swap3A_83, %swap3A_84] {strides = array<i32>} : memref<80x128xf32, #tpu.memory_space<vmem>>, vector<1x16xf32>,
      %swap3A_86 = vector.shape_cast %swap3A_85 : vector<1x16xf32> to vector<16xf32>
      %swap3A_87 = vector.shape_cast %broadcast_in_dim3A_82 : vector<16xf32> to vector<1x16xf32>
      tpu.vector_store %arg11[%swap3A_83, %swap3A_84], %swap3A_87 {strides = array<i32>} : memref<80x128xf32, #tpu.memory_space<vmem>>, vector<1x16xf32>,
      %broadcast_in_dim3A_88 = arith.constant 0.000000e+00 : f32
      %broadcast_in_dim3A_89 = vector.broadcast %broadcast_in_dim3A_88 : f32 to vector<16xf32>
      %swap3A_90 = arith.index_cast %scan3A_60 : i32 to index
      %swap3A_91 = arith.constant 64 : index
      %swap3A_92 = tpu.vector_load %arg11[%swap3A_90, %swap3A_91] {strides = array<i32>} : memref<80x128xf32, #tpu.memory_space<vmem>>, vector<1x16xf32>,
      %swap3A_93 = vector.shape_cast %swap3A_92 : vector<1x16xf32> to vector<16xf32>
      %swap3A_94 = vector.shape_cast %broadcast_in_dim3A_89 : vector<16xf32> to vector<1x16xf32>
      tpu.vector_store %arg11[%swap3A_90, %swap3A_91], %swap3A_94 {strides = array<i32>} : memref<80x128xf32, #tpu.memory_space<vmem>>, vector<1x16xf32>,
      %broadcast_in_dim3A_95 = arith.constant 0.000000e+00 : f32
      %broadcast_in_dim3A_96 = vector.broadcast %broadcast_in_dim3A_95 : f32 to vector<16xf32>
      %swap3A_97 = arith.index_cast %scan3A_60 : i32 to index
      %swap3A_98 = arith.constant 80 : index
      %swap3A_99 = tpu.vector_load %arg11[%swap3A_97, %swap3A_98] {strides = array<i32>} : memref<80x128xf32, #tpu.memory_space<vmem>>, vector<1x16xf32>,
      %swap3A_100 = vector.shape_cast %swap3A_99 : vector<1x16xf32> to vector<16xf32>
      %swap3A_101 = vector.shape_cast %broadcast_in_dim3A_96 : vector<16xf32> to vector<1x16xf32>
      tpu.vector_store %arg11[%swap3A_97, %swap3A_98], %swap3A_101 {strides = array<i32>} : memref<80x128xf32, #tpu.memory_space<vmem>>, vector<1x16xf32>,
      %broadcast_in_dim3A_102 = arith.constant 0.000000e+00 : f32
      %broadcast_in_dim3A_103 = vector.broadcast %broadcast_in_dim3A_102 : f32 to vector<16xf32>
      %swap3A_104 = arith.index_cast %scan3A_60 : i32 to index
      %swap3A_105 = arith.constant 96 : index
      %swap3A_106 = tpu.vector_load %arg11[%swap3A_104, %swap3A_105] {strides = array<i32>} : memref<80x128xf32, #tpu.memory_space<vmem>>, vector<1x16xf32>,
      %swap3A_107 = vector.shape_cast %swap3A_106 : vector<1x16xf32> to vector<16xf32>
      %swap3A_108 = vector.shape_cast %broadcast_in_dim3A_103 : vector<16xf32> to vector<1x16xf32>
      tpu.vector_store %arg11[%swap3A_104, %swap3A_105], %swap3A_108 {strides = array<i32>} : memref<80x128xf32, #tpu.memory_space<vmem>>, vector<1x16xf32>,
      %broadcast_in_dim3A_109 = arith.constant 0.000000e+00 : f32
      %broadcast_in_dim3A_110 = vector.broadcast %broadcast_in_dim3A_109 : f32 to vector<16xf32>
      %swap3A_111 = arith.index_cast %scan3A_60 : i32 to index
      %swap3A_112 = arith.constant 112 : index
      %swap3A_113 = tpu.vector_load %arg11[%swap3A_111, %swap3A_112] {strides = array<i32>} : memref<80x128xf32, #tpu.memory_space<vmem>>, vector<1x16xf32>,
      %swap3A_114 = vector.shape_cast %swap3A_113 : vector<1x16xf32> to vector<16xf32>
      %swap3A_115 = vector.shape_cast %broadcast_in_dim3A_110 : vector<16xf32> to vector<1x16xf32>
      tpu.vector_store %arg11[%swap3A_111, %swap3A_112], %swap3A_115 {strides = array<i32>} : memref<80x128xf32, #tpu.memory_space<vmem>>, vector<1x16xf32>,
      %scan3A_116 = arith.constant 0 : i32
      scf.yield %scan3A_116 : i32
    }
    %scan3A_6 = arith.constant 80 : i32
    %sub3A = arith.constant 125 : i32
    %sub3A_7 = arith.subi %sub3A, %arg1 : i32
    %add3A_8 = arith.constant 16 : i32
    %add3A_9 = arith.addi %sub3A_7, %add3A_8 : i32
    %sub3A_10 = arith.constant 1 : i32
    %sub3A_11 = arith.subi %add3A_9, %sub3A_10 : i32
    %jit3A = arith.constant 16 : i32
    %div3A = arith.divsi %sub3A_11, %jit3A : i32
    %sign3A = arith.constant 0 : i32
    %sign3A_12 = arith.cmpi sgt, %sub3A_11, %sign3A : i32
    %sign3A_13 = arith.extui %sign3A_12 : i1 to i32
    %sign3A_14 = arith.constant 0 : i32
    %sign3A_15 = arith.cmpi slt, %sub3A_11, %sign3A_14 : i32
    %sign3A_16 = arith.extui %sign3A_15 : i1 to i32
    %sign3A_17 = arith.subi %sign3A_13, %sign3A_16 : i32
    %sign3A_18 = arith.constant 0 : i32
    %sign3A_19 = arith.cmpi sgt, %jit3A, %sign3A_18 : i32
    %sign3A_20 = arith.extui %sign3A_19 : i1 to i32
    %sign3A_21 = arith.constant 0 : i32
    %sign3A_22 = arith.cmpi slt, %jit3A, %sign3A_21 : i32
    %sign3A_23 = arith.extui %sign3A_22 : i1 to i32
    %sign3A_24 = arith.subi %sign3A_20, %sign3A_23 : i32
    %ne3A = arith.cmpi ne, %sign3A_17, %sign3A_24 : i32
    %rem3A = arith.remsi %sub3A_11, %jit3A : i32
    %ne3A_25 = arith.constant 0 : i32
    %ne3A_26 = arith.cmpi ne, %rem3A, %ne3A_25 : i32
    %and3A = arith.andi %ne3A, %ne3A_26 : i1
    %sub3A_27 = arith.constant 1 : i32
    %sub3A_28 = arith.subi %div3A, %sub3A_27 : i32
    %select_n3A = arith.select %and3A, %sub3A_28, %div3A : i32
    %while3A = arith.constant 0 : i32
    %while3A_29 = arith.constant 0 : i32
    %while3A_30 = arith.subi %select_n3A, %while3A : i32
    %while3A_31 = arith.addi %while3A, %while3A_30 : i32
    %while3A_32 = arith.constant 1 : i32
    %while3A_33 = arith.divsi %while3A_30, %while3A_32 : i32
    %while3A_34 = arith.muli %while3A_33, %while3A_32 : i32
    %while3A_35 = arith.addi %while3A, %while3A_34 : i32
    %while3A_36 = arith.constant 1 : i32
    %while3A_37 = scf.for %while3A_60 = %while3A to %while3A_35 step %while3A_36 iter_args(%while3A_61 = %while3A_29) -> (i32)  : i32 {
      %mul3A_62 = arith.constant 16 : i32
      %mul3A_63 = arith.muli %while3A_60, %mul3A_62 : i32
      %add3A_64 = arith.addi %mul3A_63, %arg1 : i32
      %mul3A_65 = arith.constant 80 : i32
      %mul3A_66 = arith.muli %add3A_64, %mul3A_65 : i32
      "tpu.region"() ({
        %run_scoped3A = tpu.sem_alloc : memref<!tpu.dma_semaphore, #tpu.memory_space<semaphore_mem>>
        %dma_start3A = arith.constant 0 : i32
        %dma_start3A_68 = tpu.memref_slice %arg12[%mul3A_66, %dma_start3A] : memref<10000x128xf32, #tpu.memory_space<vmem_shared>> -> memref<80x128xf32, #tpu.memory_space<vmem_shared>>
        %dma_start3A_69 = arith.constant 0 : i32
        %dma_start3A_70 = tpu.memref_slice %arg12[%mul3A_66, %dma_start3A_69] : memref<10000x128xf32, #tpu.memory_space<vmem_shared>> -> memref<80x128xf32, #tpu.memory_space<vmem_shared>>
        tpu.enqueue_dma source(%arg11 : memref<80x128xf32, #tpu.memory_space<vmem>>) target(%dma_start3A_70 : memref<80x128xf32, #tpu.memory_space<vmem_shared>>) target_semaphore(%run_scoped3A : memref<!tpu.dma_semaphore, #tpu.memory_space<semaphore_mem>>)
        %dma_wait3A = arith.constant 0 : i32
        %dma_wait3A_71 = tpu.memref_slice %arg12[%mul3A_66, %dma_wait3A] : memref<10000x128xf32, #tpu.memory_space<vmem_shared>> -> memref<80x128xf32, #tpu.memory_space<vmem_shared>>
        %dma_wait3A_72 = arith.constant 0 : i32
        %dma_wait3A_73 = tpu.memref_slice %arg12[%mul3A_66, %dma_wait3A_72] : memref<10000x128xf32, #tpu.memory_space<vmem_shared>> -> memref<80x128xf32, #tpu.memory_space<vmem_shared>>
        tpu.wait_dma2 semaphore(%run_scoped3A : memref<!tpu.dma_semaphore, #tpu.memory_space<semaphore_mem>>) src(%arg11 : memref<80x128xf32, #tpu.memory_space<vmem>>) dst(%dma_wait3A_73 : memref<80x128xf32, #tpu.memory_space<vmem_shared>>)
        tpu.yield
      }) : () -> ()
      %while3A_67 = arith.constant 0 : i32
      scf.yield %while3A_67 : i32
    }
    %while3A_38 = arith.constant 1 : i32
    %while3A_39 = scf.for %while3A_60 = %while3A_35 to %while3A_31 step %while3A_38 iter_args(%while3A_61 = %while3A_37) -> (i32)  : i32 {
      %mul3A_62 = arith.constant 16 : i32
      %mul3A_63 = arith.muli %while3A_60, %mul3A_62 : i32
      %add3A_64 = arith.addi %mul3A_63, %arg1 : i32
      %mul3A_65 = arith.constant 80 : i32
      %mul3A_66 = arith.muli %add3A_64, %mul3A_65 : i32
      "tpu.region"() ({
        %run_scoped3A = tpu.sem_alloc : memref<!tpu.dma_semaphore, #tpu.memory_space<semaphore_mem>>
        %dma_start3A = arith.constant 0 : i32
        %dma_start3A_68 = tpu.memref_slice %arg12[%mul3A_66, %dma_start3A] : memref<10000x128xf32, #tpu.memory_space<vmem_shared>> -> memref<80x128xf32, #tpu.memory_space<vmem_shared>>
        %dma_start3A_69 = arith.constant 0 : i32
        %dma_start3A_70 = tpu.memref_slice %arg12[%mul3A_66, %dma_start3A_69] : memref<10000x128xf32, #tpu.memory_space<vmem_shared>> -> memref<80x128xf32, #tpu.memory_space<vmem_shared>>
        tpu.enqueue_dma source(%arg11 : memref<80x128xf32, #tpu.memory_space<vmem>>) target(%dma_start3A_70 : memref<80x128xf32, #tpu.memory_space<vmem_shared>>) target_semaphore(%run_scoped3A : memref<!tpu.dma_semaphore, #tpu.memory_space<semaphore_mem>>)
        %dma_wait3A = arith.constant 0 : i32
        %dma_wait3A_71 = tpu.memref_slice %arg12[%mul3A_66, %dma_wait3A] : memref<10000x128xf32, #tpu.memory_space<vmem_shared>> -> memref<80x128xf32, #tpu.memory_space<vmem_shared>>
        %dma_wait3A_72 = arith.constant 0 : i32
        %dma_wait3A_73 = tpu.memref_slice %arg12[%mul3A_66, %dma_wait3A_72] : memref<10000x128xf32, #tpu.memory_space<vmem_shared>> -> memref<80x128xf32, #tpu.memory_space<vmem_shared>>
        tpu.wait_dma2 semaphore(%run_scoped3A : memref<!tpu.dma_semaphore, #tpu.memory_space<semaphore_mem>>) src(%arg11 : memref<80x128xf32, #tpu.memory_space<vmem>>) dst(%dma_wait3A_73 : memref<80x128xf32, #tpu.memory_space<vmem_shared>>)
        tpu.yield
      }) : () -> ()
      %while3A_67 = arith.constant 0 : i32
      scf.yield %while3A_67 : i32
    }
    %barrier3A = arith.constant 0 : index
    tpu.barrier barrier_id(%barrier3A)
    %scan3A_40 = arith.constant 0 : i32
    %scan3A_41 = arith.constant 0 : i32
    %scan3A_42 = arith.constant 125 : i32
    %scan3A_43 = arith.addi %scan3A_41, %scan3A_42 : i32
    %scan3A_44 = arith.constant 1 : i32
    %scan3A_45 = scf.for %scan3A_60 = %scan3A_41 to %scan3A_43 step %scan3A_44 iter_args(%scan3A_61 = %scan3A_40) -> (i32)  : i32 {
      %mul3A_62 = arith.constant 10000 : i32
      %mul3A_63 = arith.muli %add3A, %mul3A_62 : i32
      %mul3A_64 = arith.constant 80 : i32
      %mul3A_65 = arith.muli %scan3A_60, %mul3A_64 : i32
      %add3A_66 = arith.addi %mul3A_63, %mul3A_65 : i32
      "tpu.region"() ({
        %run_scoped3A = tpu.sem_alloc : memref<!tpu.dma_semaphore, #tpu.memory_space<semaphore_mem>>
        %dma_start3A_79 = tpu.memref_slice %arg4[%add3A_66] : memref<320000xi32, #tpu.memory_space<hbm>> -> memref<80xi32, #tpu.memory_space<hbm>>
        %dma_start3A_80 = tpu.memref_slice %arg4[%add3A_66] : memref<320000xi32, #tpu.memory_space<hbm>> -> memref<80xi32, #tpu.memory_space<hbm>>
        tpu.enqueue_dma source(%dma_start3A_80 : memref<80xi32, #tpu.memory_space<hbm>>) target(%arg7 : memref<80xi32, #tpu.memory_space<vmem>>) target_semaphore(%run_scoped3A : memref<!tpu.dma_semaphore, #tpu.memory_space<semaphore_mem>>)
        %dma_wait3A_81 = tpu.memref_slice %arg4[%add3A_66] : memref<320000xi32, #tpu.memory_space<hbm>> -> memref<80xi32, #tpu.memory_space<hbm>>
        %dma_wait3A_82 = tpu.memref_slice %arg4[%add3A_66] : memref<320000xi32, #tpu.memory_space<hbm>> -> memref<80xi32, #tpu.memory_space<hbm>>
        tpu.wait_dma2 semaphore(%run_scoped3A : memref<!tpu.dma_semaphore, #tpu.memory_space<semaphore_mem>>) src(%dma_wait3A_82 : memref<80xi32, #tpu.memory_space<hbm>>) dst(%arg7 : memref<80xi32, #tpu.memory_space<vmem>>)
        tpu.yield
      }) : () -> ()
      "tpu.region"() ({
        %run_scoped3A = tpu.sem_alloc : memref<!tpu.dma_semaphore, #tpu.memory_space<semaphore_mem>>
        %dma_start3A_79 = tpu.memref_slice %arg5[%add3A_66] : memref<320000xi32, #tpu.memory_space<hbm>> -> memref<80xi32, #tpu.memory_space<hbm>>
        %dma_start3A_80 = tpu.memref_slice %arg5[%add3A_66] : memref<320000xi32, #tpu.memory_space<hbm>> -> memref<80xi32, #tpu.memory_space<hbm>>
        tpu.enqueue_dma source(%dma_start3A_80 : memref<80xi32, #tpu.memory_space<hbm>>) target(%arg8 : memref<80xi32, #tpu.memory_space<vmem>>) target_semaphore(%run_scoped3A : memref<!tpu.dma_semaphore, #tpu.memory_space<semaphore_mem>>)
        %dma_wait3A_81 = tpu.memref_slice %arg5[%add3A_66] : memref<320000xi32, #tpu.memory_space<hbm>> -> memref<80xi32, #tpu.memory_space<hbm>>
        %dma_wait3A_82 = tpu.memref_slice %arg5[%add3A_66] : memref<320000xi32, #tpu.memory_space<hbm>> -> memref<80xi32, #tpu.memory_space<hbm>>
        tpu.wait_dma2 semaphore(%run_scoped3A : memref<!tpu.dma_semaphore, #tpu.memory_space<semaphore_mem>>) src(%dma_wait3A_82 : memref<80xi32, #tpu.memory_space<hbm>>) dst(%arg8 : memref<80xi32, #tpu.memory_space<vmem>>)
        tpu.yield
      }) : () -> ()
      %dma_start3A = arith.constant 0 : i32
      %dma_start3A_67 = arith.constant 0 : i32
      %dma_start3A_68 = tpu.memref_slice %arg2[%dma_start3A, %dma_start3A_67] : memref<10000x128xf32, #tpu.memory_space<hbm>> -> memref<10000x128xf32, #tpu.memory_space<hbm>>
      tpu.enqueue_indirect_dma source(%dma_start3A_68 : memref<10000x128xf32, #tpu.memory_space<hbm>>) target(%arg9 : memref<80x128xf32, #tpu.memory_space<vmem>>) offsets(%arg7 : memref<80xi32, #tpu.memory_space<vmem>>) semaphore(%arg13 : memref<!tpu.dma_semaphore, #tpu.memory_space<semaphore_mem>>)
      "tpu.region"() ({
        %run_scoped3A = tpu.sem_alloc : memref<!tpu.dma_semaphore, #tpu.memory_space<semaphore_mem>>
        %dma_start3A_79 = arith.constant 0 : i32
        %dma_start3A_80 = tpu.memref_slice %arg3[%add3A_66, %dma_start3A_79] : memref<320000x128xf32, #tpu.memory_space<hbm>> -> memref<80x128xf32, #tpu.memory_space<hbm>>
        %dma_start3A_81 = arith.constant 0 : i32
        %dma_start3A_82 = tpu.memref_slice %arg3[%add3A_66, %dma_start3A_81] : memref<320000x128xf32, #tpu.memory_space<hbm>> -> memref<80x128xf32, #tpu.memory_space<hbm>>
        tpu.enqueue_dma source(%dma_start3A_82 : memref<80x128xf32, #tpu.memory_space<hbm>>) target(%arg10 : memref<80x128xf32, #tpu.memory_space<vmem>>) target_semaphore(%run_scoped3A : memref<!tpu.dma_semaphore, #tpu.memory_space<semaphore_mem>>)
        %dma_wait3A_83 = arith.constant 0 : i32
        %dma_wait3A_84 = tpu.memref_slice %arg3[%add3A_66, %dma_wait3A_83] : memref<320000x128xf32, #tpu.memory_space<hbm>> -> memref<80x128xf32, #tpu.memory_space<hbm>>
        %dma_wait3A_85 = arith.constant 0 : i32
        %dma_wait3A_86 = tpu.memref_slice %arg3[%add3A_66, %dma_wait3A_85] : memref<320000x128xf32, #tpu.memory_space<hbm>> -> memref<80x128xf32, #tpu.memory_space<hbm>>
        tpu.wait_dma2 semaphore(%run_scoped3A : memref<!tpu.dma_semaphore, #tpu.memory_space<semaphore_mem>>) src(%dma_wait3A_86 : memref<80x128xf32, #tpu.memory_space<hbm>>) dst(%arg10 : memref<80x128xf32, #tpu.memory_space<vmem>>)
        tpu.yield
      }) : () -> ()
      %dma_wait3A = arith.constant 0 : i32
      %dma_wait3A_69 = arith.constant 0 : i32
      %dma_wait3A_70 = tpu.memref_slice %arg2[%dma_wait3A, %dma_wait3A_69] : memref<10000x128xf32, #tpu.memory_space<hbm>> -> memref<10000x128xf32, #tpu.memory_space<hbm>>
      tpu.wait_indirect_dma semaphore(%arg13 : memref<!tpu.dma_semaphore, #tpu.memory_space<semaphore_mem>>) src(%dma_wait3A_70 : memref<10000x128xf32, #tpu.memory_space<hbm>>) dst(%arg9 : memref<80x128xf32, #tpu.memory_space<vmem>>)
      %scan3A_71 = arith.constant 0 : i32
      %scan3A_72 = arith.constant 0 : i32
      %scan3A_73 = arith.constant 80 : i32
      %scan3A_74 = arith.addi %scan3A_72, %scan3A_73 : i32
      %scan3A_75 = arith.constant 1 : i32
      %scan3A_76 = scf.for %scan3A_79 = %scan3A_72 to %scan3A_74 step %scan3A_75 iter_args(%scan3A_80 = %scan3A_71) -> (i32)  : i32 {
        %get3A = arith.index_cast %scan3A_79 : i32 to index
        %get3A_81 = arith.constant 0 : index
        %get3A_82 = tpu.vector_load %arg9[%get3A, %get3A_81] {strides = array<i32>} : memref<80x128xf32, #tpu.memory_space<vmem>>, vector<1x16xf32>,
        %get3A_83 = vector.shape_cast %get3A_82 : vector<1x16xf32> to vector<16xf32>
        %get3A_84 = arith.index_cast %scan3A_79 : i32 to index
        %get3A_85 = arith.constant 0 : index
        %get3A_86 = tpu.vector_load %arg10[%get3A_84, %get3A_85] {strides = array<i32>} : memref<80x128xf32, #tpu.memory_space<vmem>>, vector<1x16xf32>,
        %get3A_87 = vector.shape_cast %get3A_86 : vector<1x16xf32> to vector<16xf32>
        %add3A_88 = arith.addf %get3A_83, %get3A_87 : vector<16xf32>
        %max3A = arith.constant 0.000000e+00 : f32
        %max3A_89 = vector.broadcast %max3A : f32 to vector<16xf32>
        %max3A_90 = arith.maximumf %add3A_88, %max3A_89 : vector<16xf32>
        %swap3A = arith.index_cast %scan3A_79 : i32 to index
        %swap3A_91 = arith.constant 0 : index
        %swap3A_92 = tpu.vector_load %arg9[%swap3A, %swap3A_91] {strides = array<i32>} : memref<80x128xf32, #tpu.memory_space<vmem>>, vector<1x16xf32>,
        %swap3A_93 = vector.shape_cast %swap3A_92 : vector<1x16xf32> to vector<16xf32>
        %swap3A_94 = vector.shape_cast %max3A_90 : vector<16xf32> to vector<1x16xf32>
        tpu.vector_store %arg9[%swap3A, %swap3A_91], %swap3A_94 {strides = array<i32>} : memref<80x128xf32, #tpu.memory_space<vmem>>, vector<1x16xf32>,
        %get3A_95 = arith.index_cast %scan3A_79 : i32 to index
        %get3A_96 = arith.constant 16 : index
        %get3A_97 = tpu.vector_load %arg9[%get3A_95, %get3A_96] {strides = array<i32>} : memref<80x128xf32, #tpu.memory_space<vmem>>, vector<1x16xf32>,
        %get3A_98 = vector.shape_cast %get3A_97 : vector<1x16xf32> to vector<16xf32>
        %get3A_99 = arith.index_cast %scan3A_79 : i32 to index
        %get3A_100 = arith.constant 16 : index
        %get3A_101 = tpu.vector_load %arg10[%get3A_99, %get3A_100] {strides = array<i32>} : memref<80x128xf32, #tpu.memory_space<vmem>>, vector<1x16xf32>,
        %get3A_102 = vector.shape_cast %get3A_101 : vector<1x16xf32> to vector<16xf32>
        %add3A_103 = arith.addf %get3A_98, %get3A_102 : vector<16xf32>
        %max3A_104 = arith.constant 0.000000e+00 : f32
        %max3A_105 = vector.broadcast %max3A_104 : f32 to vector<16xf32>
        %max3A_106 = arith.maximumf %add3A_103, %max3A_105 : vector<16xf32>
        %swap3A_107 = arith.index_cast %scan3A_79 : i32 to index
        %swap3A_108 = arith.constant 16 : index
        %swap3A_109 = tpu.vector_load %arg9[%swap3A_107, %swap3A_108] {strides = array<i32>} : memref<80x128xf32, #tpu.memory_space<vmem>>, vector<1x16xf32>,
        %swap3A_110 = vector.shape_cast %swap3A_109 : vector<1x16xf32> to vector<16xf32>
        %swap3A_111 = vector.shape_cast %max3A_106 : vector<16xf32> to vector<1x16xf32>
        tpu.vector_store %arg9[%swap3A_107, %swap3A_108], %swap3A_111 {strides = array<i32>} : memref<80x128xf32, #tpu.memory_space<vmem>>, vector<1x16xf32>,
        %get3A_112 = arith.index_cast %scan3A_79 : i32 to index
        %get3A_113 = arith.constant 32 : index
        %get3A_114 = tpu.vector_load %arg9[%get3A_112, %get3A_113] {strides = array<i32>} : memref<80x128xf32, #tpu.memory_space<vmem>>, vector<1x16xf32>,
        %get3A_115 = vector.shape_cast %get3A_114 : vector<1x16xf32> to vector<16xf32>
        %get3A_116 = arith.index_cast %scan3A_79 : i32 to index
        %get3A_117 = arith.constant 32 : index
        %get3A_118 = tpu.vector_load %arg10[%get3A_116, %get3A_117] {strides = array<i32>} : memref<80x128xf32, #tpu.memory_space<vmem>>, vector<1x16xf32>,
        %get3A_119 = vector.shape_cast %get3A_118 : vector<1x16xf32> to vector<16xf32>
        %add3A_120 = arith.addf %get3A_115, %get3A_119 : vector<16xf32>
        %max3A_121 = arith.constant 0.000000e+00 : f32
        %max3A_122 = vector.broadcast %max3A_121 : f32 to vector<16xf32>
        %max3A_123 = arith.maximumf %add3A_120, %max3A_122 : vector<16xf32>
        %swap3A_124 = arith.index_cast %scan3A_79 : i32 to index
        %swap3A_125 = arith.constant 32 : index
        %swap3A_126 = tpu.vector_load %arg9[%swap3A_124, %swap3A_125] {strides = array<i32>} : memref<80x128xf32, #tpu.memory_space<vmem>>, vector<1x16xf32>,
        %swap3A_127 = vector.shape_cast %swap3A_126 : vector<1x16xf32> to vector<16xf32>
        %swap3A_128 = vector.shape_cast %max3A_123 : vector<16xf32> to vector<1x16xf32>
        tpu.vector_store %arg9[%swap3A_124, %swap3A_125], %swap3A_128 {strides = array<i32>} : memref<80x128xf32, #tpu.memory_space<vmem>>, vector<1x16xf32>,
        %get3A_129 = arith.index_cast %scan3A_79 : i32 to index
        %get3A_130 = arith.constant 48 : index
        %get3A_131 = tpu.vector_load %arg9[%get3A_129, %get3A_130] {strides = array<i32>} : memref<80x128xf32, #tpu.memory_space<vmem>>, vector<1x16xf32>,
        %get3A_132 = vector.shape_cast %get3A_131 : vector<1x16xf32> to vector<16xf32>
        %get3A_133 = arith.index_cast %scan3A_79 : i32 to index
        %get3A_134 = arith.constant 48 : index
        %get3A_135 = tpu.vector_load %arg10[%get3A_133, %get3A_134] {strides = array<i32>} : memref<80x128xf32, #tpu.memory_space<vmem>>, vector<1x16xf32>,
        %get3A_136 = vector.shape_cast %get3A_135 : vector<1x16xf32> to vector<16xf32>
        %add3A_137 = arith.addf %get3A_132, %get3A_136 : vector<16xf32>
        %max3A_138 = arith.constant 0.000000e+00 : f32
        %max3A_139 = vector.broadcast %max3A_138 : f32 to vector<16xf32>
        %max3A_140 = arith.maximumf %add3A_137, %max3A_139 : vector<16xf32>
        %swap3A_141 = arith.index_cast %scan3A_79 : i32 to index
        %swap3A_142 = arith.constant 48 : index
        %swap3A_143 = tpu.vector_load %arg9[%swap3A_141, %swap3A_142] {strides = array<i32>} : memref<80x128xf32, #tpu.memory_space<vmem>>, vector<1x16xf32>,
        %swap3A_144 = vector.shape_cast %swap3A_143 : vector<1x16xf32> to vector<16xf32>
        %swap3A_145 = vector.shape_cast %max3A_140 : vector<16xf32> to vector<1x16xf32>
        tpu.vector_store %arg9[%swap3A_141, %swap3A_142], %swap3A_145 {strides = array<i32>} : memref<80x128xf32, #tpu.memory_space<vmem>>, vector<1x16xf32>,
        %get3A_146 = arith.index_cast %scan3A_79 : i32 to index
        %get3A_147 = arith.constant 64 : index
        %get3A_148 = tpu.vector_load %arg9[%get3A_146, %get3A_147] {strides = array<i32>} : memref<80x128xf32, #tpu.memory_space<vmem>>, vector<1x16xf32>,
        %get3A_149 = vector.shape_cast %get3A_148 : vector<1x16xf32> to vector<16xf32>
        %get3A_150 = arith.index_cast %scan3A_79 : i32 to index
        %get3A_151 = arith.constant 64 : index
        %get3A_152 = tpu.vector_load %arg10[%get3A_150, %get3A_151] {strides = array<i32>} : memref<80x128xf32, #tpu.memory_space<vmem>>, vector<1x16xf32>,
        %get3A_153 = vector.shape_cast %get3A_152 : vector<1x16xf32> to vector<16xf32>
        %add3A_154 = arith.addf %get3A_149, %get3A_153 : vector<16xf32>
        %max3A_155 = arith.constant 0.000000e+00 : f32
        %max3A_156 = vector.broadcast %max3A_155 : f32 to vector<16xf32>
        %max3A_157 = arith.maximumf %add3A_154, %max3A_156 : vector<16xf32>
        %swap3A_158 = arith.index_cast %scan3A_79 : i32 to index
        %swap3A_159 = arith.constant 64 : index
        %swap3A_160 = tpu.vector_load %arg9[%swap3A_158, %swap3A_159] {strides = array<i32>} : memref<80x128xf32, #tpu.memory_space<vmem>>, vector<1x16xf32>,
        %swap3A_161 = vector.shape_cast %swap3A_160 : vector<1x16xf32> to vector<16xf32>
        %swap3A_162 = vector.shape_cast %max3A_157 : vector<16xf32> to vector<1x16xf32>
        tpu.vector_store %arg9[%swap3A_158, %swap3A_159], %swap3A_162 {strides = array<i32>} : memref<80x128xf32, #tpu.memory_space<vmem>>, vector<1x16xf32>,
        %get3A_163 = arith.index_cast %scan3A_79 : i32 to index
        %get3A_164 = arith.constant 80 : index
        %get3A_165 = tpu.vector_load %arg9[%get3A_163, %get3A_164] {strides = array<i32>} : memref<80x128xf32, #tpu.memory_space<vmem>>, vector<1x16xf32>,
        %get3A_166 = vector.shape_cast %get3A_165 : vector<1x16xf32> to vector<16xf32>
        %get3A_167 = arith.index_cast %scan3A_79 : i32 to index
        %get3A_168 = arith.constant 80 : index
        %get3A_169 = tpu.vector_load %arg10[%get3A_167, %get3A_168] {strides = array<i32>} : memref<80x128xf32, #tpu.memory_space<vmem>>, vector<1x16xf32>,
        %get3A_170 = vector.shape_cast %get3A_169 : vector<1x16xf32> to vector<16xf32>
        %add3A_171 = arith.addf %get3A_166, %get3A_170 : vector<16xf32>
        %max3A_172 = arith.constant 0.000000e+00 : f32
        %max3A_173 = vector.broadcast %max3A_172 : f32 to vector<16xf32>
        %max3A_174 = arith.maximumf %add3A_171, %max3A_173 : vector<16xf32>
        %swap3A_175 = arith.index_cast %scan3A_79 : i32 to index
        %swap3A_176 = arith.constant 80 : index
        %swap3A_177 = tpu.vector_load %arg9[%swap3A_175, %swap3A_176] {strides = array<i32>} : memref<80x128xf32, #tpu.memory_space<vmem>>, vector<1x16xf32>,
        %swap3A_178 = vector.shape_cast %swap3A_177 : vector<1x16xf32> to vector<16xf32>
        %swap3A_179 = vector.shape_cast %max3A_174 : vector<16xf32> to vector<1x16xf32>
        tpu.vector_store %arg9[%swap3A_175, %swap3A_176], %swap3A_179 {strides = array<i32>} : memref<80x128xf32, #tpu.memory_space<vmem>>, vector<1x16xf32>,
        %get3A_180 = arith.index_cast %scan3A_79 : i32 to index
        %get3A_181 = arith.constant 96 : index
        %get3A_182 = tpu.vector_load %arg9[%get3A_180, %get3A_181] {strides = array<i32>} : memref<80x128xf32, #tpu.memory_space<vmem>>, vector<1x16xf32>,
        %get3A_183 = vector.shape_cast %get3A_182 : vector<1x16xf32> to vector<16xf32>
        %get3A_184 = arith.index_cast %scan3A_79 : i32 to index
        %get3A_185 = arith.constant 96 : index
        %get3A_186 = tpu.vector_load %arg10[%get3A_184, %get3A_185] {strides = array<i32>} : memref<80x128xf32, #tpu.memory_space<vmem>>, vector<1x16xf32>,
        %get3A_187 = vector.shape_cast %get3A_186 : vector<1x16xf32> to vector<16xf32>
        %add3A_188 = arith.addf %get3A_183, %get3A_187 : vector<16xf32>
        %max3A_189 = arith.constant 0.000000e+00 : f32
        %max3A_190 = vector.broadcast %max3A_189 : f32 to vector<16xf32>
        %max3A_191 = arith.maximumf %add3A_188, %max3A_190 : vector<16xf32>
        %swap3A_192 = arith.index_cast %scan3A_79 : i32 to index
        %swap3A_193 = arith.constant 96 : index
        %swap3A_194 = tpu.vector_load %arg9[%swap3A_192, %swap3A_193] {strides = array<i32>} : memref<80x128xf32, #tpu.memory_space<vmem>>, vector<1x16xf32>,
        %swap3A_195 = vector.shape_cast %swap3A_194 : vector<1x16xf32> to vector<16xf32>
        %swap3A_196 = vector.shape_cast %max3A_191 : vector<16xf32> to vector<1x16xf32>
        tpu.vector_store %arg9[%swap3A_192, %swap3A_193], %swap3A_196 {strides = array<i32>} : memref<80x128xf32, #tpu.memory_space<vmem>>, vector<1x16xf32>,
        %get3A_197 = arith.index_cast %scan3A_79 : i32 to index
        %get3A_198 = arith.constant 112 : index
        %get3A_199 = tpu.vector_load %arg9[%get3A_197, %get3A_198] {strides = array<i32>} : memref<80x128xf32, #tpu.memory_space<vmem>>, vector<1x16xf32>,
        %get3A_200 = vector.shape_cast %get3A_199 : vector<1x16xf32> to vector<16xf32>
        %get3A_201 = arith.index_cast %scan3A_79 : i32 to index
        %get3A_202 = arith.constant 112 : index
        %get3A_203 = tpu.vector_load %arg10[%get3A_201, %get3A_202] {strides = array<i32>} : memref<80x128xf32, #tpu.memory_space<vmem>>, vector<1x16xf32>,
        %get3A_204 = vector.shape_cast %get3A_203 : vector<1x16xf32> to vector<16xf32>
        %add3A_205 = arith.addf %get3A_200, %get3A_204 : vector<16xf32>
        %max3A_206 = arith.constant 0.000000e+00 : f32
        %max3A_207 = vector.broadcast %max3A_206 : f32 to vector<16xf32>
        %max3A_208 = arith.maximumf %add3A_205, %max3A_207 : vector<16xf32>
        %swap3A_209 = arith.index_cast %scan3A_79 : i32 to index
        %swap3A_210 = arith.constant 112 : index
        %swap3A_211 = tpu.vector_load %arg9[%swap3A_209, %swap3A_210] {strides = array<i32>} : memref<80x128xf32, #tpu.memory_space<vmem>>, vector<1x16xf32>,
        %swap3A_212 = vector.shape_cast %swap3A_211 : vector<1x16xf32> to vector<16xf32>
        %swap3A_213 = vector.shape_cast %max3A_208 : vector<16xf32> to vector<1x16xf32>
        tpu.vector_store %arg9[%swap3A_209, %swap3A_210], %swap3A_213 {strides = array<i32>} : memref<80x128xf32, #tpu.memory_space<vmem>>, vector<1x16xf32>,
        %scan3A_214 = arith.constant 0 : i32
        scf.yield %scan3A_214 : i32
      }
      %scan3A_77 = arith.constant 80 : i32
      "tpu.region"() ({
        %run_scoped3A = tpu.sem_alloc : memref<!tpu.dma_semaphore, #tpu.memory_space<semaphore_mem>>
        %dma_start3A_79 = arith.constant 0 : i32
        %dma_start3A_80 = arith.constant 0 : i32
        %dma_start3A_81 = tpu.memref_slice %arg12[%dma_start3A_79, %dma_start3A_80] : memref<10000x128xf32, #tpu.memory_space<vmem_shared>> -> memref<10000x128xf32, #tpu.memory_space<vmem_shared>>
        tpu.enqueue_indirect_dma source(%arg9 : memref<80x128xf32, #tpu.memory_space<vmem>>) target(%dma_start3A_81 : memref<10000x128xf32, #tpu.memory_space<vmem_shared>>) offsets(%arg8 : memref<80xi32, #tpu.memory_space<vmem>>) semaphore(%run_scoped3A : memref<!tpu.dma_semaphore, #tpu.memory_space<semaphore_mem>>) {add = true}
        %dma_wait3A_82 = arith.constant 0 : i32
        %dma_wait3A_83 = arith.constant 0 : i32
        %dma_wait3A_84 = tpu.memref_slice %arg12[%dma_wait3A_82, %dma_wait3A_83] : memref<10000x128xf32, #tpu.memory_space<vmem_shared>> -> memref<10000x128xf32, #tpu.memory_space<vmem_shared>>
        tpu.wait_indirect_dma semaphore(%run_scoped3A : memref<!tpu.dma_semaphore, #tpu.memory_space<semaphore_mem>>) src(%arg9 : memref<80x128xf32, #tpu.memory_space<vmem>>) dst(%dma_wait3A_84 : memref<10000x128xf32, #tpu.memory_space<vmem_shared>>)
        tpu.yield
      }) : () -> ()
      %scan3A_78 = arith.constant 0 : i32
      scf.yield %scan3A_78 : i32
    }
    %scan3A_46 = arith.constant 125 : i32
    %barrier3A_47 = arith.constant 0 : index
    tpu.barrier barrier_id(%barrier3A_47)
    %while3A_48 = arith.constant 0 : i32
    %while3A_49 = arith.constant 0 : i32
    %while3A_50 = arith.subi %select_n3A, %while3A_48 : i32
    %while3A_51 = arith.addi %while3A_48, %while3A_50 : i32
    %while3A_52 = arith.constant 1 : i32
    %while3A_53 = arith.divsi %while3A_50, %while3A_52 : i32
    %while3A_54 = arith.muli %while3A_53, %while3A_52 : i32
    %while3A_55 = arith.addi %while3A_48, %while3A_54 : i32
    %while3A_56 = arith.constant 1 : i32
    %while3A_57 = scf.for %while3A_60 = %while3A_48 to %while3A_55 step %while3A_56 iter_args(%while3A_61 = %while3A_49) -> (i32)  : i32 {
      %mul3A_62 = arith.constant 16 : i32
      %mul3A_63 = arith.muli %while3A_60, %mul3A_62 : i32
      %add3A_64 = arith.addi %mul3A_63, %arg1 : i32
      %mul3A_65 = arith.constant 80 : i32
      %mul3A_66 = arith.muli %add3A_64, %mul3A_65 : i32
      "tpu.region"() ({
        %run_scoped3A = tpu.sem_alloc : memref<!tpu.dma_semaphore, #tpu.memory_space<semaphore_mem>>
        %dma_start3A = arith.constant 0 : i32
        %dma_start3A_68 = tpu.memref_slice %arg12[%mul3A_66, %dma_start3A] : memref<10000x128xf32, #tpu.memory_space<vmem_shared>> -> memref<80x128xf32, #tpu.memory_space<vmem_shared>>
        %dma_start3A_69 = arith.constant 0 : i32
        %dma_start3A_70 = tpu.memref_slice %arg12[%mul3A_66, %dma_start3A_69] : memref<10000x128xf32, #tpu.memory_space<vmem_shared>> -> memref<80x128xf32, #tpu.memory_space<vmem_shared>>
        tpu.enqueue_dma source(%dma_start3A_70 : memref<80x128xf32, #tpu.memory_space<vmem_shared>>) target(%arg11 : memref<80x128xf32, #tpu.memory_space<vmem>>) target_semaphore(%run_scoped3A : memref<!tpu.dma_semaphore, #tpu.memory_space<semaphore_mem>>)
        %dma_wait3A = arith.constant 0 : i32
        %dma_wait3A_71 = tpu.memref_slice %arg12[%mul3A_66, %dma_wait3A] : memref<10000x128xf32, #tpu.memory_space<vmem_shared>> -> memref<80x128xf32, #tpu.memory_space<vmem_shared>>
        %dma_wait3A_72 = arith.constant 0 : i32
        %dma_wait3A_73 = tpu.memref_slice %arg12[%mul3A_66, %dma_wait3A_72] : memref<10000x128xf32, #tpu.memory_space<vmem_shared>> -> memref<80x128xf32, #tpu.memory_space<vmem_shared>>
        tpu.wait_dma2 semaphore(%run_scoped3A : memref<!tpu.dma_semaphore, #tpu.memory_space<semaphore_mem>>) src(%dma_wait3A_73 : memref<80x128xf32, #tpu.memory_space<vmem_shared>>) dst(%arg11 : memref<80x128xf32, #tpu.memory_space<vmem>>)
        tpu.yield
      }) : () -> ()
      "tpu.region"() ({
        %run_scoped3A = tpu.sem_alloc : memref<!tpu.dma_semaphore, #tpu.memory_space<semaphore_mem>>
        %dma_start3A = arith.constant 0 : i32
        %dma_start3A_68 = tpu.memref_slice %arg6[%arg0, %mul3A_66, %dma_start3A] : memref<2x10000x128xf32, #tpu.memory_space<hbm>> -> memref<1x80x128xf32, #tpu.memory_space<hbm>>
        %dma_start3A_69 = tpu.memref_squeeze %dma_start3A_68 : memref<1x80x128xf32, #tpu.memory_space<hbm>> -> memref<80x128xf32, #tpu.memory_space<hbm>>
        %dma_start3A_70 = arith.constant 0 : i32
        %dma_start3A_71 = tpu.memref_slice %arg6[%arg0, %mul3A_66, %dma_start3A_70] : memref<2x10000x128xf32, #tpu.memory_space<hbm>> -> memref<1x80x128xf32, #tpu.memory_space<hbm>>
        %dma_start3A_72 = tpu.memref_squeeze %dma_start3A_71 : memref<1x80x128xf32, #tpu.memory_space<hbm>> -> memref<80x128xf32, #tpu.memory_space<hbm>>
        tpu.enqueue_dma source(%arg11 : memref<80x128xf32, #tpu.memory_space<vmem>>) target(%dma_start3A_72 : memref<80x128xf32, #tpu.memory_space<hbm>>) target_semaphore(%run_scoped3A : memref<!tpu.dma_semaphore, #tpu.memory_space<semaphore_mem>>)
        %dma_wait3A = arith.constant 0 : i32
        %dma_wait3A_73 = tpu.memref_slice %arg6[%arg0, %mul3A_66, %dma_wait3A] : memref<2x10000x128xf32, #tpu.memory_space<hbm>> -> memref<1x80x128xf32, #tpu.memory_space<hbm>>
        %dma_wait3A_74 = tpu.memref_squeeze %dma_wait3A_73 : memref<1x80x128xf32, #tpu.memory_space<hbm>> -> memref<80x128xf32, #tpu.memory_space<hbm>>
        %dma_wait3A_75 = arith.constant 0 : i32
        %dma_wait3A_76 = tpu.memref_slice %arg6[%arg0, %mul3A_66, %dma_wait3A_75] : memref<2x10000x128xf32, #tpu.memory_space<hbm>> -> memref<1x80x128xf32, #tpu.memory_space<hbm>>
        %dma_wait3A_77 = tpu.memref_squeeze %dma_wait3A_76 : memref<1x80x128xf32, #tpu.memory_space<hbm>> -> memref<80x128xf32, #tpu.memory_space<hbm>>
        tpu.wait_dma2 semaphore(%run_scoped3A : memref<!tpu.dma_semaphore, #tpu.memory_space<semaphore_mem>>) src(%arg11 : memref<80x128xf32, #tpu.memory_space<vmem>>) dst(%dma_wait3A_77 : memref<80x128xf32, #tpu.memory_space<hbm>>)
        tpu.yield
      }) : () -> ()
      %while3A_67 = arith.constant 0 : i32
      scf.yield %while3A_67 : i32
    }
    %while3A_58 = arith.constant 1 : i32
    %while3A_59 = scf.for %while3A_60 = %while3A_55 to %while3A_51 step %while3A_58 iter_args(%while3A_61 = %while3A_57) -> (i32)  : i32 {
      %mul3A_62 = arith.constant 16 : i32
      %mul3A_63 = arith.muli %while3A_60, %mul3A_62 : i32
      %add3A_64 = arith.addi %mul3A_63, %arg1 : i32
      %mul3A_65 = arith.constant 80 : i32
      %mul3A_66 = arith.muli %add3A_64, %mul3A_65 : i32
      "tpu.region"() ({
        %run_scoped3A = tpu.sem_alloc : memref<!tpu.dma_semaphore, #tpu.memory_space<semaphore_mem>>
        %dma_start3A = arith.constant 0 : i32
        %dma_start3A_68 = tpu.memref_slice %arg12[%mul3A_66, %dma_start3A] : memref<10000x128xf32, #tpu.memory_space<vmem_shared>> -> memref<80x128xf32, #tpu.memory_space<vmem_shared>>
        %dma_start3A_69 = arith.constant 0 : i32
        %dma_start3A_70 = tpu.memref_slice %arg12[%mul3A_66, %dma_start3A_69] : memref<10000x128xf32, #tpu.memory_space<vmem_shared>> -> memref<80x128xf32, #tpu.memory_space<vmem_shared>>
        tpu.enqueue_dma source(%dma_start3A_70 : memref<80x128xf32, #tpu.memory_space<vmem_shared>>) target(%arg11 : memref<80x128xf32, #tpu.memory_space<vmem>>) target_semaphore(%run_scoped3A : memref<!tpu.dma_semaphore, #tpu.memory_space<semaphore_mem>>)
        %dma_wait3A = arith.constant 0 : i32
        %dma_wait3A_71 = tpu.memref_slice %arg12[%mul3A_66, %dma_wait3A] : memref<10000x128xf32, #tpu.memory_space<vmem_shared>> -> memref<80x128xf32, #tpu.memory_space<vmem_shared>>
        %dma_wait3A_72 = arith.constant 0 : i32
        %dma_wait3A_73 = tpu.memref_slice %arg12[%mul3A_66, %dma_wait3A_72] : memref<10000x128xf32, #tpu.memory_space<vmem_shared>> -> memref<80x128xf32, #tpu.memory_space<vmem_shared>>
        tpu.wait_dma2 semaphore(%run_scoped3A : memref<!tpu.dma_semaphore, #tpu.memory_space<semaphore_mem>>) src(%dma_wait3A_73 : memref<80x128xf32, #tpu.memory_space<vmem_shared>>) dst(%arg11 : memref<80x128xf32, #tpu.memory_space<vmem>>)
        tpu.yield
      }) : () -> ()
      "tpu.region"() ({
        %run_scoped3A = tpu.sem_alloc : memref<!tpu.dma_semaphore, #tpu.memory_space<semaphore_mem>>
        %dma_start3A = arith.constant 0 : i32
        %dma_start3A_68 = tpu.memref_slice %arg6[%arg0, %mul3A_66, %dma_start3A] : memref<2x10000x128xf32, #tpu.memory_space<hbm>> -> memref<1x80x128xf32, #tpu.memory_space<hbm>>
        %dma_start3A_69 = tpu.memref_squeeze %dma_start3A_68 : memref<1x80x128xf32, #tpu.memory_space<hbm>> -> memref<80x128xf32, #tpu.memory_space<hbm>>
        %dma_start3A_70 = arith.constant 0 : i32
        %dma_start3A_71 = tpu.memref_slice %arg6[%arg0, %mul3A_66, %dma_start3A_70] : memref<2x10000x128xf32, #tpu.memory_space<hbm>> -> memref<1x80x128xf32, #tpu.memory_space<hbm>>
        %dma_start3A_72 = tpu.memref_squeeze %dma_start3A_71 : memref<1x80x128xf32, #tpu.memory_space<hbm>> -> memref<80x128xf32, #tpu.memory_space<hbm>>
        tpu.enqueue_dma source(%arg11 : memref<80x128xf32, #tpu.memory_space<vmem>>) target(%dma_start3A_72 : memref<80x128xf32, #tpu.memory_space<hbm>>) target_semaphore(%run_scoped3A : memref<!tpu.dma_semaphore, #tpu.memory_space<semaphore_mem>>)
        %dma_wait3A = arith.constant 0 : i32
        %dma_wait3A_73 = tpu.memref_slice %arg6[%arg0, %mul3A_66, %dma_wait3A] : memref<2x10000x128xf32, #tpu.memory_space<hbm>> -> memref<1x80x128xf32, #tpu.memory_space<hbm>>
        %dma_wait3A_74 = tpu.memref_squeeze %dma_wait3A_73 : memref<1x80x128xf32, #tpu.memory_space<hbm>> -> memref<80x128xf32, #tpu.memory_space<hbm>>
        %dma_wait3A_75 = arith.constant 0 : i32
        %dma_wait3A_76 = tpu.memref_slice %arg6[%arg0, %mul3A_66, %dma_wait3A_75] : memref<2x10000x128xf32, #tpu.memory_space<hbm>> -> memref<1x80x128xf32, #tpu.memory_space<hbm>>
        %dma_wait3A_77 = tpu.memref_squeeze %dma_wait3A_76 : memref<1x80x128xf32, #tpu.memory_space<hbm>> -> memref<80x128xf32, #tpu.memory_space<hbm>>
        tpu.wait_dma2 semaphore(%run_scoped3A : memref<!tpu.dma_semaphore, #tpu.memory_space<semaphore_mem>>) src(%arg11 : memref<80x128xf32, #tpu.memory_space<vmem>>) dst(%dma_wait3A_77 : memref<80x128xf32, #tpu.memory_space<hbm>>)
        tpu.yield
      }) : () -> ()
      %while3A_67 = arith.constant 0 : i32
      scf.yield %while3A_67 : i32
    }
    return
  }
}

#map = affine_map<(d0, d1) -> (0, 0)>
#map1 = affine_map<(d0, d1) -> (0)>
#map2 = affine_map<(d0, d1) -> (0, 0, 0)>
module attributes {stable_mosaic.version = 14 : i64} {
  func.func @_sc_body(%arg0: i32, %arg1: i32, %arg2: memref<10000x128xf32, #tpu.memory_space<hbm>>, %arg3: memref<320000x128xf32, #tpu.memory_space<hbm>>, %arg4: memref<320000xi32, #tpu.memory_space<hbm>>, %arg5: memref<320000xi32, #tpu.memory_space<hbm>>, %arg6: memref<2x10000x128xf32, #tpu.memory_space<hbm>>, %arg7: memref<80xi32, #tpu.memory_space<vmem>>, %arg8: memref<80xi32, #tpu.memory_space<vmem>>, %arg9: memref<80x128xf32, #tpu.memory_space<vmem>>, %arg10: memref<80x128xf32, #tpu.memory_space<vmem>>, %arg11: memref<80x128xf32, #tpu.memory_space<vmem>>, %arg12: memref<10000x128xf32, #tpu.memory_space<vmem_shared>>, %arg13: memref<!tpu.dma_semaphore, #tpu.memory_space<semaphore_mem>>) attributes {dimension_semantics = [#tpu.dimension_semantics<core_parallel>, #tpu.dimension_semantics<subcore_parallel>], iteration_bounds = array<i64: 2, 16>, scalar_prefetch = 0 : i64, scratch_operands = 7 : i64, tpu.core_type = #tpu.core_type<sc_vector_subcore>, window_params = [{transform_indices = #map}, {transform_indices = #map}, {transform_indices = #map1}, {transform_indices = #map1}, {transform_indices = #map2}]} {
    %mul3A = arith.constant 2 : i32
    %mul3A_0 = arith.muli %arg1, %mul3A : i32
    %add3A = arith.addi %mul3A_0, %arg0 : i32
    %scan3A = arith.constant 0 : i32
    %scan3A_1 = arith.constant 0 : i32
    %scan3A_2 = arith.constant 80 : i32
    %scan3A_3 = arith.addi %scan3A_1, %scan3A_2 : i32
    %scan3A_4 = arith.constant 1 : i32
    %scan3A_5 = scf.for %scan3A_60 = %scan3A_1 to %scan3A_3 step %scan3A_4 iter_args(%scan3A_61 = %scan3A) -> (i32)  : i32 {
      %broadcast_in_dim3A = arith.constant 0.000000e+00 : f32
      %broadcast_in_dim3A_62 = vector.broadcast %broadcast_in_dim3A : f32 to vector<16xf32>
      %swap3A = arith.index_cast %scan3A_60 : i32 to index
      %swap3A_63 = arith.constant 0 : index
      %swap3A_64 = tpu.vector_load %arg11[%swap3A, %swap3A_63] {strides = array<i32>} : memref<80x128xf32, #tpu.memory_space<vmem>>, vector<1x16xf32>,
      %swap3A_65 = vector.shape_cast %swap3A_64 : vector<1x16xf32> to vector<16xf32>
      %swap3A_66 = vector.shape_cast %broadcast_in_dim3A_62 : vector<16xf32> to vector<1x16xf32>
      tpu.vector_store %arg11[%swap3A, %swap3A_63], %swap3A_66 {strides = array<i32>} : memref<80x128xf32, #tpu.memory_space<vmem>>, vector<1x16xf32>,
      %broadcast_in_dim3A_67 = arith.constant 0.000000e+00 : f32
      %broadcast_in_dim3A_68 = vector.broadcast %broadcast_in_dim3A_67 : f32 to vector<16xf32>
      %swap3A_69 = arith.index_cast %scan3A_60 : i32 to index
      %swap3A_70 = arith.constant 16 : index
      %swap3A_71 = tpu.vector_load %arg11[%swap3A_69, %swap3A_70] {strides = array<i32>} : memref<80x128xf32, #tpu.memory_space<vmem>>, vector<1x16xf32>,
      %swap3A_72 = vector.shape_cast %swap3A_71 : vector<1x16xf32> to vector<16xf32>
      %swap3A_73 = vector.shape_cast %broadcast_in_dim3A_68 : vector<16xf32> to vector<1x16xf32>
      tpu.vector_store %arg11[%swap3A_69, %swap3A_70], %swap3A_73 {strides = array<i32>} : memref<80x128xf32, #tpu.memory_space<vmem>>, vector<1x16xf32>,
      %broadcast_in_dim3A_74 = arith.constant 0.000000e+00 : f32
      %broadcast_in_dim3A_75 = vector.broadcast %broadcast_in_dim3A_74 : f32 to vector<16xf32>
      %swap3A_76 = arith.index_cast %scan3A_60 : i32 to index
      %swap3A_77 = arith.constant 32 : index
      %swap3A_78 = tpu.vector_load %arg11[%swap3A_76, %swap3A_77] {strides = array<i32>} : memref<80x128xf32, #tpu.memory_space<vmem>>, vector<1x16xf32>,
      %swap3A_79 = vector.shape_cast %swap3A_78 : vector<1x16xf32> to vector<16xf32>
      %swap3A_80 = vector.shape_cast %broadcast_in_dim3A_75 : vector<16xf32> to vector<1x16xf32>
      tpu.vector_store %arg11[%swap3A_76, %swap3A_77], %swap3A_80 {strides = array<i32>} : memref<80x128xf32, #tpu.memory_space<vmem>>, vector<1x16xf32>,
      %broadcast_in_dim3A_81 = arith.constant 0.000000e+00 : f32
      %broadcast_in_dim3A_82 = vector.broadcast %broadcast_in_dim3A_81 : f32 to vector<16xf32>
      %swap3A_83 = arith.index_cast %scan3A_60 : i32 to index
      %swap3A_84 = arith.constant 48 : index
      %swap3A_85 = tpu.vector_load %arg11[%swap3A_83, %swap3A_84] {strides = array<i32>} : memref<80x128xf32, #tpu.memory_space<vmem>>, vector<1x16xf32>,
      %swap3A_86 = vector.shape_cast %swap3A_85 : vector<1x16xf32> to vector<16xf32>
      %swap3A_87 = vector.shape_cast %broadcast_in_dim3A_82 : vector<16xf32> to vector<1x16xf32>
      tpu.vector_store %arg11[%swap3A_83, %swap3A_84], %swap3A_87 {strides = array<i32>} : memref<80x128xf32, #tpu.memory_space<vmem>>, vector<1x16xf32>,
      %broadcast_in_dim3A_88 = arith.constant 0.000000e+00 : f32
      %broadcast_in_dim3A_89 = vector.broadcast %broadcast_in_dim3A_88 : f32 to vector<16xf32>
      %swap3A_90 = arith.index_cast %scan3A_60 : i32 to index
      %swap3A_91 = arith.constant 64 : index
      %swap3A_92 = tpu.vector_load %arg11[%swap3A_90, %swap3A_91] {strides = array<i32>} : memref<80x128xf32, #tpu.memory_space<vmem>>, vector<1x16xf32>,
      %swap3A_93 = vector.shape_cast %swap3A_92 : vector<1x16xf32> to vector<16xf32>
      %swap3A_94 = vector.shape_cast %broadcast_in_dim3A_89 : vector<16xf32> to vector<1x16xf32>
      tpu.vector_store %arg11[%swap3A_90, %swap3A_91], %swap3A_94 {strides = array<i32>} : memref<80x128xf32, #tpu.memory_space<vmem>>, vector<1x16xf32>,
      %broadcast_in_dim3A_95 = arith.constant 0.000000e+00 : f32
      %broadcast_in_dim3A_96 = vector.broadcast %broadcast_in_dim3A_95 : f32 to vector<16xf32>
      %swap3A_97 = arith.index_cast %scan3A_60 : i32 to index
      %swap3A_98 = arith.constant 80 : index
      %swap3A_99 = tpu.vector_load %arg11[%swap3A_97, %swap3A_98] {strides = array<i32>} : memref<80x128xf32, #tpu.memory_space<vmem>>, vector<1x16xf32>,
      %swap3A_100 = vector.shape_cast %swap3A_99 : vector<1x16xf32> to vector<16xf32>
      %swap3A_101 = vector.shape_cast %broadcast_in_dim3A_96 : vector<16xf32> to vector<1x16xf32>
      tpu.vector_store %arg11[%swap3A_97, %swap3A_98], %swap3A_101 {strides = array<i32>} : memref<80x128xf32, #tpu.memory_space<vmem>>, vector<1x16xf32>,
      %broadcast_in_dim3A_102 = arith.constant 0.000000e+00 : f32
      %broadcast_in_dim3A_103 = vector.broadcast %broadcast_in_dim3A_102 : f32 to vector<16xf32>
      %swap3A_104 = arith.index_cast %scan3A_60 : i32 to index
      %swap3A_105 = arith.constant 96 : index
      %swap3A_106 = tpu.vector_load %arg11[%swap3A_104, %swap3A_105] {strides = array<i32>} : memref<80x128xf32, #tpu.memory_space<vmem>>, vector<1x16xf32>,
      %swap3A_107 = vector.shape_cast %swap3A_106 : vector<1x16xf32> to vector<16xf32>
      %swap3A_108 = vector.shape_cast %broadcast_in_dim3A_103 : vector<16xf32> to vector<1x16xf32>
      tpu.vector_store %arg11[%swap3A_104, %swap3A_105], %swap3A_108 {strides = array<i32>} : memref<80x128xf32, #tpu.memory_space<vmem>>, vector<1x16xf32>,
      %broadcast_in_dim3A_109 = arith.constant 0.000000e+00 : f32
      %broadcast_in_dim3A_110 = vector.broadcast %broadcast_in_dim3A_109 : f32 to vector<16xf32>
      %swap3A_111 = arith.index_cast %scan3A_60 : i32 to index
      %swap3A_112 = arith.constant 112 : index
      %swap3A_113 = tpu.vector_load %arg11[%swap3A_111, %swap3A_112] {strides = array<i32>} : memref<80x128xf32, #tpu.memory_space<vmem>>, vector<1x16xf32>,
      %swap3A_114 = vector.shape_cast %swap3A_113 : vector<1x16xf32> to vector<16xf32>
      %swap3A_115 = vector.shape_cast %broadcast_in_dim3A_110 : vector<16xf32> to vector<1x16xf32>
      tpu.vector_store %arg11[%swap3A_111, %swap3A_112], %swap3A_115 {strides = array<i32>} : memref<80x128xf32, #tpu.memory_space<vmem>>, vector<1x16xf32>,
      %scan3A_116 = arith.constant 0 : i32
      scf.yield %scan3A_116 : i32
    }
    %scan3A_6 = arith.constant 80 : i32
    %sub3A = arith.constant 125 : i32
    %sub3A_7 = arith.subi %sub3A, %arg1 : i32
    %add3A_8 = arith.constant 16 : i32
    %add3A_9 = arith.addi %sub3A_7, %add3A_8 : i32
    %sub3A_10 = arith.constant 1 : i32
    %sub3A_11 = arith.subi %add3A_9, %sub3A_10 : i32
    %jit3A = arith.constant 16 : i32
    %div3A = arith.divsi %sub3A_11, %jit3A : i32
    %sign3A = arith.constant 0 : i32
    %sign3A_12 = arith.cmpi sgt, %sub3A_11, %sign3A : i32
    %sign3A_13 = arith.extui %sign3A_12 : i1 to i32
    %sign3A_14 = arith.constant 0 : i32
    %sign3A_15 = arith.cmpi slt, %sub3A_11, %sign3A_14 : i32
    %sign3A_16 = arith.extui %sign3A_15 : i1 to i32
    %sign3A_17 = arith.subi %sign3A_13, %sign3A_16 : i32
    %sign3A_18 = arith.constant 0 : i32
    %sign3A_19 = arith.cmpi sgt, %jit3A, %sign3A_18 : i32
    %sign3A_20 = arith.extui %sign3A_19 : i1 to i32
    %sign3A_21 = arith.constant 0 : i32
    %sign3A_22 = arith.cmpi slt, %jit3A, %sign3A_21 : i32
    %sign3A_23 = arith.extui %sign3A_22 : i1 to i32
    %sign3A_24 = arith.subi %sign3A_20, %sign3A_23 : i32
    %ne3A = arith.cmpi ne, %sign3A_17, %sign3A_24 : i32
    %rem3A = arith.remsi %sub3A_11, %jit3A : i32
    %ne3A_25 = arith.constant 0 : i32
    %ne3A_26 = arith.cmpi ne, %rem3A, %ne3A_25 : i32
    %and3A = arith.andi %ne3A, %ne3A_26 : i1
    %sub3A_27 = arith.constant 1 : i32
    %sub3A_28 = arith.subi %div3A, %sub3A_27 : i32
    %select_n3A = arith.select %and3A, %sub3A_28, %div3A : i32
    %while3A = arith.constant 0 : i32
    %while3A_29 = arith.constant 0 : i32
    %while3A_30 = arith.subi %select_n3A, %while3A : i32
    %while3A_31 = arith.addi %while3A, %while3A_30 : i32
    %while3A_32 = arith.constant 1 : i32
    %while3A_33 = arith.divsi %while3A_30, %while3A_32 : i32
    %while3A_34 = arith.muli %while3A_33, %while3A_32 : i32
    %while3A_35 = arith.addi %while3A, %while3A_34 : i32
    %while3A_36 = arith.constant 1 : i32
    %while3A_37 = scf.for %while3A_60 = %while3A to %while3A_35 step %while3A_36 iter_args(%while3A_61 = %while3A_29) -> (i32)  : i32 {
      %mul3A_62 = arith.constant 16 : i32
      %mul3A_63 = arith.muli %while3A_60, %mul3A_62 : i32
      %add3A_64 = arith.addi %mul3A_63, %arg1 : i32
      %mul3A_65 = arith.constant 80 : i32
      %mul3A_66 = arith.muli %add3A_64, %mul3A_65 : i32
      "tpu.region"() ({
        %run_scoped3A = tpu.sem_alloc : memref<!tpu.dma_semaphore, #tpu.memory_space<semaphore_mem>>
        %dma_start3A = arith.constant 0 : i32
        %dma_start3A_68 = tpu.memref_slice %arg12[%mul3A_66, %dma_start3A] : memref<10000x128xf32, #tpu.memory_space<vmem_shared>> -> memref<80x128xf32, #tpu.memory_space<vmem_shared>>
        %dma_start3A_69 = arith.constant 0 : i32
        %dma_start3A_70 = tpu.memref_slice %arg12[%mul3A_66, %dma_start3A_69] : memref<10000x128xf32, #tpu.memory_space<vmem_shared>> -> memref<80x128xf32, #tpu.memory_space<vmem_shared>>
        tpu.enqueue_dma source(%arg11 : memref<80x128xf32, #tpu.memory_space<vmem>>) target(%dma_start3A_70 : memref<80x128xf32, #tpu.memory_space<vmem_shared>>) target_semaphore(%run_scoped3A : memref<!tpu.dma_semaphore, #tpu.memory_space<semaphore_mem>>)
        %dma_wait3A = arith.constant 0 : i32
        %dma_wait3A_71 = tpu.memref_slice %arg12[%mul3A_66, %dma_wait3A] : memref<10000x128xf32, #tpu.memory_space<vmem_shared>> -> memref<80x128xf32, #tpu.memory_space<vmem_shared>>
        %dma_wait3A_72 = arith.constant 0 : i32
        %dma_wait3A_73 = tpu.memref_slice %arg12[%mul3A_66, %dma_wait3A_72] : memref<10000x128xf32, #tpu.memory_space<vmem_shared>> -> memref<80x128xf32, #tpu.memory_space<vmem_shared>>
        tpu.wait_dma2 semaphore(%run_scoped3A : memref<!tpu.dma_semaphore, #tpu.memory_space<semaphore_mem>>) src(%arg11 : memref<80x128xf32, #tpu.memory_space<vmem>>) dst(%dma_wait3A_73 : memref<80x128xf32, #tpu.memory_space<vmem_shared>>)
        tpu.yield
      }) : () -> ()
      %while3A_67 = arith.constant 0 : i32
      scf.yield %while3A_67 : i32
    }
    %while3A_38 = arith.constant 1 : i32
    %while3A_39 = scf.for %while3A_60 = %while3A_35 to %while3A_31 step %while3A_38 iter_args(%while3A_61 = %while3A_37) -> (i32)  : i32 {
      %mul3A_62 = arith.constant 16 : i32
      %mul3A_63 = arith.muli %while3A_60, %mul3A_62 : i32
      %add3A_64 = arith.addi %mul3A_63, %arg1 : i32
      %mul3A_65 = arith.constant 80 : i32
      %mul3A_66 = arith.muli %add3A_64, %mul3A_65 : i32
      "tpu.region"() ({
        %run_scoped3A = tpu.sem_alloc : memref<!tpu.dma_semaphore, #tpu.memory_space<semaphore_mem>>
        %dma_start3A = arith.constant 0 : i32
        %dma_start3A_68 = tpu.memref_slice %arg12[%mul3A_66, %dma_start3A] : memref<10000x128xf32, #tpu.memory_space<vmem_shared>> -> memref<80x128xf32, #tpu.memory_space<vmem_shared>>
        %dma_start3A_69 = arith.constant 0 : i32
        %dma_start3A_70 = tpu.memref_slice %arg12[%mul3A_66, %dma_start3A_69] : memref<10000x128xf32, #tpu.memory_space<vmem_shared>> -> memref<80x128xf32, #tpu.memory_space<vmem_shared>>
        tpu.enqueue_dma source(%arg11 : memref<80x128xf32, #tpu.memory_space<vmem>>) target(%dma_start3A_70 : memref<80x128xf32, #tpu.memory_space<vmem_shared>>) target_semaphore(%run_scoped3A : memref<!tpu.dma_semaphore, #tpu.memory_space<semaphore_mem>>)
        %dma_wait3A = arith.constant 0 : i32
        %dma_wait3A_71 = tpu.memref_slice %arg12[%mul3A_66, %dma_wait3A] : memref<10000x128xf32, #tpu.memory_space<vmem_shared>> -> memref<80x128xf32, #tpu.memory_space<vmem_shared>>
        %dma_wait3A_72 = arith.constant 0 : i32
        %dma_wait3A_73 = tpu.memref_slice %arg12[%mul3A_66, %dma_wait3A_72] : memref<10000x128xf32, #tpu.memory_space<vmem_shared>> -> memref<80x128xf32, #tpu.memory_space<vmem_shared>>
        tpu.wait_dma2 semaphore(%run_scoped3A : memref<!tpu.dma_semaphore, #tpu.memory_space<semaphore_mem>>) src(%arg11 : memref<80x128xf32, #tpu.memory_space<vmem>>) dst(%dma_wait3A_73 : memref<80x128xf32, #tpu.memory_space<vmem_shared>>)
        tpu.yield
      }) : () -> ()
      %while3A_67 = arith.constant 0 : i32
      scf.yield %while3A_67 : i32
    }
    %barrier3A = arith.constant 0 : index
    tpu.barrier barrier_id(%barrier3A)
    %scan3A_40 = arith.constant 0 : i32
    %scan3A_41 = arith.constant 0 : i32
    %scan3A_42 = arith.constant 125 : i32
    %scan3A_43 = arith.addi %scan3A_41, %scan3A_42 : i32
    %scan3A_44 = arith.constant 1 : i32
    %scan3A_45 = scf.for %scan3A_60 = %scan3A_41 to %scan3A_43 step %scan3A_44 iter_args(%scan3A_61 = %scan3A_40) -> (i32)  : i32 {
      %mul3A_62 = arith.constant 10000 : i32
      %mul3A_63 = arith.muli %add3A, %mul3A_62 : i32
      %mul3A_64 = arith.constant 80 : i32
      %mul3A_65 = arith.muli %scan3A_60, %mul3A_64 : i32
      %add3A_66 = arith.addi %mul3A_63, %mul3A_65 : i32
      "tpu.region"() ({
        %run_scoped3A = tpu.sem_alloc : memref<!tpu.dma_semaphore, #tpu.memory_space<semaphore_mem>>
        %dma_start3A_79 = tpu.memref_slice %arg4[%add3A_66] : memref<320000xi32, #tpu.memory_space<hbm>> -> memref<80xi32, #tpu.memory_space<hbm>>
        %dma_start3A_80 = tpu.memref_slice %arg4[%add3A_66] : memref<320000xi32, #tpu.memory_space<hbm>> -> memref<80xi32, #tpu.memory_space<hbm>>
        tpu.enqueue_dma source(%dma_start3A_80 : memref<80xi32, #tpu.memory_space<hbm>>) target(%arg7 : memref<80xi32, #tpu.memory_space<vmem>>) target_semaphore(%run_scoped3A : memref<!tpu.dma_semaphore, #tpu.memory_space<semaphore_mem>>)
        %dma_wait3A_81 = tpu.memref_slice %arg4[%add3A_66] : memref<320000xi32, #tpu.memory_space<hbm>> -> memref<80xi32, #tpu.memory_space<hbm>>
        %dma_wait3A_82 = tpu.memref_slice %arg4[%add3A_66] : memref<320000xi32, #tpu.memory_space<hbm>> -> memref<80xi32, #tpu.memory_space<hbm>>
        tpu.wait_dma2 semaphore(%run_scoped3A : memref<!tpu.dma_semaphore, #tpu.memory_space<semaphore_mem>>) src(%dma_wait3A_82 : memref<80xi32, #tpu.memory_space<hbm>>) dst(%arg7 : memref<80xi32, #tpu.memory_space<vmem>>)
        tpu.yield
      }) : () -> ()
      "tpu.region"() ({
        %run_scoped3A = tpu.sem_alloc : memref<!tpu.dma_semaphore, #tpu.memory_space<semaphore_mem>>
        %dma_start3A_79 = tpu.memref_slice %arg5[%add3A_66] : memref<320000xi32, #tpu.memory_space<hbm>> -> memref<80xi32, #tpu.memory_space<hbm>>
        %dma_start3A_80 = tpu.memref_slice %arg5[%add3A_66] : memref<320000xi32, #tpu.memory_space<hbm>> -> memref<80xi32, #tpu.memory_space<hbm>>
        tpu.enqueue_dma source(%dma_start3A_80 : memref<80xi32, #tpu.memory_space<hbm>>) target(%arg8 : memref<80xi32, #tpu.memory_space<vmem>>) target_semaphore(%run_scoped3A : memref<!tpu.dma_semaphore, #tpu.memory_space<semaphore_mem>>)
        %dma_wait3A_81 = tpu.memref_slice %arg5[%add3A_66] : memref<320000xi32, #tpu.memory_space<hbm>> -> memref<80xi32, #tpu.memory_space<hbm>>
        %dma_wait3A_82 = tpu.memref_slice %arg5[%add3A_66] : memref<320000xi32, #tpu.memory_space<hbm>> -> memref<80xi32, #tpu.memory_space<hbm>>
        tpu.wait_dma2 semaphore(%run_scoped3A : memref<!tpu.dma_semaphore, #tpu.memory_space<semaphore_mem>>) src(%dma_wait3A_82 : memref<80xi32, #tpu.memory_space<hbm>>) dst(%arg8 : memref<80xi32, #tpu.memory_space<vmem>>)
        tpu.yield
      }) : () -> ()
      %dma_start3A = arith.constant 0 : i32
      %dma_start3A_67 = arith.constant 0 : i32
      %dma_start3A_68 = tpu.memref_slice %arg2[%dma_start3A, %dma_start3A_67] : memref<10000x128xf32, #tpu.memory_space<hbm>> -> memref<10000x128xf32, #tpu.memory_space<hbm>>
      tpu.enqueue_indirect_dma source(%dma_start3A_68 : memref<10000x128xf32, #tpu.memory_space<hbm>>) target(%arg9 : memref<80x128xf32, #tpu.memory_space<vmem>>) offsets(%arg7 : memref<80xi32, #tpu.memory_space<vmem>>) semaphore(%arg13 : memref<!tpu.dma_semaphore, #tpu.memory_space<semaphore_mem>>)
      "tpu.region"() ({
        %run_scoped3A = tpu.sem_alloc : memref<!tpu.dma_semaphore, #tpu.memory_space<semaphore_mem>>
        %dma_start3A_79 = arith.constant 0 : i32
        %dma_start3A_80 = tpu.memref_slice %arg3[%add3A_66, %dma_start3A_79] : memref<320000x128xf32, #tpu.memory_space<hbm>> -> memref<80x128xf32, #tpu.memory_space<hbm>>
        %dma_start3A_81 = arith.constant 0 : i32
        %dma_start3A_82 = tpu.memref_slice %arg3[%add3A_66, %dma_start3A_81] : memref<320000x128xf32, #tpu.memory_space<hbm>> -> memref<80x128xf32, #tpu.memory_space<hbm>>
        tpu.enqueue_dma source(%dma_start3A_82 : memref<80x128xf32, #tpu.memory_space<hbm>>) target(%arg10 : memref<80x128xf32, #tpu.memory_space<vmem>>) target_semaphore(%run_scoped3A : memref<!tpu.dma_semaphore, #tpu.memory_space<semaphore_mem>>)
        %dma_wait3A_83 = arith.constant 0 : i32
        %dma_wait3A_84 = tpu.memref_slice %arg3[%add3A_66, %dma_wait3A_83] : memref<320000x128xf32, #tpu.memory_space<hbm>> -> memref<80x128xf32, #tpu.memory_space<hbm>>
        %dma_wait3A_85 = arith.constant 0 : i32
        %dma_wait3A_86 = tpu.memref_slice %arg3[%add3A_66, %dma_wait3A_85] : memref<320000x128xf32, #tpu.memory_space<hbm>> -> memref<80x128xf32, #tpu.memory_space<hbm>>
        tpu.wait_dma2 semaphore(%run_scoped3A : memref<!tpu.dma_semaphore, #tpu.memory_space<semaphore_mem>>) src(%dma_wait3A_86 : memref<80x128xf32, #tpu.memory_space<hbm>>) dst(%arg10 : memref<80x128xf32, #tpu.memory_space<vmem>>)
        tpu.yield
      }) : () -> ()
      %dma_wait3A = arith.constant 0 : i32
      %dma_wait3A_69 = arith.constant 0 : i32
      %dma_wait3A_70 = tpu.memref_slice %arg2[%dma_wait3A, %dma_wait3A_69] : memref<10000x128xf32, #tpu.memory_space<hbm>> -> memref<10000x128xf32, #tpu.memory_space<hbm>>
      tpu.wait_indirect_dma semaphore(%arg13 : memref<!tpu.dma_semaphore, #tpu.memory_space<semaphore_mem>>) src(%dma_wait3A_70 : memref<10000x128xf32, #tpu.memory_space<hbm>>) dst(%arg9 : memref<80x128xf32, #tpu.memory_space<vmem>>)
      %scan3A_71 = arith.constant 0 : i32
      %scan3A_72 = arith.constant 0 : i32
      %scan3A_73 = arith.constant 80 : i32
      %scan3A_74 = arith.addi %scan3A_72, %scan3A_73 : i32
      %scan3A_75 = arith.constant 1 : i32
      %scan3A_76 = scf.for %scan3A_79 = %scan3A_72 to %scan3A_74 step %scan3A_75 iter_args(%scan3A_80 = %scan3A_71) -> (i32)  : i32 {
        %get3A = arith.index_cast %scan3A_79 : i32 to index
        %get3A_81 = arith.constant 0 : index
        %get3A_82 = tpu.vector_load %arg9[%get3A, %get3A_81] {strides = array<i32>} : memref<80x128xf32, #tpu.memory_space<vmem>>, vector<1x16xf32>,
        %get3A_83 = vector.shape_cast %get3A_82 : vector<1x16xf32> to vector<16xf32>
        %get3A_84 = arith.index_cast %scan3A_79 : i32 to index
        %get3A_85 = arith.constant 0 : index
        %get3A_86 = tpu.vector_load %arg10[%get3A_84, %get3A_85] {strides = array<i32>} : memref<80x128xf32, #tpu.memory_space<vmem>>, vector<1x16xf32>,
        %get3A_87 = vector.shape_cast %get3A_86 : vector<1x16xf32> to vector<16xf32>
        %add3A_88 = arith.addf %get3A_83, %get3A_87 : vector<16xf32>
        %max3A = arith.constant 0.000000e+00 : f32
        %max3A_89 = vector.broadcast %max3A : f32 to vector<16xf32>
        %max3A_90 = arith.maximumf %add3A_88, %max3A_89 : vector<16xf32>
        %swap3A = arith.index_cast %scan3A_79 : i32 to index
        %swap3A_91 = arith.constant 0 : index
        %swap3A_92 = tpu.vector_load %arg9[%swap3A, %swap3A_91] {strides = array<i32>} : memref<80x128xf32, #tpu.memory_space<vmem>>, vector<1x16xf32>,
        %swap3A_93 = vector.shape_cast %swap3A_92 : vector<1x16xf32> to vector<16xf32>
        %swap3A_94 = vector.shape_cast %max3A_90 : vector<16xf32> to vector<1x16xf32>
        tpu.vector_store %arg9[%swap3A, %swap3A_91], %swap3A_94 {strides = array<i32>} : memref<80x128xf32, #tpu.memory_space<vmem>>, vector<1x16xf32>,
        %get3A_95 = arith.index_cast %scan3A_79 : i32 to index
        %get3A_96 = arith.constant 16 : index
        %get3A_97 = tpu.vector_load %arg9[%get3A_95, %get3A_96] {strides = array<i32>} : memref<80x128xf32, #tpu.memory_space<vmem>>, vector<1x16xf32>,
        %get3A_98 = vector.shape_cast %get3A_97 : vector<1x16xf32> to vector<16xf32>
        %get3A_99 = arith.index_cast %scan3A_79 : i32 to index
        %get3A_100 = arith.constant 16 : index
        %get3A_101 = tpu.vector_load %arg10[%get3A_99, %get3A_100] {strides = array<i32>} : memref<80x128xf32, #tpu.memory_space<vmem>>, vector<1x16xf32>,
        %get3A_102 = vector.shape_cast %get3A_101 : vector<1x16xf32> to vector<16xf32>
        %add3A_103 = arith.addf %get3A_98, %get3A_102 : vector<16xf32>
        %max3A_104 = arith.constant 0.000000e+00 : f32
        %max3A_105 = vector.broadcast %max3A_104 : f32 to vector<16xf32>
        %max3A_106 = arith.maximumf %add3A_103, %max3A_105 : vector<16xf32>
        %swap3A_107 = arith.index_cast %scan3A_79 : i32 to index
        %swap3A_108 = arith.constant 16 : index
        %swap3A_109 = tpu.vector_load %arg9[%swap3A_107, %swap3A_108] {strides = array<i32>} : memref<80x128xf32, #tpu.memory_space<vmem>>, vector<1x16xf32>,
        %swap3A_110 = vector.shape_cast %swap3A_109 : vector<1x16xf32> to vector<16xf32>
        %swap3A_111 = vector.shape_cast %max3A_106 : vector<16xf32> to vector<1x16xf32>
        tpu.vector_store %arg9[%swap3A_107, %swap3A_108], %swap3A_111 {strides = array<i32>} : memref<80x128xf32, #tpu.memory_space<vmem>>, vector<1x16xf32>,
        %get3A_112 = arith.index_cast %scan3A_79 : i32 to index
        %get3A_113 = arith.constant 32 : index
        %get3A_114 = tpu.vector_load %arg9[%get3A_112, %get3A_113] {strides = array<i32>} : memref<80x128xf32, #tpu.memory_space<vmem>>, vector<1x16xf32>,
        %get3A_115 = vector.shape_cast %get3A_114 : vector<1x16xf32> to vector<16xf32>
        %get3A_116 = arith.index_cast %scan3A_79 : i32 to index
        %get3A_117 = arith.constant 32 : index
        %get3A_118 = tpu.vector_load %arg10[%get3A_116, %get3A_117] {strides = array<i32>} : memref<80x128xf32, #tpu.memory_space<vmem>>, vector<1x16xf32>,
        %get3A_119 = vector.shape_cast %get3A_118 : vector<1x16xf32> to vector<16xf32>
        %add3A_120 = arith.addf %get3A_115, %get3A_119 : vector<16xf32>
        %max3A_121 = arith.constant 0.000000e+00 : f32
        %max3A_122 = vector.broadcast %max3A_121 : f32 to vector<16xf32>
        %max3A_123 = arith.maximumf %add3A_120, %max3A_122 : vector<16xf32>
        %swap3A_124 = arith.index_cast %scan3A_79 : i32 to index
        %swap3A_125 = arith.constant 32 : index
        %swap3A_126 = tpu.vector_load %arg9[%swap3A_124, %swap3A_125] {strides = array<i32>} : memref<80x128xf32, #tpu.memory_space<vmem>>, vector<1x16xf32>,
        %swap3A_127 = vector.shape_cast %swap3A_126 : vector<1x16xf32> to vector<16xf32>
        %swap3A_128 = vector.shape_cast %max3A_123 : vector<16xf32> to vector<1x16xf32>
        tpu.vector_store %arg9[%swap3A_124, %swap3A_125], %swap3A_128 {strides = array<i32>} : memref<80x128xf32, #tpu.memory_space<vmem>>, vector<1x16xf32>,
        %get3A_129 = arith.index_cast %scan3A_79 : i32 to index
        %get3A_130 = arith.constant 48 : index
        %get3A_131 = tpu.vector_load %arg9[%get3A_129, %get3A_130] {strides = array<i32>} : memref<80x128xf32, #tpu.memory_space<vmem>>, vector<1x16xf32>,
        %get3A_132 = vector.shape_cast %get3A_131 : vector<1x16xf32> to vector<16xf32>
        %get3A_133 = arith.index_cast %scan3A_79 : i32 to index
        %get3A_134 = arith.constant 48 : index
        %get3A_135 = tpu.vector_load %arg10[%get3A_133, %get3A_134] {strides = array<i32>} : memref<80x128xf32, #tpu.memory_space<vmem>>, vector<1x16xf32>,
        %get3A_136 = vector.shape_cast %get3A_135 : vector<1x16xf32> to vector<16xf32>
        %add3A_137 = arith.addf %get3A_132, %get3A_136 : vector<16xf32>
        %max3A_138 = arith.constant 0.000000e+00 : f32
        %max3A_139 = vector.broadcast %max3A_138 : f32 to vector<16xf32>
        %max3A_140 = arith.maximumf %add3A_137, %max3A_139 : vector<16xf32>
        %swap3A_141 = arith.index_cast %scan3A_79 : i32 to index
        %swap3A_142 = arith.constant 48 : index
        %swap3A_143 = tpu.vector_load %arg9[%swap3A_141, %swap3A_142] {strides = array<i32>} : memref<80x128xf32, #tpu.memory_space<vmem>>, vector<1x16xf32>,
        %swap3A_144 = vector.shape_cast %swap3A_143 : vector<1x16xf32> to vector<16xf32>
        %swap3A_145 = vector.shape_cast %max3A_140 : vector<16xf32> to vector<1x16xf32>
        tpu.vector_store %arg9[%swap3A_141, %swap3A_142], %swap3A_145 {strides = array<i32>} : memref<80x128xf32, #tpu.memory_space<vmem>>, vector<1x16xf32>,
        %get3A_146 = arith.index_cast %scan3A_79 : i32 to index
        %get3A_147 = arith.constant 64 : index
        %get3A_148 = tpu.vector_load %arg9[%get3A_146, %get3A_147] {strides = array<i32>} : memref<80x128xf32, #tpu.memory_space<vmem>>, vector<1x16xf32>,
        %get3A_149 = vector.shape_cast %get3A_148 : vector<1x16xf32> to vector<16xf32>
        %get3A_150 = arith.index_cast %scan3A_79 : i32 to index
        %get3A_151 = arith.constant 64 : index
        %get3A_152 = tpu.vector_load %arg10[%get3A_150, %get3A_151] {strides = array<i32>} : memref<80x128xf32, #tpu.memory_space<vmem>>, vector<1x16xf32>,
        %get3A_153 = vector.shape_cast %get3A_152 : vector<1x16xf32> to vector<16xf32>
        %add3A_154 = arith.addf %get3A_149, %get3A_153 : vector<16xf32>
        %max3A_155 = arith.constant 0.000000e+00 : f32
        %max3A_156 = vector.broadcast %max3A_155 : f32 to vector<16xf32>
        %max3A_157 = arith.maximumf %add3A_154, %max3A_156 : vector<16xf32>
        %swap3A_158 = arith.index_cast %scan3A_79 : i32 to index
        %swap3A_159 = arith.constant 64 : index
        %swap3A_160 = tpu.vector_load %arg9[%swap3A_158, %swap3A_159] {strides = array<i32>} : memref<80x128xf32, #tpu.memory_space<vmem>>, vector<1x16xf32>,
        %swap3A_161 = vector.shape_cast %swap3A_160 : vector<1x16xf32> to vector<16xf32>
        %swap3A_162 = vector.shape_cast %max3A_157 : vector<16xf32> to vector<1x16xf32>
        tpu.vector_store %arg9[%swap3A_158, %swap3A_159], %swap3A_162 {strides = array<i32>} : memref<80x128xf32, #tpu.memory_space<vmem>>, vector<1x16xf32>,
        %get3A_163 = arith.index_cast %scan3A_79 : i32 to index
        %get3A_164 = arith.constant 80 : index
        %get3A_165 = tpu.vector_load %arg9[%get3A_163, %get3A_164] {strides = array<i32>} : memref<80x128xf32, #tpu.memory_space<vmem>>, vector<1x16xf32>,
        %get3A_166 = vector.shape_cast %get3A_165 : vector<1x16xf32> to vector<16xf32>
        %get3A_167 = arith.index_cast %scan3A_79 : i32 to index
        %get3A_168 = arith.constant 80 : index
        %get3A_169 = tpu.vector_load %arg10[%get3A_167, %get3A_168] {strides = array<i32>} : memref<80x128xf32, #tpu.memory_space<vmem>>, vector<1x16xf32>,
        %get3A_170 = vector.shape_cast %get3A_169 : vector<1x16xf32> to vector<16xf32>
        %add3A_171 = arith.addf %get3A_166, %get3A_170 : vector<16xf32>
        %max3A_172 = arith.constant 0.000000e+00 : f32
        %max3A_173 = vector.broadcast %max3A_172 : f32 to vector<16xf32>
        %max3A_174 = arith.maximumf %add3A_171, %max3A_173 : vector<16xf32>
        %swap3A_175 = arith.index_cast %scan3A_79 : i32 to index
        %swap3A_176 = arith.constant 80 : index
        %swap3A_177 = tpu.vector_load %arg9[%swap3A_175, %swap3A_176] {strides = array<i32>} : memref<80x128xf32, #tpu.memory_space<vmem>>, vector<1x16xf32>,
        %swap3A_178 = vector.shape_cast %swap3A_177 : vector<1x16xf32> to vector<16xf32>
        %swap3A_179 = vector.shape_cast %max3A_174 : vector<16xf32> to vector<1x16xf32>
        tpu.vector_store %arg9[%swap3A_175, %swap3A_176], %swap3A_179 {strides = array<i32>} : memref<80x128xf32, #tpu.memory_space<vmem>>, vector<1x16xf32>,
        %get3A_180 = arith.index_cast %scan3A_79 : i32 to index
        %get3A_181 = arith.constant 96 : index
        %get3A_182 = tpu.vector_load %arg9[%get3A_180, %get3A_181] {strides = array<i32>} : memref<80x128xf32, #tpu.memory_space<vmem>>, vector<1x16xf32>,
        %get3A_183 = vector.shape_cast %get3A_182 : vector<1x16xf32> to vector<16xf32>
        %get3A_184 = arith.index_cast %scan3A_79 : i32 to index
        %get3A_185 = arith.constant 96 : index
        %get3A_186 = tpu.vector_load %arg10[%get3A_184, %get3A_185] {strides = array<i32>} : memref<80x128xf32, #tpu.memory_space<vmem>>, vector<1x16xf32>,
        %get3A_187 = vector.shape_cast %get3A_186 : vector<1x16xf32> to vector<16xf32>
        %add3A_188 = arith.addf %get3A_183, %get3A_187 : vector<16xf32>
        %max3A_189 = arith.constant 0.000000e+00 : f32
        %max3A_190 = vector.broadcast %max3A_189 : f32 to vector<16xf32>
        %max3A_191 = arith.maximumf %add3A_188, %max3A_190 : vector<16xf32>
        %swap3A_192 = arith.index_cast %scan3A_79 : i32 to index
        %swap3A_193 = arith.constant 96 : index
        %swap3A_194 = tpu.vector_load %arg9[%swap3A_192, %swap3A_193] {strides = array<i32>} : memref<80x128xf32, #tpu.memory_space<vmem>>, vector<1x16xf32>,
        %swap3A_195 = vector.shape_cast %swap3A_194 : vector<1x16xf32> to vector<16xf32>
        %swap3A_196 = vector.shape_cast %max3A_191 : vector<16xf32> to vector<1x16xf32>
        tpu.vector_store %arg9[%swap3A_192, %swap3A_193], %swap3A_196 {strides = array<i32>} : memref<80x128xf32, #tpu.memory_space<vmem>>, vector<1x16xf32>,
        %get3A_197 = arith.index_cast %scan3A_79 : i32 to index
        %get3A_198 = arith.constant 112 : index
        %get3A_199 = tpu.vector_load %arg9[%get3A_197, %get3A_198] {strides = array<i32>} : memref<80x128xf32, #tpu.memory_space<vmem>>, vector<1x16xf32>,
        %get3A_200 = vector.shape_cast %get3A_199 : vector<1x16xf32> to vector<16xf32>
        %get3A_201 = arith.index_cast %scan3A_79 : i32 to index
        %get3A_202 = arith.constant 112 : index
        %get3A_203 = tpu.vector_load %arg10[%get3A_201, %get3A_202] {strides = array<i32>} : memref<80x128xf32, #tpu.memory_space<vmem>>, vector<1x16xf32>,
        %get3A_204 = vector.shape_cast %get3A_203 : vector<1x16xf32> to vector<16xf32>
        %add3A_205 = arith.addf %get3A_200, %get3A_204 : vector<16xf32>
        %max3A_206 = arith.constant 0.000000e+00 : f32
        %max3A_207 = vector.broadcast %max3A_206 : f32 to vector<16xf32>
        %max3A_208 = arith.maximumf %add3A_205, %max3A_207 : vector<16xf32>
        %swap3A_209 = arith.index_cast %scan3A_79 : i32 to index
        %swap3A_210 = arith.constant 112 : index
        %swap3A_211 = tpu.vector_load %arg9[%swap3A_209, %swap3A_210] {strides = array<i32>} : memref<80x128xf32, #tpu.memory_space<vmem>>, vector<1x16xf32>,
        %swap3A_212 = vector.shape_cast %swap3A_211 : vector<1x16xf32> to vector<16xf32>
        %swap3A_213 = vector.shape_cast %max3A_208 : vector<16xf32> to vector<1x16xf32>
        tpu.vector_store %arg9[%swap3A_209, %swap3A_210], %swap3A_213 {strides = array<i32>} : memref<80x128xf32, #tpu.memory_space<vmem>>, vector<1x16xf32>,
        %scan3A_214 = arith.constant 0 : i32
        scf.yield %scan3A_214 : i32
      }
      %scan3A_77 = arith.constant 80 : i32
      "tpu.region"() ({
        %run_scoped3A = tpu.sem_alloc : memref<!tpu.dma_semaphore, #tpu.memory_space<semaphore_mem>>
        %dma_start3A_79 = arith.constant 0 : i32
        %dma_start3A_80 = arith.constant 0 : i32
        %dma_start3A_81 = tpu.memref_slice %arg12[%dma_start3A_79, %dma_start3A_80] : memref<10000x128xf32, #tpu.memory_space<vmem_shared>> -> memref<10000x128xf32, #tpu.memory_space<vmem_shared>>
        tpu.enqueue_indirect_dma source(%arg9 : memref<80x128xf32, #tpu.memory_space<vmem>>) target(%dma_start3A_81 : memref<10000x128xf32, #tpu.memory_space<vmem_shared>>) offsets(%arg8 : memref<80xi32, #tpu.memory_space<vmem>>) semaphore(%run_scoped3A : memref<!tpu.dma_semaphore, #tpu.memory_space<semaphore_mem>>) {add = true}
        %dma_wait3A_82 = arith.constant 0 : i32
        %dma_wait3A_83 = arith.constant 0 : i32
        %dma_wait3A_84 = tpu.memref_slice %arg12[%dma_wait3A_82, %dma_wait3A_83] : memref<10000x128xf32, #tpu.memory_space<vmem_shared>> -> memref<10000x128xf32, #tpu.memory_space<vmem_shared>>
        tpu.wait_indirect_dma semaphore(%run_scoped3A : memref<!tpu.dma_semaphore, #tpu.memory_space<semaphore_mem>>) src(%arg9 : memref<80x128xf32, #tpu.memory_space<vmem>>) dst(%dma_wait3A_84 : memref<10000x128xf32, #tpu.memory_space<vmem_shared>>)
        tpu.yield
      }) : () -> ()
      %scan3A_78 = arith.constant 0 : i32
      scf.yield %scan3A_78 : i32
    }
    %scan3A_46 = arith.constant 125 : i32
    %barrier3A_47 = arith.constant 0 : index
    tpu.barrier barrier_id(%barrier3A_47)
    %while3A_48 = arith.constant 0 : i32
    %while3A_49 = arith.constant 0 : i32
    %while3A_50 = arith.subi %select_n3A, %while3A_48 : i32
    %while3A_51 = arith.addi %while3A_48, %while3A_50 : i32
    %while3A_52 = arith.constant 1 : i32
    %while3A_53 = arith.divsi %while3A_50, %while3A_52 : i32
    %while3A_54 = arith.muli %while3A_53, %while3A_52 : i32
    %while3A_55 = arith.addi %while3A_48, %while3A_54 : i32
    %while3A_56 = arith.constant 1 : i32
    %while3A_57 = scf.for %while3A_60 = %while3A_48 to %while3A_55 step %while3A_56 iter_args(%while3A_61 = %while3A_49) -> (i32)  : i32 {
      %mul3A_62 = arith.constant 16 : i32
      %mul3A_63 = arith.muli %while3A_60, %mul3A_62 : i32
      %add3A_64 = arith.addi %mul3A_63, %arg1 : i32
      %mul3A_65 = arith.constant 80 : i32
      %mul3A_66 = arith.muli %add3A_64, %mul3A_65 : i32
      "tpu.region"() ({
        %run_scoped3A = tpu.sem_alloc : memref<!tpu.dma_semaphore, #tpu.memory_space<semaphore_mem>>
        %dma_start3A = arith.constant 0 : i32
        %dma_start3A_68 = tpu.memref_slice %arg12[%mul3A_66, %dma_start3A] : memref<10000x128xf32, #tpu.memory_space<vmem_shared>> -> memref<80x128xf32, #tpu.memory_space<vmem_shared>>
        %dma_start3A_69 = arith.constant 0 : i32
        %dma_start3A_70 = tpu.memref_slice %arg12[%mul3A_66, %dma_start3A_69] : memref<10000x128xf32, #tpu.memory_space<vmem_shared>> -> memref<80x128xf32, #tpu.memory_space<vmem_shared>>
        tpu.enqueue_dma source(%dma_start3A_70 : memref<80x128xf32, #tpu.memory_space<vmem_shared>>) target(%arg11 : memref<80x128xf32, #tpu.memory_space<vmem>>) target_semaphore(%run_scoped3A : memref<!tpu.dma_semaphore, #tpu.memory_space<semaphore_mem>>)
        %dma_wait3A = arith.constant 0 : i32
        %dma_wait3A_71 = tpu.memref_slice %arg12[%mul3A_66, %dma_wait3A] : memref<10000x128xf32, #tpu.memory_space<vmem_shared>> -> memref<80x128xf32, #tpu.memory_space<vmem_shared>>
        %dma_wait3A_72 = arith.constant 0 : i32
        %dma_wait3A_73 = tpu.memref_slice %arg12[%mul3A_66, %dma_wait3A_72] : memref<10000x128xf32, #tpu.memory_space<vmem_shared>> -> memref<80x128xf32, #tpu.memory_space<vmem_shared>>
        tpu.wait_dma2 semaphore(%run_scoped3A : memref<!tpu.dma_semaphore, #tpu.memory_space<semaphore_mem>>) src(%dma_wait3A_73 : memref<80x128xf32, #tpu.memory_space<vmem_shared>>) dst(%arg11 : memref<80x128xf32, #tpu.memory_space<vmem>>)
        tpu.yield
      }) : () -> ()
      "tpu.region"() ({
        %run_scoped3A = tpu.sem_alloc : memref<!tpu.dma_semaphore, #tpu.memory_space<semaphore_mem>>
        %dma_start3A = arith.constant 0 : i32
        %dma_start3A_68 = tpu.memref_slice %arg6[%arg0, %mul3A_66, %dma_start3A] : memref<2x10000x128xf32, #tpu.memory_space<hbm>> -> memref<1x80x128xf32, #tpu.memory_space<hbm>>
        %dma_start3A_69 = tpu.memref_squeeze %dma_start3A_68 : memref<1x80x128xf32, #tpu.memory_space<hbm>> -> memref<80x128xf32, #tpu.memory_space<hbm>>
        %dma_start3A_70 = arith.constant 0 : i32
        %dma_start3A_71 = tpu.memref_slice %arg6[%arg0, %mul3A_66, %dma_start3A_70] : memref<2x10000x128xf32, #tpu.memory_space<hbm>> -> memref<1x80x128xf32, #tpu.memory_space<hbm>>
        %dma_start3A_72 = tpu.memref_squeeze %dma_start3A_71 : memref<1x80x128xf32, #tpu.memory_space<hbm>> -> memref<80x128xf32, #tpu.memory_space<hbm>>
        tpu.enqueue_dma source(%arg11 : memref<80x128xf32, #tpu.memory_space<vmem>>) target(%dma_start3A_72 : memref<80x128xf32, #tpu.memory_space<hbm>>) target_semaphore(%run_scoped3A : memref<!tpu.dma_semaphore, #tpu.memory_space<semaphore_mem>>)
        %dma_wait3A = arith.constant 0 : i32
        %dma_wait3A_73 = tpu.memref_slice %arg6[%arg0, %mul3A_66, %dma_wait3A] : memref<2x10000x128xf32, #tpu.memory_space<hbm>> -> memref<1x80x128xf32, #tpu.memory_space<hbm>>
        %dma_wait3A_74 = tpu.memref_squeeze %dma_wait3A_73 : memref<1x80x128xf32, #tpu.memory_space<hbm>> -> memref<80x128xf32, #tpu.memory_space<hbm>>
        %dma_wait3A_75 = arith.constant 0 : i32
        %dma_wait3A_76 = tpu.memref_slice %arg6[%arg0, %mul3A_66, %dma_wait3A_75] : memref<2x10000x128xf32, #tpu.memory_space<hbm>> -> memref<1x80x128xf32, #tpu.memory_space<hbm>>
        %dma_wait3A_77 = tpu.memref_squeeze %dma_wait3A_76 : memref<1x80x128xf32, #tpu.memory_space<hbm>> -> memref<80x128xf32, #tpu.memory_space<hbm>>
        tpu.wait_dma2 semaphore(%run_scoped3A : memref<!tpu.dma_semaphore, #tpu.memory_space<semaphore_mem>>) src(%arg11 : memref<80x128xf32, #tpu.memory_space<vmem>>) dst(%dma_wait3A_77 : memref<80x128xf32, #tpu.memory_space<hbm>>)
        tpu.yield
      }) : () -> ()
      %while3A_67 = arith.constant 0 : i32
      scf.yield %while3A_67 : i32
    }
    %while3A_58 = arith.constant 1 : i32
    %while3A_59 = scf.for %while3A_60 = %while3A_55 to %while3A_51 step %while3A_58 iter_args(%while3A_61 = %while3A_57) -> (i32)  : i32 {
      %mul3A_62 = arith.constant 16 : i32
      %mul3A_63 = arith.muli %while3A_60, %mul3A_62 : i32
      %add3A_64 = arith.addi %mul3A_63, %arg1 : i32
      %mul3A_65 = arith.constant 80 : i32
      %mul3A_66 = arith.muli %add3A_64, %mul3A_65 : i32
      "tpu.region"() ({
        %run_scoped3A = tpu.sem_alloc : memref<!tpu.dma_semaphore, #tpu.memory_space<semaphore_mem>>
        %dma_start3A = arith.constant 0 : i32
        %dma_start3A_68 = tpu.memref_slice %arg12[%mul3A_66, %dma_start3A] : memref<10000x128xf32, #tpu.memory_space<vmem_shared>> -> memref<80x128xf32, #tpu.memory_space<vmem_shared>>
        %dma_start3A_69 = arith.constant 0 : i32
        %dma_start3A_70 = tpu.memref_slice %arg12[%mul3A_66, %dma_start3A_69] : memref<10000x128xf32, #tpu.memory_space<vmem_shared>> -> memref<80x128xf32, #tpu.memory_space<vmem_shared>>
        tpu.enqueue_dma source(%dma_start3A_70 : memref<80x128xf32, #tpu.memory_space<vmem_shared>>) target(%arg11 : memref<80x128xf32, #tpu.memory_space<vmem>>) target_semaphore(%run_scoped3A : memref<!tpu.dma_semaphore, #tpu.memory_space<semaphore_mem>>)
        %dma_wait3A = arith.constant 0 : i32
        %dma_wait3A_71 = tpu.memref_slice %arg12[%mul3A_66, %dma_wait3A] : memref<10000x128xf32, #tpu.memory_space<vmem_shared>> -> memref<80x128xf32, #tpu.memory_space<vmem_shared>>
        %dma_wait3A_72 = arith.constant 0 : i32
        %dma_wait3A_73 = tpu.memref_slice %arg12[%mul3A_66, %dma_wait3A_72] : memref<10000x128xf32, #tpu.memory_space<vmem_shared>> -> memref<80x128xf32, #tpu.memory_space<vmem_shared>>
        tpu.wait_dma2 semaphore(%run_scoped3A : memref<!tpu.dma_semaphore, #tpu.memory_space<semaphore_mem>>) src(%dma_wait3A_73 : memref<80x128xf32, #tpu.memory_space<vmem_shared>>) dst(%arg11 : memref<80x128xf32, #tpu.memory_space<vmem>>)
        tpu.yield
      }) : () -> ()
      "tpu.region"() ({
        %run_scoped3A = tpu.sem_alloc : memref<!tpu.dma_semaphore, #tpu.memory_space<semaphore_mem>>
        %dma_start3A = arith.constant 0 : i32
        %dma_start3A_68 = tpu.memref_slice %arg6[%arg0, %mul3A_66, %dma_start3A] : memref<2x10000x128xf32, #tpu.memory_space<hbm>> -> memref<1x80x128xf32, #tpu.memory_space<hbm>>
        %dma_start3A_69 = tpu.memref_squeeze %dma_start3A_68 : memref<1x80x128xf32, #tpu.memory_space<hbm>> -> memref<80x128xf32, #tpu.memory_space<hbm>>
        %dma_start3A_70 = arith.constant 0 : i32
        %dma_start3A_71 = tpu.memref_slice %arg6[%arg0, %mul3A_66, %dma_start3A_70] : memref<2x10000x128xf32, #tpu.memory_space<hbm>> -> memref<1x80x128xf32, #tpu.memory_space<hbm>>
        %dma_start3A_72 = tpu.memref_squeeze %dma_start3A_71 : memref<1x80x128xf32, #tpu.memory_space<hbm>> -> memref<80x128xf32, #tpu.memory_space<hbm>>
        tpu.enqueue_dma source(%arg11 : memref<80x128xf32, #tpu.memory_space<vmem>>) target(%dma_start3A_72 : memref<80x128xf32, #tpu.memory_space<hbm>>) target_semaphore(%run_scoped3A : memref<!tpu.dma_semaphore, #tpu.memory_space<semaphore_mem>>)
        %dma_wait3A = arith.constant 0 : i32
        %dma_wait3A_73 = tpu.memref_slice %arg6[%arg0, %mul3A_66, %dma_wait3A] : memref<2x10000x128xf32, #tpu.memory_space<hbm>> -> memref<1x80x128xf32, #tpu.memory_space<hbm>>
        %dma_wait3A_74 = tpu.memref_squeeze %dma_wait3A_73 : memref<1x80x128xf32, #tpu.memory_space<hbm>> -> memref<80x128xf32, #tpu.memory_space<hbm>>
        %dma_wait3A_75 = arith.constant 0 : i32
        %dma_wait3A_76 = tpu.memref_slice %arg6[%arg0, %mul3A_66, %dma_wait3A_75] : memref<2x10000x128xf32, #tpu.memory_space<hbm>> -> memref<1x80x128xf32, #tpu.memory_space<hbm>>
        %dma_wait3A_77 = tpu.memref_squeeze %dma_wait3A_76 : memref<1x80x128xf32, #tpu.memory_space<hbm>> -> memref<80x128xf32, #tpu.memory_space<hbm>>
        tpu.wait_dma2 semaphore(%run_scoped3A : memref<!tpu.dma_semaphore, #tpu.memory_space<semaphore_mem>>) src(%arg11 : memref<80x128xf32, #tpu.memory_space<vmem>>) dst(%dma_wait3A_77 : memref<80x128xf32, #tpu.memory_space<hbm>>)
        tpu.yield
      }) : () -> ()
      %while3A_67 = arith.constant 0 : i32
      scf.yield %while3A_67 : i32
    }
    return
  }
}

#map = affine_map<(d0, d1) -> (0, 0)>
#map1 = affine_map<(d0, d1) -> (0)>
#map2 = affine_map<(d0, d1) -> (0, 0, 0)>
module attributes {stable_mosaic.version = 14 : i64} {
  func.func @_sc_body(%arg0: i32, %arg1: i32, %arg2: memref<10000x128xf32, #tpu.memory_space<hbm>>, %arg3: memref<320000x128xf32, #tpu.memory_space<hbm>>, %arg4: memref<320000xi32, #tpu.memory_space<hbm>>, %arg5: memref<320000xi32, #tpu.memory_space<hbm>>, %arg6: memref<2x10000x128xf32, #tpu.memory_space<hbm>>, %arg7: memref<80xi32, #tpu.memory_space<vmem>>, %arg8: memref<80xi32, #tpu.memory_space<vmem>>, %arg9: memref<80x128xf32, #tpu.memory_space<vmem>>, %arg10: memref<80x128xf32, #tpu.memory_space<vmem>>, %arg11: memref<80x128xf32, #tpu.memory_space<vmem>>, %arg12: memref<10000x128xf32, #tpu.memory_space<vmem_shared>>, %arg13: memref<!tpu.dma_semaphore, #tpu.memory_space<semaphore_mem>>) attributes {dimension_semantics = [#tpu.dimension_semantics<core_parallel>, #tpu.dimension_semantics<subcore_parallel>], iteration_bounds = array<i64: 2, 16>, scalar_prefetch = 0 : i64, scratch_operands = 7 : i64, tpu.core_type = #tpu.core_type<sc_vector_subcore>, window_params = [{transform_indices = #map}, {transform_indices = #map}, {transform_indices = #map1}, {transform_indices = #map1}, {transform_indices = #map2}]} {
    %mul3A = arith.constant 2 : i32
    %mul3A_0 = arith.muli %arg1, %mul3A : i32
    %add3A = arith.addi %mul3A_0, %arg0 : i32
    %scan3A = arith.constant 0 : i32
    %scan3A_1 = arith.constant 0 : i32
    %scan3A_2 = arith.constant 80 : i32
    %scan3A_3 = arith.addi %scan3A_1, %scan3A_2 : i32
    %scan3A_4 = arith.constant 1 : i32
    %scan3A_5 = scf.for %scan3A_60 = %scan3A_1 to %scan3A_3 step %scan3A_4 iter_args(%scan3A_61 = %scan3A) -> (i32)  : i32 {
      %broadcast_in_dim3A = arith.constant 0.000000e+00 : f32
      %broadcast_in_dim3A_62 = vector.broadcast %broadcast_in_dim3A : f32 to vector<16xf32>
      %swap3A = arith.index_cast %scan3A_60 : i32 to index
      %swap3A_63 = arith.constant 0 : index
      %swap3A_64 = tpu.vector_load %arg11[%swap3A, %swap3A_63] {strides = array<i32>} : memref<80x128xf32, #tpu.memory_space<vmem>>, vector<1x16xf32>,
      %swap3A_65 = vector.shape_cast %swap3A_64 : vector<1x16xf32> to vector<16xf32>
      %swap3A_66 = vector.shape_cast %broadcast_in_dim3A_62 : vector<16xf32> to vector<1x16xf32>
      tpu.vector_store %arg11[%swap3A, %swap3A_63], %swap3A_66 {strides = array<i32>} : memref<80x128xf32, #tpu.memory_space<vmem>>, vector<1x16xf32>,
      %broadcast_in_dim3A_67 = arith.constant 0.000000e+00 : f32
      %broadcast_in_dim3A_68 = vector.broadcast %broadcast_in_dim3A_67 : f32 to vector<16xf32>
      %swap3A_69 = arith.index_cast %scan3A_60 : i32 to index
      %swap3A_70 = arith.constant 16 : index
      %swap3A_71 = tpu.vector_load %arg11[%swap3A_69, %swap3A_70] {strides = array<i32>} : memref<80x128xf32, #tpu.memory_space<vmem>>, vector<1x16xf32>,
      %swap3A_72 = vector.shape_cast %swap3A_71 : vector<1x16xf32> to vector<16xf32>
      %swap3A_73 = vector.shape_cast %broadcast_in_dim3A_68 : vector<16xf32> to vector<1x16xf32>
      tpu.vector_store %arg11[%swap3A_69, %swap3A_70], %swap3A_73 {strides = array<i32>} : memref<80x128xf32, #tpu.memory_space<vmem>>, vector<1x16xf32>,
      %broadcast_in_dim3A_74 = arith.constant 0.000000e+00 : f32
      %broadcast_in_dim3A_75 = vector.broadcast %broadcast_in_dim3A_74 : f32 to vector<16xf32>
      %swap3A_76 = arith.index_cast %scan3A_60 : i32 to index
      %swap3A_77 = arith.constant 32 : index
      %swap3A_78 = tpu.vector_load %arg11[%swap3A_76, %swap3A_77] {strides = array<i32>} : memref<80x128xf32, #tpu.memory_space<vmem>>, vector<1x16xf32>,
      %swap3A_79 = vector.shape_cast %swap3A_78 : vector<1x16xf32> to vector<16xf32>
      %swap3A_80 = vector.shape_cast %broadcast_in_dim3A_75 : vector<16xf32> to vector<1x16xf32>
      tpu.vector_store %arg11[%swap3A_76, %swap3A_77], %swap3A_80 {strides = array<i32>} : memref<80x128xf32, #tpu.memory_space<vmem>>, vector<1x16xf32>,
      %broadcast_in_dim3A_81 = arith.constant 0.000000e+00 : f32
      %broadcast_in_dim3A_82 = vector.broadcast %broadcast_in_dim3A_81 : f32 to vector<16xf32>
      %swap3A_83 = arith.index_cast %scan3A_60 : i32 to index
      %swap3A_84 = arith.constant 48 : index
      %swap3A_85 = tpu.vector_load %arg11[%swap3A_83, %swap3A_84] {strides = array<i32>} : memref<80x128xf32, #tpu.memory_space<vmem>>, vector<1x16xf32>,
      %swap3A_86 = vector.shape_cast %swap3A_85 : vector<1x16xf32> to vector<16xf32>
      %swap3A_87 = vector.shape_cast %broadcast_in_dim3A_82 : vector<16xf32> to vector<1x16xf32>
      tpu.vector_store %arg11[%swap3A_83, %swap3A_84], %swap3A_87 {strides = array<i32>} : memref<80x128xf32, #tpu.memory_space<vmem>>, vector<1x16xf32>,
      %broadcast_in_dim3A_88 = arith.constant 0.000000e+00 : f32
      %broadcast_in_dim3A_89 = vector.broadcast %broadcast_in_dim3A_88 : f32 to vector<16xf32>
      %swap3A_90 = arith.index_cast %scan3A_60 : i32 to index
      %swap3A_91 = arith.constant 64 : index
      %swap3A_92 = tpu.vector_load %arg11[%swap3A_90, %swap3A_91] {strides = array<i32>} : memref<80x128xf32, #tpu.memory_space<vmem>>, vector<1x16xf32>,
      %swap3A_93 = vector.shape_cast %swap3A_92 : vector<1x16xf32> to vector<16xf32>
      %swap3A_94 = vector.shape_cast %broadcast_in_dim3A_89 : vector<16xf32> to vector<1x16xf32>
      tpu.vector_store %arg11[%swap3A_90, %swap3A_91], %swap3A_94 {strides = array<i32>} : memref<80x128xf32, #tpu.memory_space<vmem>>, vector<1x16xf32>,
      %broadcast_in_dim3A_95 = arith.constant 0.000000e+00 : f32
      %broadcast_in_dim3A_96 = vector.broadcast %broadcast_in_dim3A_95 : f32 to vector<16xf32>
      %swap3A_97 = arith.index_cast %scan3A_60 : i32 to index
      %swap3A_98 = arith.constant 80 : index
      %swap3A_99 = tpu.vector_load %arg11[%swap3A_97, %swap3A_98] {strides = array<i32>} : memref<80x128xf32, #tpu.memory_space<vmem>>, vector<1x16xf32>,
      %swap3A_100 = vector.shape_cast %swap3A_99 : vector<1x16xf32> to vector<16xf32>
      %swap3A_101 = vector.shape_cast %broadcast_in_dim3A_96 : vector<16xf32> to vector<1x16xf32>
      tpu.vector_store %arg11[%swap3A_97, %swap3A_98], %swap3A_101 {strides = array<i32>} : memref<80x128xf32, #tpu.memory_space<vmem>>, vector<1x16xf32>,
      %broadcast_in_dim3A_102 = arith.constant 0.000000e+00 : f32
      %broadcast_in_dim3A_103 = vector.broadcast %broadcast_in_dim3A_102 : f32 to vector<16xf32>
      %swap3A_104 = arith.index_cast %scan3A_60 : i32 to index
      %swap3A_105 = arith.constant 96 : index
      %swap3A_106 = tpu.vector_load %arg11[%swap3A_104, %swap3A_105] {strides = array<i32>} : memref<80x128xf32, #tpu.memory_space<vmem>>, vector<1x16xf32>,
      %swap3A_107 = vector.shape_cast %swap3A_106 : vector<1x16xf32> to vector<16xf32>
      %swap3A_108 = vector.shape_cast %broadcast_in_dim3A_103 : vector<16xf32> to vector<1x16xf32>
      tpu.vector_store %arg11[%swap3A_104, %swap3A_105], %swap3A_108 {strides = array<i32>} : memref<80x128xf32, #tpu.memory_space<vmem>>, vector<1x16xf32>,
      %broadcast_in_dim3A_109 = arith.constant 0.000000e+00 : f32
      %broadcast_in_dim3A_110 = vector.broadcast %broadcast_in_dim3A_109 : f32 to vector<16xf32>
      %swap3A_111 = arith.index_cast %scan3A_60 : i32 to index
      %swap3A_112 = arith.constant 112 : index
      %swap3A_113 = tpu.vector_load %arg11[%swap3A_111, %swap3A_112] {strides = array<i32>} : memref<80x128xf32, #tpu.memory_space<vmem>>, vector<1x16xf32>,
      %swap3A_114 = vector.shape_cast %swap3A_113 : vector<1x16xf32> to vector<16xf32>
      %swap3A_115 = vector.shape_cast %broadcast_in_dim3A_110 : vector<16xf32> to vector<1x16xf32>
      tpu.vector_store %arg11[%swap3A_111, %swap3A_112], %swap3A_115 {strides = array<i32>} : memref<80x128xf32, #tpu.memory_space<vmem>>, vector<1x16xf32>,
      %scan3A_116 = arith.constant 0 : i32
      scf.yield %scan3A_116 : i32
    }
    %scan3A_6 = arith.constant 80 : i32
    %sub3A = arith.constant 125 : i32
    %sub3A_7 = arith.subi %sub3A, %arg1 : i32
    %add3A_8 = arith.constant 16 : i32
    %add3A_9 = arith.addi %sub3A_7, %add3A_8 : i32
    %sub3A_10 = arith.constant 1 : i32
    %sub3A_11 = arith.subi %add3A_9, %sub3A_10 : i32
    %jit3A = arith.constant 16 : i32
    %div3A = arith.divsi %sub3A_11, %jit3A : i32
    %sign3A = arith.constant 0 : i32
    %sign3A_12 = arith.cmpi sgt, %sub3A_11, %sign3A : i32
    %sign3A_13 = arith.extui %sign3A_12 : i1 to i32
    %sign3A_14 = arith.constant 0 : i32
    %sign3A_15 = arith.cmpi slt, %sub3A_11, %sign3A_14 : i32
    %sign3A_16 = arith.extui %sign3A_15 : i1 to i32
    %sign3A_17 = arith.subi %sign3A_13, %sign3A_16 : i32
    %sign3A_18 = arith.constant 0 : i32
    %sign3A_19 = arith.cmpi sgt, %jit3A, %sign3A_18 : i32
    %sign3A_20 = arith.extui %sign3A_19 : i1 to i32
    %sign3A_21 = arith.constant 0 : i32
    %sign3A_22 = arith.cmpi slt, %jit3A, %sign3A_21 : i32
    %sign3A_23 = arith.extui %sign3A_22 : i1 to i32
    %sign3A_24 = arith.subi %sign3A_20, %sign3A_23 : i32
    %ne3A = arith.cmpi ne, %sign3A_17, %sign3A_24 : i32
    %rem3A = arith.remsi %sub3A_11, %jit3A : i32
    %ne3A_25 = arith.constant 0 : i32
    %ne3A_26 = arith.cmpi ne, %rem3A, %ne3A_25 : i32
    %and3A = arith.andi %ne3A, %ne3A_26 : i1
    %sub3A_27 = arith.constant 1 : i32
    %sub3A_28 = arith.subi %div3A, %sub3A_27 : i32
    %select_n3A = arith.select %and3A, %sub3A_28, %div3A : i32
    %while3A = arith.constant 0 : i32
    %while3A_29 = arith.constant 0 : i32
    %while3A_30 = arith.subi %select_n3A, %while3A : i32
    %while3A_31 = arith.addi %while3A, %while3A_30 : i32
    %while3A_32 = arith.constant 1 : i32
    %while3A_33 = arith.divsi %while3A_30, %while3A_32 : i32
    %while3A_34 = arith.muli %while3A_33, %while3A_32 : i32
    %while3A_35 = arith.addi %while3A, %while3A_34 : i32
    %while3A_36 = arith.constant 1 : i32
    %while3A_37 = scf.for %while3A_60 = %while3A to %while3A_35 step %while3A_36 iter_args(%while3A_61 = %while3A_29) -> (i32)  : i32 {
      %mul3A_62 = arith.constant 16 : i32
      %mul3A_63 = arith.muli %while3A_60, %mul3A_62 : i32
      %add3A_64 = arith.addi %mul3A_63, %arg1 : i32
      %mul3A_65 = arith.constant 80 : i32
      %mul3A_66 = arith.muli %add3A_64, %mul3A_65 : i32
      "tpu.region"() ({
        %run_scoped3A = tpu.sem_alloc : memref<!tpu.dma_semaphore, #tpu.memory_space<semaphore_mem>>
        %dma_start3A = arith.constant 0 : i32
        %dma_start3A_68 = tpu.memref_slice %arg12[%mul3A_66, %dma_start3A] : memref<10000x128xf32, #tpu.memory_space<vmem_shared>> -> memref<80x128xf32, #tpu.memory_space<vmem_shared>>
        %dma_start3A_69 = arith.constant 0 : i32
        %dma_start3A_70 = tpu.memref_slice %arg12[%mul3A_66, %dma_start3A_69] : memref<10000x128xf32, #tpu.memory_space<vmem_shared>> -> memref<80x128xf32, #tpu.memory_space<vmem_shared>>
        tpu.enqueue_dma source(%arg11 : memref<80x128xf32, #tpu.memory_space<vmem>>) target(%dma_start3A_70 : memref<80x128xf32, #tpu.memory_space<vmem_shared>>) target_semaphore(%run_scoped3A : memref<!tpu.dma_semaphore, #tpu.memory_space<semaphore_mem>>)
        %dma_wait3A = arith.constant 0 : i32
        %dma_wait3A_71 = tpu.memref_slice %arg12[%mul3A_66, %dma_wait3A] : memref<10000x128xf32, #tpu.memory_space<vmem_shared>> -> memref<80x128xf32, #tpu.memory_space<vmem_shared>>
        %dma_wait3A_72 = arith.constant 0 : i32
        %dma_wait3A_73 = tpu.memref_slice %arg12[%mul3A_66, %dma_wait3A_72] : memref<10000x128xf32, #tpu.memory_space<vmem_shared>> -> memref<80x128xf32, #tpu.memory_space<vmem_shared>>
        tpu.wait_dma2 semaphore(%run_scoped3A : memref<!tpu.dma_semaphore, #tpu.memory_space<semaphore_mem>>) src(%arg11 : memref<80x128xf32, #tpu.memory_space<vmem>>) dst(%dma_wait3A_73 : memref<80x128xf32, #tpu.memory_space<vmem_shared>>)
        tpu.yield
      }) : () -> ()
      %while3A_67 = arith.constant 0 : i32
      scf.yield %while3A_67 : i32
    }
    %while3A_38 = arith.constant 1 : i32
    %while3A_39 = scf.for %while3A_60 = %while3A_35 to %while3A_31 step %while3A_38 iter_args(%while3A_61 = %while3A_37) -> (i32)  : i32 {
      %mul3A_62 = arith.constant 16 : i32
      %mul3A_63 = arith.muli %while3A_60, %mul3A_62 : i32
      %add3A_64 = arith.addi %mul3A_63, %arg1 : i32
      %mul3A_65 = arith.constant 80 : i32
      %mul3A_66 = arith.muli %add3A_64, %mul3A_65 : i32
      "tpu.region"() ({
        %run_scoped3A = tpu.sem_alloc : memref<!tpu.dma_semaphore, #tpu.memory_space<semaphore_mem>>
        %dma_start3A = arith.constant 0 : i32
        %dma_start3A_68 = tpu.memref_slice %arg12[%mul3A_66, %dma_start3A] : memref<10000x128xf32, #tpu.memory_space<vmem_shared>> -> memref<80x128xf32, #tpu.memory_space<vmem_shared>>
        %dma_start3A_69 = arith.constant 0 : i32
        %dma_start3A_70 = tpu.memref_slice %arg12[%mul3A_66, %dma_start3A_69] : memref<10000x128xf32, #tpu.memory_space<vmem_shared>> -> memref<80x128xf32, #tpu.memory_space<vmem_shared>>
        tpu.enqueue_dma source(%arg11 : memref<80x128xf32, #tpu.memory_space<vmem>>) target(%dma_start3A_70 : memref<80x128xf32, #tpu.memory_space<vmem_shared>>) target_semaphore(%run_scoped3A : memref<!tpu.dma_semaphore, #tpu.memory_space<semaphore_mem>>)
        %dma_wait3A = arith.constant 0 : i32
        %dma_wait3A_71 = tpu.memref_slice %arg12[%mul3A_66, %dma_wait3A] : memref<10000x128xf32, #tpu.memory_space<vmem_shared>> -> memref<80x128xf32, #tpu.memory_space<vmem_shared>>
        %dma_wait3A_72 = arith.constant 0 : i32
        %dma_wait3A_73 = tpu.memref_slice %arg12[%mul3A_66, %dma_wait3A_72] : memref<10000x128xf32, #tpu.memory_space<vmem_shared>> -> memref<80x128xf32, #tpu.memory_space<vmem_shared>>
        tpu.wait_dma2 semaphore(%run_scoped3A : memref<!tpu.dma_semaphore, #tpu.memory_space<semaphore_mem>>) src(%arg11 : memref<80x128xf32, #tpu.memory_space<vmem>>) dst(%dma_wait3A_73 : memref<80x128xf32, #tpu.memory_space<vmem_shared>>)
        tpu.yield
      }) : () -> ()
      %while3A_67 = arith.constant 0 : i32
      scf.yield %while3A_67 : i32
    }
    %barrier3A = arith.constant 0 : index
    tpu.barrier barrier_id(%barrier3A)
    %scan3A_40 = arith.constant 0 : i32
    %scan3A_41 = arith.constant 0 : i32
    %scan3A_42 = arith.constant 125 : i32
    %scan3A_43 = arith.addi %scan3A_41, %scan3A_42 : i32
    %scan3A_44 = arith.constant 1 : i32
    %scan3A_45 = scf.for %scan3A_60 = %scan3A_41 to %scan3A_43 step %scan3A_44 iter_args(%scan3A_61 = %scan3A_40) -> (i32)  : i32 {
      %mul3A_62 = arith.constant 10000 : i32
      %mul3A_63 = arith.muli %add3A, %mul3A_62 : i32
      %mul3A_64 = arith.constant 80 : i32
      %mul3A_65 = arith.muli %scan3A_60, %mul3A_64 : i32
      %add3A_66 = arith.addi %mul3A_63, %mul3A_65 : i32
      "tpu.region"() ({
        %run_scoped3A = tpu.sem_alloc : memref<!tpu.dma_semaphore, #tpu.memory_space<semaphore_mem>>
        %dma_start3A_79 = tpu.memref_slice %arg4[%add3A_66] : memref<320000xi32, #tpu.memory_space<hbm>> -> memref<80xi32, #tpu.memory_space<hbm>>
        %dma_start3A_80 = tpu.memref_slice %arg4[%add3A_66] : memref<320000xi32, #tpu.memory_space<hbm>> -> memref<80xi32, #tpu.memory_space<hbm>>
        tpu.enqueue_dma source(%dma_start3A_80 : memref<80xi32, #tpu.memory_space<hbm>>) target(%arg7 : memref<80xi32, #tpu.memory_space<vmem>>) target_semaphore(%run_scoped3A : memref<!tpu.dma_semaphore, #tpu.memory_space<semaphore_mem>>)
        %dma_wait3A_81 = tpu.memref_slice %arg4[%add3A_66] : memref<320000xi32, #tpu.memory_space<hbm>> -> memref<80xi32, #tpu.memory_space<hbm>>
        %dma_wait3A_82 = tpu.memref_slice %arg4[%add3A_66] : memref<320000xi32, #tpu.memory_space<hbm>> -> memref<80xi32, #tpu.memory_space<hbm>>
        tpu.wait_dma2 semaphore(%run_scoped3A : memref<!tpu.dma_semaphore, #tpu.memory_space<semaphore_mem>>) src(%dma_wait3A_82 : memref<80xi32, #tpu.memory_space<hbm>>) dst(%arg7 : memref<80xi32, #tpu.memory_space<vmem>>)
        tpu.yield
      }) : () -> ()
      "tpu.region"() ({
        %run_scoped3A = tpu.sem_alloc : memref<!tpu.dma_semaphore, #tpu.memory_space<semaphore_mem>>
        %dma_start3A_79 = tpu.memref_slice %arg5[%add3A_66] : memref<320000xi32, #tpu.memory_space<hbm>> -> memref<80xi32, #tpu.memory_space<hbm>>
        %dma_start3A_80 = tpu.memref_slice %arg5[%add3A_66] : memref<320000xi32, #tpu.memory_space<hbm>> -> memref<80xi32, #tpu.memory_space<hbm>>
        tpu.enqueue_dma source(%dma_start3A_80 : memref<80xi32, #tpu.memory_space<hbm>>) target(%arg8 : memref<80xi32, #tpu.memory_space<vmem>>) target_semaphore(%run_scoped3A : memref<!tpu.dma_semaphore, #tpu.memory_space<semaphore_mem>>)
        %dma_wait3A_81 = tpu.memref_slice %arg5[%add3A_66] : memref<320000xi32, #tpu.memory_space<hbm>> -> memref<80xi32, #tpu.memory_space<hbm>>
        %dma_wait3A_82 = tpu.memref_slice %arg5[%add3A_66] : memref<320000xi32, #tpu.memory_space<hbm>> -> memref<80xi32, #tpu.memory_space<hbm>>
        tpu.wait_dma2 semaphore(%run_scoped3A : memref<!tpu.dma_semaphore, #tpu.memory_space<semaphore_mem>>) src(%dma_wait3A_82 : memref<80xi32, #tpu.memory_space<hbm>>) dst(%arg8 : memref<80xi32, #tpu.memory_space<vmem>>)
        tpu.yield
      }) : () -> ()
      %dma_start3A = arith.constant 0 : i32
      %dma_start3A_67 = arith.constant 0 : i32
      %dma_start3A_68 = tpu.memref_slice %arg2[%dma_start3A, %dma_start3A_67] : memref<10000x128xf32, #tpu.memory_space<hbm>> -> memref<10000x128xf32, #tpu.memory_space<hbm>>
      tpu.enqueue_indirect_dma source(%dma_start3A_68 : memref<10000x128xf32, #tpu.memory_space<hbm>>) target(%arg9 : memref<80x128xf32, #tpu.memory_space<vmem>>) offsets(%arg7 : memref<80xi32, #tpu.memory_space<vmem>>) semaphore(%arg13 : memref<!tpu.dma_semaphore, #tpu.memory_space<semaphore_mem>>)
      "tpu.region"() ({
        %run_scoped3A = tpu.sem_alloc : memref<!tpu.dma_semaphore, #tpu.memory_space<semaphore_mem>>
        %dma_start3A_79 = arith.constant 0 : i32
        %dma_start3A_80 = tpu.memref_slice %arg3[%add3A_66, %dma_start3A_79] : memref<320000x128xf32, #tpu.memory_space<hbm>> -> memref<80x128xf32, #tpu.memory_space<hbm>>
        %dma_start3A_81 = arith.constant 0 : i32
        %dma_start3A_82 = tpu.memref_slice %arg3[%add3A_66, %dma_start3A_81] : memref<320000x128xf32, #tpu.memory_space<hbm>> -> memref<80x128xf32, #tpu.memory_space<hbm>>
        tpu.enqueue_dma source(%dma_start3A_82 : memref<80x128xf32, #tpu.memory_space<hbm>>) target(%arg10 : memref<80x128xf32, #tpu.memory_space<vmem>>) target_semaphore(%run_scoped3A : memref<!tpu.dma_semaphore, #tpu.memory_space<semaphore_mem>>)
        %dma_wait3A_83 = arith.constant 0 : i32
        %dma_wait3A_84 = tpu.memref_slice %arg3[%add3A_66, %dma_wait3A_83] : memref<320000x128xf32, #tpu.memory_space<hbm>> -> memref<80x128xf32, #tpu.memory_space<hbm>>
        %dma_wait3A_85 = arith.constant 0 : i32
        %dma_wait3A_86 = tpu.memref_slice %arg3[%add3A_66, %dma_wait3A_85] : memref<320000x128xf32, #tpu.memory_space<hbm>> -> memref<80x128xf32, #tpu.memory_space<hbm>>
        tpu.wait_dma2 semaphore(%run_scoped3A : memref<!tpu.dma_semaphore, #tpu.memory_space<semaphore_mem>>) src(%dma_wait3A_86 : memref<80x128xf32, #tpu.memory_space<hbm>>) dst(%arg10 : memref<80x128xf32, #tpu.memory_space<vmem>>)
        tpu.yield
      }) : () -> ()
      %dma_wait3A = arith.constant 0 : i32
      %dma_wait3A_69 = arith.constant 0 : i32
      %dma_wait3A_70 = tpu.memref_slice %arg2[%dma_wait3A, %dma_wait3A_69] : memref<10000x128xf32, #tpu.memory_space<hbm>> -> memref<10000x128xf32, #tpu.memory_space<hbm>>
      tpu.wait_indirect_dma semaphore(%arg13 : memref<!tpu.dma_semaphore, #tpu.memory_space<semaphore_mem>>) src(%dma_wait3A_70 : memref<10000x128xf32, #tpu.memory_space<hbm>>) dst(%arg9 : memref<80x128xf32, #tpu.memory_space<vmem>>)
      %scan3A_71 = arith.constant 0 : i32
      %scan3A_72 = arith.constant 0 : i32
      %scan3A_73 = arith.constant 80 : i32
      %scan3A_74 = arith.addi %scan3A_72, %scan3A_73 : i32
      %scan3A_75 = arith.constant 1 : i32
      %scan3A_76 = scf.for %scan3A_79 = %scan3A_72 to %scan3A_74 step %scan3A_75 iter_args(%scan3A_80 = %scan3A_71) -> (i32)  : i32 {
        %get3A = arith.index_cast %scan3A_79 : i32 to index
        %get3A_81 = arith.constant 0 : index
        %get3A_82 = tpu.vector_load %arg9[%get3A, %get3A_81] {strides = array<i32>} : memref<80x128xf32, #tpu.memory_space<vmem>>, vector<1x16xf32>,
        %get3A_83 = vector.shape_cast %get3A_82 : vector<1x16xf32> to vector<16xf32>
        %get3A_84 = arith.index_cast %scan3A_79 : i32 to index
        %get3A_85 = arith.constant 0 : index
        %get3A_86 = tpu.vector_load %arg10[%get3A_84, %get3A_85] {strides = array<i32>} : memref<80x128xf32, #tpu.memory_space<vmem>>, vector<1x16xf32>,
        %get3A_87 = vector.shape_cast %get3A_86 : vector<1x16xf32> to vector<16xf32>
        %add3A_88 = arith.addf %get3A_83, %get3A_87 : vector<16xf32>
        %max3A = arith.constant 0.000000e+00 : f32
        %max3A_89 = vector.broadcast %max3A : f32 to vector<16xf32>
        %max3A_90 = arith.maximumf %add3A_88, %max3A_89 : vector<16xf32>
        %swap3A = arith.index_cast %scan3A_79 : i32 to index
        %swap3A_91 = arith.constant 0 : index
        %swap3A_92 = tpu.vector_load %arg9[%swap3A, %swap3A_91] {strides = array<i32>} : memref<80x128xf32, #tpu.memory_space<vmem>>, vector<1x16xf32>,
        %swap3A_93 = vector.shape_cast %swap3A_92 : vector<1x16xf32> to vector<16xf32>
        %swap3A_94 = vector.shape_cast %max3A_90 : vector<16xf32> to vector<1x16xf32>
        tpu.vector_store %arg9[%swap3A, %swap3A_91], %swap3A_94 {strides = array<i32>} : memref<80x128xf32, #tpu.memory_space<vmem>>, vector<1x16xf32>,
        %get3A_95 = arith.index_cast %scan3A_79 : i32 to index
        %get3A_96 = arith.constant 16 : index
        %get3A_97 = tpu.vector_load %arg9[%get3A_95, %get3A_96] {strides = array<i32>} : memref<80x128xf32, #tpu.memory_space<vmem>>, vector<1x16xf32>,
        %get3A_98 = vector.shape_cast %get3A_97 : vector<1x16xf32> to vector<16xf32>
        %get3A_99 = arith.index_cast %scan3A_79 : i32 to index
        %get3A_100 = arith.constant 16 : index
        %get3A_101 = tpu.vector_load %arg10[%get3A_99, %get3A_100] {strides = array<i32>} : memref<80x128xf32, #tpu.memory_space<vmem>>, vector<1x16xf32>,
        %get3A_102 = vector.shape_cast %get3A_101 : vector<1x16xf32> to vector<16xf32>
        %add3A_103 = arith.addf %get3A_98, %get3A_102 : vector<16xf32>
        %max3A_104 = arith.constant 0.000000e+00 : f32
        %max3A_105 = vector.broadcast %max3A_104 : f32 to vector<16xf32>
        %max3A_106 = arith.maximumf %add3A_103, %max3A_105 : vector<16xf32>
        %swap3A_107 = arith.index_cast %scan3A_79 : i32 to index
        %swap3A_108 = arith.constant 16 : index
        %swap3A_109 = tpu.vector_load %arg9[%swap3A_107, %swap3A_108] {strides = array<i32>} : memref<80x128xf32, #tpu.memory_space<vmem>>, vector<1x16xf32>,
        %swap3A_110 = vector.shape_cast %swap3A_109 : vector<1x16xf32> to vector<16xf32>
        %swap3A_111 = vector.shape_cast %max3A_106 : vector<16xf32> to vector<1x16xf32>
        tpu.vector_store %arg9[%swap3A_107, %swap3A_108], %swap3A_111 {strides = array<i32>} : memref<80x128xf32, #tpu.memory_space<vmem>>, vector<1x16xf32>,
        %get3A_112 = arith.index_cast %scan3A_79 : i32 to index
        %get3A_113 = arith.constant 32 : index
        %get3A_114 = tpu.vector_load %arg9[%get3A_112, %get3A_113] {strides = array<i32>} : memref<80x128xf32, #tpu.memory_space<vmem>>, vector<1x16xf32>,
        %get3A_115 = vector.shape_cast %get3A_114 : vector<1x16xf32> to vector<16xf32>
        %get3A_116 = arith.index_cast %scan3A_79 : i32 to index
        %get3A_117 = arith.constant 32 : index
        %get3A_118 = tpu.vector_load %arg10[%get3A_116, %get3A_117] {strides = array<i32>} : memref<80x128xf32, #tpu.memory_space<vmem>>, vector<1x16xf32>,
        %get3A_119 = vector.shape_cast %get3A_118 : vector<1x16xf32> to vector<16xf32>
        %add3A_120 = arith.addf %get3A_115, %get3A_119 : vector<16xf32>
        %max3A_121 = arith.constant 0.000000e+00 : f32
        %max3A_122 = vector.broadcast %max3A_121 : f32 to vector<16xf32>
        %max3A_123 = arith.maximumf %add3A_120, %max3A_122 : vector<16xf32>
        %swap3A_124 = arith.index_cast %scan3A_79 : i32 to index
        %swap3A_125 = arith.constant 32 : index
        %swap3A_126 = tpu.vector_load %arg9[%swap3A_124, %swap3A_125] {strides = array<i32>} : memref<80x128xf32, #tpu.memory_space<vmem>>, vector<1x16xf32>,
        %swap3A_127 = vector.shape_cast %swap3A_126 : vector<1x16xf32> to vector<16xf32>
        %swap3A_128 = vector.shape_cast %max3A_123 : vector<16xf32> to vector<1x16xf32>
        tpu.vector_store %arg9[%swap3A_124, %swap3A_125], %swap3A_128 {strides = array<i32>} : memref<80x128xf32, #tpu.memory_space<vmem>>, vector<1x16xf32>,
        %get3A_129 = arith.index_cast %scan3A_79 : i32 to index
        %get3A_130 = arith.constant 48 : index
        %get3A_131 = tpu.vector_load %arg9[%get3A_129, %get3A_130] {strides = array<i32>} : memref<80x128xf32, #tpu.memory_space<vmem>>, vector<1x16xf32>,
        %get3A_132 = vector.shape_cast %get3A_131 : vector<1x16xf32> to vector<16xf32>
        %get3A_133 = arith.index_cast %scan3A_79 : i32 to index
        %get3A_134 = arith.constant 48 : index
        %get3A_135 = tpu.vector_load %arg10[%get3A_133, %get3A_134] {strides = array<i32>} : memref<80x128xf32, #tpu.memory_space<vmem>>, vector<1x16xf32>,
        %get3A_136 = vector.shape_cast %get3A_135 : vector<1x16xf32> to vector<16xf32>
        %add3A_137 = arith.addf %get3A_132, %get3A_136 : vector<16xf32>
        %max3A_138 = arith.constant 0.000000e+00 : f32
        %max3A_139 = vector.broadcast %max3A_138 : f32 to vector<16xf32>
        %max3A_140 = arith.maximumf %add3A_137, %max3A_139 : vector<16xf32>
        %swap3A_141 = arith.index_cast %scan3A_79 : i32 to index
        %swap3A_142 = arith.constant 48 : index
        %swap3A_143 = tpu.vector_load %arg9[%swap3A_141, %swap3A_142] {strides = array<i32>} : memref<80x128xf32, #tpu.memory_space<vmem>>, vector<1x16xf32>,
        %swap3A_144 = vector.shape_cast %swap3A_143 : vector<1x16xf32> to vector<16xf32>
        %swap3A_145 = vector.shape_cast %max3A_140 : vector<16xf32> to vector<1x16xf32>
        tpu.vector_store %arg9[%swap3A_141, %swap3A_142], %swap3A_145 {strides = array<i32>} : memref<80x128xf32, #tpu.memory_space<vmem>>, vector<1x16xf32>,
        %get3A_146 = arith.index_cast %scan3A_79 : i32 to index
        %get3A_147 = arith.constant 64 : index
        %get3A_148 = tpu.vector_load %arg9[%get3A_146, %get3A_147] {strides = array<i32>} : memref<80x128xf32, #tpu.memory_space<vmem>>, vector<1x16xf32>,
        %get3A_149 = vector.shape_cast %get3A_148 : vector<1x16xf32> to vector<16xf32>
        %get3A_150 = arith.index_cast %scan3A_79 : i32 to index
        %get3A_151 = arith.constant 64 : index
        %get3A_152 = tpu.vector_load %arg10[%get3A_150, %get3A_151] {strides = array<i32>} : memref<80x128xf32, #tpu.memory_space<vmem>>, vector<1x16xf32>,
        %get3A_153 = vector.shape_cast %get3A_152 : vector<1x16xf32> to vector<16xf32>
        %add3A_154 = arith.addf %get3A_149, %get3A_153 : vector<16xf32>
        %max3A_155 = arith.constant 0.000000e+00 : f32
        %max3A_156 = vector.broadcast %max3A_155 : f32 to vector<16xf32>
        %max3A_157 = arith.maximumf %add3A_154, %max3A_156 : vector<16xf32>
        %swap3A_158 = arith.index_cast %scan3A_79 : i32 to index
        %swap3A_159 = arith.constant 64 : index
        %swap3A_160 = tpu.vector_load %arg9[%swap3A_158, %swap3A_159] {strides = array<i32>} : memref<80x128xf32, #tpu.memory_space<vmem>>, vector<1x16xf32>,
        %swap3A_161 = vector.shape_cast %swap3A_160 : vector<1x16xf32> to vector<16xf32>
        %swap3A_162 = vector.shape_cast %max3A_157 : vector<16xf32> to vector<1x16xf32>
        tpu.vector_store %arg9[%swap3A_158, %swap3A_159], %swap3A_162 {strides = array<i32>} : memref<80x128xf32, #tpu.memory_space<vmem>>, vector<1x16xf32>,
        %get3A_163 = arith.index_cast %scan3A_79 : i32 to index
        %get3A_164 = arith.constant 80 : index
        %get3A_165 = tpu.vector_load %arg9[%get3A_163, %get3A_164] {strides = array<i32>} : memref<80x128xf32, #tpu.memory_space<vmem>>, vector<1x16xf32>,
        %get3A_166 = vector.shape_cast %get3A_165 : vector<1x16xf32> to vector<16xf32>
        %get3A_167 = arith.index_cast %scan3A_79 : i32 to index
        %get3A_168 = arith.constant 80 : index
        %get3A_169 = tpu.vector_load %arg10[%get3A_167, %get3A_168] {strides = array<i32>} : memref<80x128xf32, #tpu.memory_space<vmem>>, vector<1x16xf32>,
        %get3A_170 = vector.shape_cast %get3A_169 : vector<1x16xf32> to vector<16xf32>
        %add3A_171 = arith.addf %get3A_166, %get3A_170 : vector<16xf32>
        %max3A_172 = arith.constant 0.000000e+00 : f32
        %max3A_173 = vector.broadcast %max3A_172 : f32 to vector<16xf32>
        %max3A_174 = arith.maximumf %add3A_171, %max3A_173 : vector<16xf32>
        %swap3A_175 = arith.index_cast %scan3A_79 : i32 to index
        %swap3A_176 = arith.constant 80 : index
        %swap3A_177 = tpu.vector_load %arg9[%swap3A_175, %swap3A_176] {strides = array<i32>} : memref<80x128xf32, #tpu.memory_space<vmem>>, vector<1x16xf32>,
        %swap3A_178 = vector.shape_cast %swap3A_177 : vector<1x16xf32> to vector<16xf32>
        %swap3A_179 = vector.shape_cast %max3A_174 : vector<16xf32> to vector<1x16xf32>
        tpu.vector_store %arg9[%swap3A_175, %swap3A_176], %swap3A_179 {strides = array<i32>} : memref<80x128xf32, #tpu.memory_space<vmem>>, vector<1x16xf32>,
        %get3A_180 = arith.index_cast %scan3A_79 : i32 to index
        %get3A_181 = arith.constant 96 : index
        %get3A_182 = tpu.vector_load %arg9[%get3A_180, %get3A_181] {strides = array<i32>} : memref<80x128xf32, #tpu.memory_space<vmem>>, vector<1x16xf32>,
        %get3A_183 = vector.shape_cast %get3A_182 : vector<1x16xf32> to vector<16xf32>
        %get3A_184 = arith.index_cast %scan3A_79 : i32 to index
        %get3A_185 = arith.constant 96 : index
        %get3A_186 = tpu.vector_load %arg10[%get3A_184, %get3A_185] {strides = array<i32>} : memref<80x128xf32, #tpu.memory_space<vmem>>, vector<1x16xf32>,
        %get3A_187 = vector.shape_cast %get3A_186 : vector<1x16xf32> to vector<16xf32>
        %add3A_188 = arith.addf %get3A_183, %get3A_187 : vector<16xf32>
        %max3A_189 = arith.constant 0.000000e+00 : f32
        %max3A_190 = vector.broadcast %max3A_189 : f32 to vector<16xf32>
        %max3A_191 = arith.maximumf %add3A_188, %max3A_190 : vector<16xf32>
        %swap3A_192 = arith.index_cast %scan3A_79 : i32 to index
        %swap3A_193 = arith.constant 96 : index
        %swap3A_194 = tpu.vector_load %arg9[%swap3A_192, %swap3A_193] {strides = array<i32>} : memref<80x128xf32, #tpu.memory_space<vmem>>, vector<1x16xf32>,
        %swap3A_195 = vector.shape_cast %swap3A_194 : vector<1x16xf32> to vector<16xf32>
        %swap3A_196 = vector.shape_cast %max3A_191 : vector<16xf32> to vector<1x16xf32>
        tpu.vector_store %arg9[%swap3A_192, %swap3A_193], %swap3A_196 {strides = array<i32>} : memref<80x128xf32, #tpu.memory_space<vmem>>, vector<1x16xf32>,
        %get3A_197 = arith.index_cast %scan3A_79 : i32 to index
        %get3A_198 = arith.constant 112 : index
        %get3A_199 = tpu.vector_load %arg9[%get3A_197, %get3A_198] {strides = array<i32>} : memref<80x128xf32, #tpu.memory_space<vmem>>, vector<1x16xf32>,
        %get3A_200 = vector.shape_cast %get3A_199 : vector<1x16xf32> to vector<16xf32>
        %get3A_201 = arith.index_cast %scan3A_79 : i32 to index
        %get3A_202 = arith.constant 112 : index
        %get3A_203 = tpu.vector_load %arg10[%get3A_201, %get3A_202] {strides = array<i32>} : memref<80x128xf32, #tpu.memory_space<vmem>>, vector<1x16xf32>,
        %get3A_204 = vector.shape_cast %get3A_203 : vector<1x16xf32> to vector<16xf32>
        %add3A_205 = arith.addf %get3A_200, %get3A_204 : vector<16xf32>
        %max3A_206 = arith.constant 0.000000e+00 : f32
        %max3A_207 = vector.broadcast %max3A_206 : f32 to vector<16xf32>
        %max3A_208 = arith.maximumf %add3A_205, %max3A_207 : vector<16xf32>
        %swap3A_209 = arith.index_cast %scan3A_79 : i32 to index
        %swap3A_210 = arith.constant 112 : index
        %swap3A_211 = tpu.vector_load %arg9[%swap3A_209, %swap3A_210] {strides = array<i32>} : memref<80x128xf32, #tpu.memory_space<vmem>>, vector<1x16xf32>,
        %swap3A_212 = vector.shape_cast %swap3A_211 : vector<1x16xf32> to vector<16xf32>
        %swap3A_213 = vector.shape_cast %max3A_208 : vector<16xf32> to vector<1x16xf32>
        tpu.vector_store %arg9[%swap3A_209, %swap3A_210], %swap3A_213 {strides = array<i32>} : memref<80x128xf32, #tpu.memory_space<vmem>>, vector<1x16xf32>,
        %scan3A_214 = arith.constant 0 : i32
        scf.yield %scan3A_214 : i32
      }
      %scan3A_77 = arith.constant 80 : i32
      "tpu.region"() ({
        %run_scoped3A = tpu.sem_alloc : memref<!tpu.dma_semaphore, #tpu.memory_space<semaphore_mem>>
        %dma_start3A_79 = arith.constant 0 : i32
        %dma_start3A_80 = arith.constant 0 : i32
        %dma_start3A_81 = tpu.memref_slice %arg12[%dma_start3A_79, %dma_start3A_80] : memref<10000x128xf32, #tpu.memory_space<vmem_shared>> -> memref<10000x128xf32, #tpu.memory_space<vmem_shared>>
        tpu.enqueue_indirect_dma source(%arg9 : memref<80x128xf32, #tpu.memory_space<vmem>>) target(%dma_start3A_81 : memref<10000x128xf32, #tpu.memory_space<vmem_shared>>) offsets(%arg8 : memref<80xi32, #tpu.memory_space<vmem>>) semaphore(%run_scoped3A : memref<!tpu.dma_semaphore, #tpu.memory_space<semaphore_mem>>) {add = true}
        %dma_wait3A_82 = arith.constant 0 : i32
        %dma_wait3A_83 = arith.constant 0 : i32
        %dma_wait3A_84 = tpu.memref_slice %arg12[%dma_wait3A_82, %dma_wait3A_83] : memref<10000x128xf32, #tpu.memory_space<vmem_shared>> -> memref<10000x128xf32, #tpu.memory_space<vmem_shared>>
        tpu.wait_indirect_dma semaphore(%run_scoped3A : memref<!tpu.dma_semaphore, #tpu.memory_space<semaphore_mem>>) src(%arg9 : memref<80x128xf32, #tpu.memory_space<vmem>>) dst(%dma_wait3A_84 : memref<10000x128xf32, #tpu.memory_space<vmem_shared>>)
        tpu.yield
      }) : () -> ()
      %scan3A_78 = arith.constant 0 : i32
      scf.yield %scan3A_78 : i32
    }
    %scan3A_46 = arith.constant 125 : i32
    %barrier3A_47 = arith.constant 0 : index
    tpu.barrier barrier_id(%barrier3A_47)
    %while3A_48 = arith.constant 0 : i32
    %while3A_49 = arith.constant 0 : i32
    %while3A_50 = arith.subi %select_n3A, %while3A_48 : i32
    %while3A_51 = arith.addi %while3A_48, %while3A_50 : i32
    %while3A_52 = arith.constant 1 : i32
    %while3A_53 = arith.divsi %while3A_50, %while3A_52 : i32
    %while3A_54 = arith.muli %while3A_53, %while3A_52 : i32
    %while3A_55 = arith.addi %while3A_48, %while3A_54 : i32
    %while3A_56 = arith.constant 1 : i32
    %while3A_57 = scf.for %while3A_60 = %while3A_48 to %while3A_55 step %while3A_56 iter_args(%while3A_61 = %while3A_49) -> (i32)  : i32 {
      %mul3A_62 = arith.constant 16 : i32
      %mul3A_63 = arith.muli %while3A_60, %mul3A_62 : i32
      %add3A_64 = arith.addi %mul3A_63, %arg1 : i32
      %mul3A_65 = arith.constant 80 : i32
      %mul3A_66 = arith.muli %add3A_64, %mul3A_65 : i32
      "tpu.region"() ({
        %run_scoped3A = tpu.sem_alloc : memref<!tpu.dma_semaphore, #tpu.memory_space<semaphore_mem>>
        %dma_start3A = arith.constant 0 : i32
        %dma_start3A_68 = tpu.memref_slice %arg12[%mul3A_66, %dma_start3A] : memref<10000x128xf32, #tpu.memory_space<vmem_shared>> -> memref<80x128xf32, #tpu.memory_space<vmem_shared>>
        %dma_start3A_69 = arith.constant 0 : i32
        %dma_start3A_70 = tpu.memref_slice %arg12[%mul3A_66, %dma_start3A_69] : memref<10000x128xf32, #tpu.memory_space<vmem_shared>> -> memref<80x128xf32, #tpu.memory_space<vmem_shared>>
        tpu.enqueue_dma source(%dma_start3A_70 : memref<80x128xf32, #tpu.memory_space<vmem_shared>>) target(%arg11 : memref<80x128xf32, #tpu.memory_space<vmem>>) target_semaphore(%run_scoped3A : memref<!tpu.dma_semaphore, #tpu.memory_space<semaphore_mem>>)
        %dma_wait3A = arith.constant 0 : i32
        %dma_wait3A_71 = tpu.memref_slice %arg12[%mul3A_66, %dma_wait3A] : memref<10000x128xf32, #tpu.memory_space<vmem_shared>> -> memref<80x128xf32, #tpu.memory_space<vmem_shared>>
        %dma_wait3A_72 = arith.constant 0 : i32
        %dma_wait3A_73 = tpu.memref_slice %arg12[%mul3A_66, %dma_wait3A_72] : memref<10000x128xf32, #tpu.memory_space<vmem_shared>> -> memref<80x128xf32, #tpu.memory_space<vmem_shared>>
        tpu.wait_dma2 semaphore(%run_scoped3A : memref<!tpu.dma_semaphore, #tpu.memory_space<semaphore_mem>>) src(%dma_wait3A_73 : memref<80x128xf32, #tpu.memory_space<vmem_shared>>) dst(%arg11 : memref<80x128xf32, #tpu.memory_space<vmem>>)
        tpu.yield
      }) : () -> ()
      "tpu.region"() ({
        %run_scoped3A = tpu.sem_alloc : memref<!tpu.dma_semaphore, #tpu.memory_space<semaphore_mem>>
        %dma_start3A = arith.constant 0 : i32
        %dma_start3A_68 = tpu.memref_slice %arg6[%arg0, %mul3A_66, %dma_start3A] : memref<2x10000x128xf32, #tpu.memory_space<hbm>> -> memref<1x80x128xf32, #tpu.memory_space<hbm>>
        %dma_start3A_69 = tpu.memref_squeeze %dma_start3A_68 : memref<1x80x128xf32, #tpu.memory_space<hbm>> -> memref<80x128xf32, #tpu.memory_space<hbm>>
        %dma_start3A_70 = arith.constant 0 : i32
        %dma_start3A_71 = tpu.memref_slice %arg6[%arg0, %mul3A_66, %dma_start3A_70] : memref<2x10000x128xf32, #tpu.memory_space<hbm>> -> memref<1x80x128xf32, #tpu.memory_space<hbm>>
        %dma_start3A_72 = tpu.memref_squeeze %dma_start3A_71 : memref<1x80x128xf32, #tpu.memory_space<hbm>> -> memref<80x128xf32, #tpu.memory_space<hbm>>
        tpu.enqueue_dma source(%arg11 : memref<80x128xf32, #tpu.memory_space<vmem>>) target(%dma_start3A_72 : memref<80x128xf32, #tpu.memory_space<hbm>>) target_semaphore(%run_scoped3A : memref<!tpu.dma_semaphore, #tpu.memory_space<semaphore_mem>>)
        %dma_wait3A = arith.constant 0 : i32
        %dma_wait3A_73 = tpu.memref_slice %arg6[%arg0, %mul3A_66, %dma_wait3A] : memref<2x10000x128xf32, #tpu.memory_space<hbm>> -> memref<1x80x128xf32, #tpu.memory_space<hbm>>
        %dma_wait3A_74 = tpu.memref_squeeze %dma_wait3A_73 : memref<1x80x128xf32, #tpu.memory_space<hbm>> -> memref<80x128xf32, #tpu.memory_space<hbm>>
        %dma_wait3A_75 = arith.constant 0 : i32
        %dma_wait3A_76 = tpu.memref_slice %arg6[%arg0, %mul3A_66, %dma_wait3A_75] : memref<2x10000x128xf32, #tpu.memory_space<hbm>> -> memref<1x80x128xf32, #tpu.memory_space<hbm>>
        %dma_wait3A_77 = tpu.memref_squeeze %dma_wait3A_76 : memref<1x80x128xf32, #tpu.memory_space<hbm>> -> memref<80x128xf32, #tpu.memory_space<hbm>>
        tpu.wait_dma2 semaphore(%run_scoped3A : memref<!tpu.dma_semaphore, #tpu.memory_space<semaphore_mem>>) src(%arg11 : memref<80x128xf32, #tpu.memory_space<vmem>>) dst(%dma_wait3A_77 : memref<80x128xf32, #tpu.memory_space<hbm>>)
        tpu.yield
      }) : () -> ()
      %while3A_67 = arith.constant 0 : i32
      scf.yield %while3A_67 : i32
    }
    %while3A_58 = arith.constant 1 : i32
    %while3A_59 = scf.for %while3A_60 = %while3A_55 to %while3A_51 step %while3A_58 iter_args(%while3A_61 = %while3A_57) -> (i32)  : i32 {
      %mul3A_62 = arith.constant 16 : i32
      %mul3A_63 = arith.muli %while3A_60, %mul3A_62 : i32
      %add3A_64 = arith.addi %mul3A_63, %arg1 : i32
      %mul3A_65 = arith.constant 80 : i32
      %mul3A_66 = arith.muli %add3A_64, %mul3A_65 : i32
      "tpu.region"() ({
        %run_scoped3A = tpu.sem_alloc : memref<!tpu.dma_semaphore, #tpu.memory_space<semaphore_mem>>
        %dma_start3A = arith.constant 0 : i32
        %dma_start3A_68 = tpu.memref_slice %arg12[%mul3A_66, %dma_start3A] : memref<10000x128xf32, #tpu.memory_space<vmem_shared>> -> memref<80x128xf32, #tpu.memory_space<vmem_shared>>
        %dma_start3A_69 = arith.constant 0 : i32
        %dma_start3A_70 = tpu.memref_slice %arg12[%mul3A_66, %dma_start3A_69] : memref<10000x128xf32, #tpu.memory_space<vmem_shared>> -> memref<80x128xf32, #tpu.memory_space<vmem_shared>>
        tpu.enqueue_dma source(%dma_start3A_70 : memref<80x128xf32, #tpu.memory_space<vmem_shared>>) target(%arg11 : memref<80x128xf32, #tpu.memory_space<vmem>>) target_semaphore(%run_scoped3A : memref<!tpu.dma_semaphore, #tpu.memory_space<semaphore_mem>>)
        %dma_wait3A = arith.constant 0 : i32
        %dma_wait3A_71 = tpu.memref_slice %arg12[%mul3A_66, %dma_wait3A] : memref<10000x128xf32, #tpu.memory_space<vmem_shared>> -> memref<80x128xf32, #tpu.memory_space<vmem_shared>>
        %dma_wait3A_72 = arith.constant 0 : i32
        %dma_wait3A_73 = tpu.memref_slice %arg12[%mul3A_66, %dma_wait3A_72] : memref<10000x128xf32, #tpu.memory_space<vmem_shared>> -> memref<80x128xf32, #tpu.memory_space<vmem_shared>>
        tpu.wait_dma2 semaphore(%run_scoped3A : memref<!tpu.dma_semaphore, #tpu.memory_space<semaphore_mem>>) src(%dma_wait3A_73 : memref<80x128xf32, #tpu.memory_space<vmem_shared>>) dst(%arg11 : memref<80x128xf32, #tpu.memory_space<vmem>>)
        tpu.yield
      }) : () -> ()
      "tpu.region"() ({
        %run_scoped3A = tpu.sem_alloc : memref<!tpu.dma_semaphore, #tpu.memory_space<semaphore_mem>>
        %dma_start3A = arith.constant 0 : i32
        %dma_start3A_68 = tpu.memref_slice %arg6[%arg0, %mul3A_66, %dma_start3A] : memref<2x10000x128xf32, #tpu.memory_space<hbm>> -> memref<1x80x128xf32, #tpu.memory_space<hbm>>
        %dma_start3A_69 = tpu.memref_squeeze %dma_start3A_68 : memref<1x80x128xf32, #tpu.memory_space<hbm>> -> memref<80x128xf32, #tpu.memory_space<hbm>>
        %dma_start3A_70 = arith.constant 0 : i32
        %dma_start3A_71 = tpu.memref_slice %arg6[%arg0, %mul3A_66, %dma_start3A_70] : memref<2x10000x128xf32, #tpu.memory_space<hbm>> -> memref<1x80x128xf32, #tpu.memory_space<hbm>>
        %dma_start3A_72 = tpu.memref_squeeze %dma_start3A_71 : memref<1x80x128xf32, #tpu.memory_space<hbm>> -> memref<80x128xf32, #tpu.memory_space<hbm>>
        tpu.enqueue_dma source(%arg11 : memref<80x128xf32, #tpu.memory_space<vmem>>) target(%dma_start3A_72 : memref<80x128xf32, #tpu.memory_space<hbm>>) target_semaphore(%run_scoped3A : memref<!tpu.dma_semaphore, #tpu.memory_space<semaphore_mem>>)
        %dma_wait3A = arith.constant 0 : i32
        %dma_wait3A_73 = tpu.memref_slice %arg6[%arg0, %mul3A_66, %dma_wait3A] : memref<2x10000x128xf32, #tpu.memory_space<hbm>> -> memref<1x80x128xf32, #tpu.memory_space<hbm>>
        %dma_wait3A_74 = tpu.memref_squeeze %dma_wait3A_73 : memref<1x80x128xf32, #tpu.memory_space<hbm>> -> memref<80x128xf32, #tpu.memory_space<hbm>>
        %dma_wait3A_75 = arith.constant 0 : i32
        %dma_wait3A_76 = tpu.memref_slice %arg6[%arg0, %mul3A_66, %dma_wait3A_75] : memref<2x10000x128xf32, #tpu.memory_space<hbm>> -> memref<1x80x128xf32, #tpu.memory_space<hbm>>
        %dma_wait3A_77 = tpu.memref_squeeze %dma_wait3A_76 : memref<1x80x128xf32, #tpu.memory_space<hbm>> -> memref<80x128xf32, #tpu.memory_space<hbm>>
        tpu.wait_dma2 semaphore(%run_scoped3A : memref<!tpu.dma_semaphore, #tpu.memory_space<semaphore_mem>>) src(%arg11 : memref<80x128xf32, #tpu.memory_space<vmem>>) dst(%dma_wait3A_77 : memref<80x128xf32, #tpu.memory_space<hbm>>)
        tpu.yield
      }) : () -> ()
      %while3A_67 = arith.constant 0 : i32
      scf.yield %while3A_67 : i32
    }
    return
  }
}

module attributes {stable_mosaic.version = 14 : i64} {
  func.func @_edge_body(%arg0: i32, %arg1: memref<4000x16xf32, #tpu.memory_space<vmem>>, %arg2: memref<16x384xf32, #tpu.memory_space<vmem>>, %arg3: memref<1x384xf32, #tpu.memory_space<vmem>>, %arg4: memref<4000x128xf32, #tpu.memory_space<vmem>>, %arg5: memref<4000x128xf32, #tpu.memory_space<vmem>>, %arg6: memref<4000x128xf32, #tpu.memory_space<vmem>>) attributes {dimension_semantics = [#tpu.dimension_semantics<arbitrary>], iteration_bounds = array<i64: 80>, scalar_prefetch = 0 : i64, scratch_operands = 0 : i64, tpu.core_type = #tpu.core_type<tc>, window_params = [{transform_indices = @transform_0, window_bounds = array<i64: 4000, 16>}, {pipeline_mode = #tpu.pipeline_mode<synchronous>, transform_indices = @transform_1, window_bounds = array<i64: 16, 384>}, {pipeline_mode = #tpu.pipeline_mode<synchronous>, transform_indices = @transform_2, window_bounds = array<i64: 1, 384>}, {transform_indices = @transform_3, window_bounds = array<i64: 4000, 128>}, {transform_indices = @transform_4, window_bounds = array<i64: 4000, 128>}, {transform_indices = @transform_5, window_bounds = array<i64: 4000, 128>}]} {
    %get3A = arith.constant 0 : index
    %get3A_0 = arith.constant 0 : index
    %get3A_1 = vector.load %arg1[%get3A, %get3A_0] : memref<4000x16xf32, #tpu.memory_space<vmem>>, vector<4000x16xf32>
    %convert_element_type3A = arith.truncf %get3A_1 : vector<4000x16xf32> to vector<4000x16xbf16>
    %get3A_2 = arith.constant 0 : index
    %get3A_3 = arith.constant 0 : index
    %get3A_4 = vector.load %arg2[%get3A_2, %get3A_3] : memref<16x384xf32, #tpu.memory_space<vmem>>, vector<16x384xf32>
    %convert_element_type3A_5 = arith.truncf %get3A_4 : vector<16x384xf32> to vector<16x384xbf16>
    %dot_general3A = arith.constant dense<0.000000e+00> : vector<4000x384xf32>
    %dot_general3A_6 = tpu.matmul %convert_element_type3A, %convert_element_type3A_5, %dot_general3A {dimension_numbers = #tpu.dot_dimension_numbers<[1], [0], [0], [1], [0, 0, 1, 1], [], []>, transpose_lhs_hint = false} : vector<4000x16xbf16>, vector<16x384xbf16>, vector<4000x384xf32> -> vector<4000x384xf32>
    %get3A_7 = arith.constant 0 : index
    %get3A_8 = arith.constant 0 : index
    %get3A_9 = vector.load %arg3[%get3A_7, %get3A_8] : memref<1x384xf32, #tpu.memory_space<vmem>>, vector<1x384xf32>
    %add3A = vector.broadcast %get3A_9 : vector<1x384xf32> to vector<4000x384xf32>
    %add3A_10 = arith.addf %dot_general3A_6, %add3A : vector<4000x384xf32>
    %slice3A = vector.extract_strided_slice %add3A_10 {offsets = [0, 0], sizes = [4000, 128], strides = [1, 1]} : vector<4000x384xf32> to vector<4000x128xf32>
    %swap3A = arith.constant 0 : index
    %swap3A_11 = arith.constant 0 : index
    %swap3A_12 = vector.load %arg4[%swap3A, %swap3A_11] : memref<4000x128xf32, #tpu.memory_space<vmem>>, vector<4000x128xf32>
    tpu.vector_store %arg4[%swap3A, %swap3A_11], %slice3A {strides = array<i32>} : memref<4000x128xf32, #tpu.memory_space<vmem>>, vector<4000x128xf32>,
    %slice3A_13 = vector.extract_strided_slice %add3A_10 {offsets = [0, 128], sizes = [4000, 128], strides = [1, 1]} : vector<4000x384xf32> to vector<4000x128xf32>
    %swap3A_14 = arith.constant 0 : index
    %swap3A_15 = arith.constant 0 : index
    %swap3A_16 = vector.load %arg5[%swap3A_14, %swap3A_15] : memref<4000x128xf32, #tpu.memory_space<vmem>>, vector<4000x128xf32>
    tpu.vector_store %arg5[%swap3A_14, %swap3A_15], %slice3A_13 {strides = array<i32>} : memref<4000x128xf32, #tpu.memory_space<vmem>>, vector<4000x128xf32>,
    %slice3A_17 = vector.extract_strided_slice %add3A_10 {offsets = [0, 256], sizes = [4000, 128], strides = [1, 1]} : vector<4000x384xf32> to vector<4000x128xf32>
    %swap3A_18 = arith.constant 0 : index
    %swap3A_19 = arith.constant 0 : index
    %swap3A_20 = vector.load %arg6[%swap3A_18, %swap3A_19] : memref<4000x128xf32, #tpu.memory_space<vmem>>, vector<4000x128xf32>
    tpu.vector_store %arg6[%swap3A_18, %swap3A_19], %slice3A_17 {strides = array<i32>} : memref<4000x128xf32, #tpu.memory_space<vmem>>, vector<4000x128xf32>,
    return
  }
  func.func @transform_0(%arg0: i32) -> (i32, i32) {
    %c0_i32 = arith.constant 0 : i32
    %c0_i32_0 = arith.constant 0 : i32
    return %arg0, %c0_i32 : i32, i32
  }
  func.func @transform_1(%arg0: i32) -> (i32, i32) {
    %c0_i32 = arith.constant 0 : i32
    %c0_i32_0 = arith.constant 0 : i32
    %c0_i32_1 = arith.constant 0 : i32
    return %c0_i32, %c0_i32_0 : i32, i32
  }
  func.func @transform_2(%arg0: i32) -> (i32, i32) {
    %c0_i32 = arith.constant 0 : i32
    %c0_i32_0 = arith.constant 0 : i32
    %c0_i32_1 = arith.constant 0 : i32
    return %c0_i32, %c0_i32_0 : i32, i32
  }
  func.func @transform_3(%arg0: i32) -> (i32, i32) {
    %c0_i32 = arith.constant 0 : i32
    %c0_i32_0 = arith.constant 0 : i32
    return %arg0, %c0_i32 : i32, i32
  }
  func.func @transform_4(%arg0: i32) -> (i32, i32) {
    %c0_i32 = arith.constant 0 : i32
    %c0_i32_0 = arith.constant 0 : i32
    return %arg0, %c0_i32 : i32, i32
  }
  func.func @transform_5(%arg0: i32) -> (i32, i32) {
    %c0_i32 = arith.constant 0 : i32
    %c0_i32_0 = arith.constant 0 : i32
    return %arg0, %c0_i32 : i32, i32
  }
}

module attributes {stable_mosaic.version = 14 : i64} {
  func.func @_update_body(%arg0: i32, %arg1: memref<1000x128xf32, #tpu.memory_space<vmem>>, %arg2: memref<2x1000x128xf32, #tpu.memory_space<vmem>>, %arg3: memref<128x128xf32, #tpu.memory_space<vmem>>, %arg4: memref<1x128xf32, #tpu.memory_space<vmem>>, %arg5: memref<128x128xf32, #tpu.memory_space<vmem>>, %arg6: memref<1x128xf32, #tpu.memory_space<vmem>>, %arg7: memref<1x1xf32, #tpu.memory_space<vmem>>, %arg8: memref<1000x128xf32, #tpu.memory_space<vmem>>) attributes {dimension_semantics = [#tpu.dimension_semantics<arbitrary>], iteration_bounds = array<i64: 10>, scalar_prefetch = 0 : i64, scratch_operands = 0 : i64, tpu.core_type = #tpu.core_type<tc>, window_params = [{transform_indices = @transform_0, window_bounds = array<i64: 1000, 128>}, {transform_indices = @transform_1, window_bounds = array<i64: 2, 1000, 128>}, {pipeline_mode = #tpu.pipeline_mode<synchronous>, transform_indices = @transform_2, window_bounds = array<i64: 128, 128>}, {pipeline_mode = #tpu.pipeline_mode<synchronous>, transform_indices = @transform_3, window_bounds = array<i64: 1, 128>}, {pipeline_mode = #tpu.pipeline_mode<synchronous>, transform_indices = @transform_4, window_bounds = array<i64: 128, 128>}, {pipeline_mode = #tpu.pipeline_mode<synchronous>, transform_indices = @transform_5, window_bounds = array<i64: 1, 128>}, {pipeline_mode = #tpu.pipeline_mode<synchronous>, transform_indices = @transform_6, window_bounds = array<i64: 1, 1>}, {transform_indices = @transform_7, window_bounds = array<i64: 1000, 128>}]} {
    %get3A = arith.constant 0 : index
    %get3A_0 = arith.constant 0 : index
    %get3A_1 = arith.constant 0 : index
    %get3A_2 = vector.load %arg2[%get3A, %get3A_0, %get3A_1] : memref<2x1000x128xf32, #tpu.memory_space<vmem>>, vector<1x1000x128xf32>
    %get3A_3 = vector.shape_cast %get3A_2 : vector<1x1000x128xf32> to vector<1000x128xf32>
    %get3A_4 = arith.constant 1 : index
    %get3A_5 = arith.constant 0 : index
    %get3A_6 = arith.constant 0 : index
    %get3A_7 = vector.load %arg2[%get3A_4, %get3A_5, %get3A_6] : memref<2x1000x128xf32, #tpu.memory_space<vmem>>, vector<1x1000x128xf32>
    %get3A_8 = vector.shape_cast %get3A_7 : vector<1x1000x128xf32> to vector<1000x128xf32>
    %add3A = arith.addf %get3A_3, %get3A_8 : vector<1000x128xf32>
    %get3A_9 = arith.constant 0 : index
    %get3A_10 = arith.constant 0 : index
    %get3A_11 = vector.load %arg1[%get3A_9, %get3A_10] : memref<1000x128xf32, #tpu.memory_space<vmem>>, vector<1000x128xf32>
    %get3A_12 = arith.constant 0 : index
    %get3A_13 = arith.constant 0 : index
    %get3A_14 = vector.load %arg7[%get3A_12, %get3A_13] : memref<1x1xf32, #tpu.memory_space<vmem>>, vector<1x1xf32>
    %get3A_15 = vector.extract %get3A_14[0, 0] : f32 from vector<1x1xf32>
    %mul3A = vector.broadcast %get3A_15 : f32 to vector<1000x128xf32>
    %mul3A_16 = arith.mulf %get3A_11, %mul3A : vector<1000x128xf32>
    %add3A_17 = arith.addf %mul3A_16, %add3A : vector<1000x128xf32>
    %convert_element_type3A = arith.truncf %add3A_17 : vector<1000x128xf32> to vector<1000x128xbf16>
    %get3A_18 = arith.constant 0 : index
    %get3A_19 = arith.constant 0 : index
    %get3A_20 = vector.load %arg3[%get3A_18, %get3A_19] : memref<128x128xf32, #tpu.memory_space<vmem>>, vector<128x128xf32>
    %convert_element_type3A_21 = arith.truncf %get3A_20 : vector<128x128xf32> to vector<128x128xbf16>
    %dot_general3A = arith.constant dense<0.000000e+00> : vector<1000x128xf32>
    %dot_general3A_22 = tpu.matmul %convert_element_type3A, %convert_element_type3A_21, %dot_general3A {dimension_numbers = #tpu.dot_dimension_numbers<[1], [0], [0], [1], [0, 0, 1, 1], [], []>, transpose_lhs_hint = false} : vector<1000x128xbf16>, vector<128x128xbf16>, vector<1000x128xf32> -> vector<1000x128xf32>
    %get3A_23 = arith.constant 0 : index
    %get3A_24 = arith.constant 0 : index
    %get3A_25 = vector.load %arg4[%get3A_23, %get3A_24] : memref<1x128xf32, #tpu.memory_space<vmem>>, vector<1x128xf32>
    %add3A_26 = vector.broadcast %get3A_25 : vector<1x128xf32> to vector<1000x128xf32>
    %add3A_27 = arith.addf %dot_general3A_22, %add3A_26 : vector<1000x128xf32>
    %max3A = arith.constant 0.000000e+00 : f32
    %max3A_28 = vector.broadcast %max3A : f32 to vector<1000x128xf32>
    %max3A_29 = arith.maximumf %add3A_27, %max3A_28 : vector<1000x128xf32>
    %convert_element_type3A_30 = arith.truncf %max3A_29 : vector<1000x128xf32> to vector<1000x128xbf16>
    %get3A_31 = arith.constant 0 : index
    %get3A_32 = arith.constant 0 : index
    %get3A_33 = vector.load %arg5[%get3A_31, %get3A_32] : memref<128x128xf32, #tpu.memory_space<vmem>>, vector<128x128xf32>
    %convert_element_type3A_34 = arith.truncf %get3A_33 : vector<128x128xf32> to vector<128x128xbf16>
    %dot_general3A_35 = arith.constant dense<0.000000e+00> : vector<1000x128xf32>
    %dot_general3A_36 = tpu.matmul %convert_element_type3A_30, %convert_element_type3A_34, %dot_general3A_35 {dimension_numbers = #tpu.dot_dimension_numbers<[1], [0], [0], [1], [0, 0, 1, 1], [], []>, transpose_lhs_hint = false} : vector<1000x128xbf16>, vector<128x128xbf16>, vector<1000x128xf32> -> vector<1000x128xf32>
    %get3A_37 = arith.constant 0 : index
    %get3A_38 = arith.constant 0 : index
    %get3A_39 = vector.load %arg6[%get3A_37, %get3A_38] : memref<1x128xf32, #tpu.memory_space<vmem>>, vector<1x128xf32>
    %add3A_40 = vector.broadcast %get3A_39 : vector<1x128xf32> to vector<1000x128xf32>
    %add3A_41 = arith.addf %dot_general3A_36, %add3A_40 : vector<1000x128xf32>
    %swap3A = arith.constant 0 : index
    %swap3A_42 = arith.constant 0 : index
    %swap3A_43 = vector.load %arg8[%swap3A, %swap3A_42] : memref<1000x128xf32, #tpu.memory_space<vmem>>, vector<1000x128xf32>
    tpu.vector_store %arg8[%swap3A, %swap3A_42], %add3A_41 {strides = array<i32>} : memref<1000x128xf32, #tpu.memory_space<vmem>>, vector<1000x128xf32>,
    return
  }
  func.func @transform_0(%arg0: i32) -> (i32, i32) {
    %c0_i32 = arith.constant 0 : i32
    %c0_i32_0 = arith.constant 0 : i32
    return %arg0, %c0_i32 : i32, i32
  }
  func.func @transform_1(%arg0: i32) -> (i32, i32, i32) {
    %c0_i32 = arith.constant 0 : i32
    %c0_i32_0 = arith.constant 0 : i32
    %c0_i32_1 = arith.constant 0 : i32
    return %c0_i32, %arg0, %c0_i32_0 : i32, i32, i32
  }
  func.func @transform_2(%arg0: i32) -> (i32, i32) {
    %c0_i32 = arith.constant 0 : i32
    %c0_i32_0 = arith.constant 0 : i32
    %c0_i32_1 = arith.constant 0 : i32
    return %c0_i32, %c0_i32_0 : i32, i32
  }
  func.func @transform_3(%arg0: i32) -> (i32, i32) {
    %c0_i32 = arith.constant 0 : i32
    %c0_i32_0 = arith.constant 0 : i32
    %c0_i32_1 = arith.constant 0 : i32
    return %c0_i32, %c0_i32_0 : i32, i32
  }
  func.func @transform_4(%arg0: i32) -> (i32, i32) {
    %c0_i32 = arith.constant 0 : i32
    %c0_i32_0 = arith.constant 0 : i32
    %c0_i32_1 = arith.constant 0 : i32
    return %c0_i32, %c0_i32_0 : i32, i32
  }
  func.func @transform_5(%arg0: i32) -> (i32, i32) {
    %c0_i32 = arith.constant 0 : i32
    %c0_i32_0 = arith.constant 0 : i32
    %c0_i32_1 = arith.constant 0 : i32
    return %c0_i32, %c0_i32_0 : i32, i32
  }
  func.func @transform_6(%arg0: i32) -> (i32, i32) {
    %c0_i32 = arith.constant 0 : i32
    %c0_i32_0 = arith.constant 0 : i32
    %c0_i32_1 = arith.constant 0 : i32
    return %c0_i32, %c0_i32_0 : i32, i32
  }
  func.func @transform_7(%arg0: i32) -> (i32, i32) {
    %c0_i32 = arith.constant 0 : i32
    %c0_i32_0 = arith.constant 0 : i32
    return %arg0, %c0_i32 : i32, i32
  }
}

module attributes {stable_mosaic.version = 14 : i64} {
  func.func @_final_body(%arg0: i32, %arg1: memref<1000x128xf32, #tpu.memory_space<vmem>>, %arg2: memref<1000x128xf32, #tpu.memory_space<vmem>>, %arg3: memref<1000x128xf32, #tpu.memory_space<vmem>>, %arg4: memref<1x1x1000xi32, #tpu.memory_space<vmem>>, %arg5: memref<128x128xf32, #tpu.memory_space<vmem>>, %arg6: memref<128x128xf32, #tpu.memory_space<vmem>>, %arg7: memref<128x128xf32, #tpu.memory_space<vmem>>, %arg8: memref<1x128xf32, #tpu.memory_space<vmem>>, %arg9: memref<1x128xf32, #tpu.memory_space<vmem>>, %arg10: memref<1x128xf32, #tpu.memory_space<vmem>>, %arg11: memref<1x128xf32, #tpu.memory_space<vmem>>, %arg12: memref<1x128xf32, #tpu.memory_space<vmem>>, %arg13: memref<128x64xf32, #tpu.memory_space<vmem>>, %arg14: memref<1x64xf32, #tpu.memory_space<vmem>>, %arg15: memref<64x1xf32, #tpu.memory_space<vmem>>, %arg16: memref<1x1xf32, #tpu.memory_space<vmem>>, %arg17: memref<64x1xf32, #tpu.memory_space<vmem>>, %arg18: memref<64x128xf32, #tpu.memory_space<vmem>>, %arg19: memref<64x1xf32, #tpu.memory_space<vmem>>) attributes {dimension_semantics = [#tpu.dimension_semantics<arbitrary>], iteration_bounds = array<i64: 10>, scalar_prefetch = 0 : i64, scratch_operands = 2 : i64, tpu.core_type = #tpu.core_type<tc>, window_params = [{transform_indices = @transform_0, window_bounds = array<i64: 1000, 128>}, {transform_indices = @transform_1, window_bounds = array<i64: 1000, 128>}, {transform_indices = @transform_2, window_bounds = array<i64: 1000, 128>}, {transform_indices = @transform_3, window_bounds = array<i64: 1, 1, 1000>}, {pipeline_mode = #tpu.pipeline_mode<synchronous>, transform_indices = @transform_4, window_bounds = array<i64: 128, 128>}, {pipeline_mode = #tpu.pipeline_mode<synchronous>, transform_indices = @transform_5, window_bounds = array<i64: 128, 128>}, {pipeline_mode = #tpu.pipeline_mode<synchronous>, transform_indices = @transform_6, window_bounds = array<i64: 128, 128>}, {pipeline_mode = #tpu.pipeline_mode<synchronous>, transform_indices = @transform_7, window_bounds = array<i64: 1, 128>}, {pipeline_mode = #tpu.pipeline_mode<synchronous>, transform_indices = @transform_8, window_bounds = array<i64: 1, 128>}, {pipeline_mode = #tpu.pipeline_mode<synchronous>, transform_indices = @transform_9, window_bounds = array<i64: 1, 128>}, {pipeline_mode = #tpu.pipeline_mode<synchronous>, transform_indices = @transform_10, window_bounds = array<i64: 1, 128>}, {pipeline_mode = #tpu.pipeline_mode<synchronous>, transform_indices = @transform_11, window_bounds = array<i64: 1, 128>}, {pipeline_mode = #tpu.pipeline_mode<synchronous>, transform_indices = @transform_12, window_bounds = array<i64: 128, 64>}, {pipeline_mode = #tpu.pipeline_mode<synchronous>, transform_indices = @transform_13, window_bounds = array<i64: 1, 64>}, {pipeline_mode = #tpu.pipeline_mode<synchronous>, transform_indices = @transform_14, window_bounds = array<i64: 64, 1>}, {pipeline_mode = #tpu.pipeline_mode<synchronous>, transform_indices = @transform_15, window_bounds = array<i64: 1, 1>}, {pipeline_mode = #tpu.pipeline_mode<synchronous>, transform_indices = @transform_16, window_bounds = array<i64: 64, 1>}]} {
    %eq3A = arith.constant 0 : i32
    %eq3A_0 = arith.cmpi eq, %arg0, %eq3A : i32
    %convert_element_type3A = arith.extui %eq3A_0 : i1 to i32
    %cond3A = arith.constant 0 : i32
    %cond3A_1 = arith.cmpi ne, %convert_element_type3A, %cond3A : i32
    scf.if %cond3A_1 {
      %broadcast_in_dim3A_69 = arith.constant 0.000000e+00 : f32
      %broadcast_in_dim3A_70 = vector.broadcast %broadcast_in_dim3A_69 : f32 to vector<64x128xf32>
      %swap3A_71 = arith.constant 0 : index
      %swap3A_72 = arith.constant 0 : index
      %swap3A_73 = vector.load %arg18[%swap3A_71, %swap3A_72] : memref<64x128xf32, #tpu.memory_space<vmem>>, vector<64x128xf32>
      tpu.vector_store %arg18[%swap3A_71, %swap3A_72], %broadcast_in_dim3A_70 {strides = array<i32>} : memref<64x128xf32, #tpu.memory_space<vmem>>, vector<64x128xf32>,
      %broadcast_in_dim3A_74 = arith.constant 0.000000e+00 : f32
      %broadcast_in_dim3A_75 = vector.broadcast %broadcast_in_dim3A_74 : f32 to vector<64x1xf32>
      %swap3A_76 = arith.constant 0 : index
      %swap3A_77 = arith.constant 0 : index
      %swap3A_78 = vector.load %arg19[%swap3A_76, %swap3A_77] : memref<64x1xf32, #tpu.memory_space<vmem>>, vector<64x1xf32>
      tpu.vector_store %arg19[%swap3A_76, %swap3A_77], %broadcast_in_dim3A_75 {strides = array<i32>} : memref<64x1xf32, #tpu.memory_space<vmem>>, vector<64x1xf32>,
    } else {
    }
    %get3A = arith.constant 0 : index
    %get3A_2 = arith.constant 0 : index
    %get3A_3 = vector.load %arg1[%get3A, %get3A_2] : memref<1000x128xf32, #tpu.memory_space<vmem>>, vector<1000x128xf32>
    %convert_element_type3A_4 = arith.truncf %get3A_3 : vector<1000x128xf32> to vector<1000x128xbf16>
    %get3A_5 = arith.constant 0 : index
    %get3A_6 = arith.constant 0 : index
    %get3A_7 = vector.load %arg5[%get3A_5, %get3A_6] : memref<128x128xf32, #tpu.memory_space<vmem>>, vector<128x128xf32>
    %convert_element_type3A_8 = arith.truncf %get3A_7 : vector<128x128xf32> to vector<128x128xbf16>
    %dot_general3A = arith.constant dense<0.000000e+00> : vector<1000x128xf32>
    %dot_general3A_9 = tpu.matmul %convert_element_type3A_4, %convert_element_type3A_8, %dot_general3A {dimension_numbers = #tpu.dot_dimension_numbers<[1], [0], [0], [1], [0, 0, 1, 1], [], []>, transpose_lhs_hint = false} : vector<1000x128xbf16>, vector<128x128xbf16>, vector<1000x128xf32> -> vector<1000x128xf32>
    %get3A_10 = arith.constant 0 : index
    %get3A_11 = arith.constant 0 : index
    %get3A_12 = vector.load %arg2[%get3A_10, %get3A_11] : memref<1000x128xf32, #tpu.memory_space<vmem>>, vector<1000x128xf32>
    %convert_element_type3A_13 = arith.truncf %get3A_12 : vector<1000x128xf32> to vector<1000x128xbf16>
    %get3A_14 = arith.constant 0 : index
    %get3A_15 = arith.constant 0 : index
    %get3A_16 = vector.load %arg6[%get3A_14, %get3A_15] : memref<128x128xf32, #tpu.memory_space<vmem>>, vector<128x128xf32>
    %convert_element_type3A_17 = arith.truncf %get3A_16 : vector<128x128xf32> to vector<128x128xbf16>
    %dot_general3A_18 = arith.constant dense<0.000000e+00> : vector<1000x128xf32>
    %dot_general3A_19 = tpu.matmul %convert_element_type3A_13, %convert_element_type3A_17, %dot_general3A_18 {dimension_numbers = #tpu.dot_dimension_numbers<[1], [0], [0], [1], [0, 0, 1, 1], [], []>, transpose_lhs_hint = false} : vector<1000x128xbf16>, vector<128x128xbf16>, vector<1000x128xf32> -> vector<1000x128xf32>
    %add3A = arith.addf %dot_general3A_9, %dot_general3A_19 : vector<1000x128xf32>
    %get3A_20 = arith.constant 0 : index
    %get3A_21 = arith.constant 0 : index
    %get3A_22 = vector.load %arg3[%get3A_20, %get3A_21] : memref<1000x128xf32, #tpu.memory_space<vmem>>, vector<1000x128xf32>
    %convert_element_type3A_23 = arith.truncf %get3A_22 : vector<1000x128xf32> to vector<1000x128xbf16>
    %get3A_24 = arith.constant 0 : index
    %get3A_25 = arith.constant 0 : index
    %get3A_26 = vector.load %arg7[%get3A_24, %get3A_25] : memref<128x128xf32, #tpu.memory_space<vmem>>, vector<128x128xf32>
    %convert_element_type3A_27 = arith.truncf %get3A_26 : vector<128x128xf32> to vector<128x128xbf16>
    %dot_general3A_28 = arith.constant dense<0.000000e+00> : vector<1000x128xf32>
    %dot_general3A_29 = tpu.matmul %convert_element_type3A_23, %convert_element_type3A_27, %dot_general3A_28 {dimension_numbers = #tpu.dot_dimension_numbers<[1], [0], [0], [1], [0, 0, 1, 1], [], []>, transpose_lhs_hint = false} : vector<1000x128xbf16>, vector<128x128xbf16>, vector<1000x128xf32> -> vector<1000x128xf32>
    %add3A_30 = arith.addf %add3A, %dot_general3A_29 : vector<1000x128xf32>
    %get3A_31 = arith.constant 0 : index
    %get3A_32 = arith.constant 0 : index
    %get3A_33 = vector.load %arg8[%get3A_31, %get3A_32] : memref<1x128xf32, #tpu.memory_space<vmem>>, vector<1x128xf32>
    %add3A_34 = vector.broadcast %get3A_33 : vector<1x128xf32> to vector<1000x128xf32>
    %add3A_35 = arith.addf %add3A_30, %add3A_34 : vector<1000x128xf32>
    %get3A_36 = arith.constant 0 : index
    %get3A_37 = arith.constant 0 : index
    %get3A_38 = arith.constant 0 : index
    %get3A_39 = vector.load %arg4[%get3A_36, %get3A_37, %get3A_38] : memref<1x1x1000xi32, #tpu.memory_space<vmem>>, vector<1x1x1000xi32>
    %get3A_40 = vector.shape_cast %get3A_39 : vector<1x1x1000xi32> to vector<1000xi32>
    %broadcast_in_dim3A = vector.shape_cast %get3A_40 : vector<1000xi32> to vector<1000x1xi32>
    %iota3A = tpu.iota {dimensions = array<i32: 1>} : vector<1000x64xi32>
    %eq3A_41 = vector.broadcast %broadcast_in_dim3A : vector<1000x1xi32> to vector<1000x64xi32>
    %eq3A_42 = arith.cmpi eq, %eq3A_41, %iota3A : vector<1000x64xi32>
    %convert_element_type3A_43 = arith.extui %eq3A_42 : vector<1000x64xi1> to vector<1000x64xi32>
    %convert_element_type3A_44 = arith.sitofp %convert_element_type3A_43 : vector<1000x64xi32> to vector<1000x64xf32>
    %get3A_45 = arith.constant 0 : index
    %get3A_46 = arith.constant 0 : index
    %get3A_47 = vector.load %arg18[%get3A_45, %get3A_46] : memref<64x128xf32, #tpu.memory_space<vmem>>, vector<64x128xf32>
    %dot_general3A_48 = arith.constant dense<0.000000e+00> : vector<64x128xf32>
    %dot_general3A_49 = tpu.matmul %convert_element_type3A_44, %add3A_35, %dot_general3A_48 {dimension_numbers = #tpu.dot_dimension_numbers<[0], [0], [1], [1], [0, 1, 1, 1], [], []>, precision = #tpu.contract_precision<fp32>, transpose_lhs_hint = false} : vector<1000x64xf32>, vector<1000x128xf32>, vector<64x128xf32> -> vector<64x128xf32>
    %add3A_50 = arith.addf %get3A_47, %dot_general3A_49 : vector<64x128xf32>
    %swap3A = arith.constant 0 : index
    %swap3A_51 = arith.constant 0 : index
    %swap3A_52 = vector.load %arg18[%swap3A, %swap3A_51] : memref<64x128xf32, #tpu.memory_space<vmem>>, vector<64x128xf32>
    tpu.vector_store %arg18[%swap3A, %swap3A_51], %add3A_50 {strides = array<i32>} : memref<64x128xf32, #tpu.memory_space<vmem>>, vector<64x128xf32>,
    %get3A_53 = arith.constant 0 : index
    %get3A_54 = arith.constant 0 : index
    %get3A_55 = vector.load %arg19[%get3A_53, %get3A_54] : memref<64x1xf32, #tpu.memory_space<vmem>>, vector<64x1xf32>
    %broadcast_in_dim3A_56 = arith.constant 1.000000e+00 : f32
    %broadcast_in_dim3A_57 = vector.broadcast %broadcast_in_dim3A_56 : f32 to vector<1000x1xf32>
    %dot_general3A_58 = arith.constant dense<0.000000e+00> : vector<64x1xf32>
    %dot_general3A_59 = tpu.matmul %convert_element_type3A_44, %broadcast_in_dim3A_57, %dot_general3A_58 {dimension_numbers = #tpu.dot_dimension_numbers<[0], [0], [1], [1], [0, 1, 1, 1], [], []>, transpose_lhs_hint = false} : vector<1000x64xf32>, vector<1000x1xf32>, vector<64x1xf32> -> vector<64x1xf32>
    %add3A_60 = arith.addf %get3A_55, %dot_general3A_59 : vector<64x1xf32>
    %swap3A_61 = arith.constant 0 : index
    %swap3A_62 = arith.constant 0 : index
    %swap3A_63 = vector.load %arg19[%swap3A_61, %swap3A_62] : memref<64x1xf32, #tpu.memory_space<vmem>>, vector<64x1xf32>
    tpu.vector_store %arg19[%swap3A_61, %swap3A_62], %add3A_60 {strides = array<i32>} : memref<64x1xf32, #tpu.memory_space<vmem>>, vector<64x1xf32>,
    %eq3A_64 = arith.constant 9 : i32
    %eq3A_65 = arith.cmpi eq, %arg0, %eq3A_64 : i32
    %convert_element_type3A_66 = arith.extui %eq3A_65 : i1 to i32
    %cond3A_67 = arith.constant 0 : i32
    %cond3A_68 = arith.cmpi ne, %convert_element_type3A_66, %cond3A_67 : i32
    scf.if %cond3A_68 {
      %get3A_69 = arith.constant 0 : index
      %get3A_70 = arith.constant 0 : index
      %get3A_71 = vector.load %arg18[%get3A_69, %get3A_70] : memref<64x128xf32, #tpu.memory_space<vmem>>, vector<64x128xf32>
      %get3A_72 = arith.constant 0 : index
      %get3A_73 = arith.constant 0 : index
      %get3A_74 = vector.load %arg19[%get3A_72, %get3A_73] : memref<64x1xf32, #tpu.memory_space<vmem>>, vector<64x1xf32>
      %max3A = arith.constant 1.000000e+00 : f32
      %max3A_75 = vector.broadcast %max3A : f32 to vector<64x1xf32>
      %max3A_76 = arith.maximumf %get3A_74, %max3A_75 : vector<64x1xf32>
      %div3A = vector.broadcast %max3A_76 : vector<64x1xf32> to vector<64x128xf32>
      %div3A_77 = arith.divf %get3A_71, %div3A : vector<64x128xf32>
      %get3A_78 = arith.constant 0 : index
      %get3A_79 = arith.constant 0 : index
      %get3A_80 = vector.load %arg9[%get3A_78, %get3A_79] : memref<1x128xf32, #tpu.memory_space<vmem>>, vector<1x128xf32>
      %sub3A = vector.broadcast %get3A_80 : vector<1x128xf32> to vector<64x128xf32>
      %sub3A_81 = arith.subf %div3A_77, %sub3A : vector<64x128xf32>
      %get3A_82 = arith.constant 0 : index
      %get3A_83 = arith.constant 0 : index
      %get3A_84 = vector.load %arg10[%get3A_82, %get3A_83] : memref<1x128xf32, #tpu.memory_space<vmem>>, vector<1x128xf32>
      %add3A_85 = arith.constant 9.99999974E-6 : f32
      %add3A_86 = vector.broadcast %add3A_85 : f32 to vector<1x128xf32>
      %add3A_87 = arith.addf %get3A_84, %add3A_86 : vector<1x128xf32>
      %sqrt3A = math.sqrt %add3A_87 : vector<1x128xf32>
      %div3A_88 = vector.broadcast %sqrt3A : vector<1x128xf32> to vector<64x128xf32>
      %div3A_89 = arith.divf %sub3A_81, %div3A_88 : vector<64x128xf32>
      %get3A_90 = arith.constant 0 : index
      %get3A_91 = arith.constant 0 : index
      %get3A_92 = vector.load %arg11[%get3A_90, %get3A_91] : memref<1x128xf32, #tpu.memory_space<vmem>>, vector<1x128xf32>
      %mul3A = vector.broadcast %get3A_92 : vector<1x128xf32> to vector<64x128xf32>
      %mul3A_93 = arith.mulf %div3A_89, %mul3A : vector<64x128xf32>
      %get3A_94 = arith.constant 0 : index
      %get3A_95 = arith.constant 0 : index
      %get3A_96 = vector.load %arg12[%get3A_94, %get3A_95] : memref<1x128xf32, #tpu.memory_space<vmem>>, vector<1x128xf32>
      %add3A_97 = vector.broadcast %get3A_96 : vector<1x128xf32> to vector<64x128xf32>
      %add3A_98 = arith.addf %mul3A_93, %add3A_97 : vector<64x128xf32>
      %convert_element_type3A_99 = arith.truncf %add3A_98 : vector<64x128xf32> to vector<64x128xbf16>
      %get3A_100 = arith.constant 0 : index
      %get3A_101 = arith.constant 0 : index
      %get3A_102 = vector.load %arg13[%get3A_100, %get3A_101] : memref<128x64xf32, #tpu.memory_space<vmem>>, vector<128x64xf32>
      %convert_element_type3A_103 = arith.truncf %get3A_102 : vector<128x64xf32> to vector<128x64xbf16>
      %dot_general3A_104 = arith.constant dense<0.000000e+00> : vector<64x64xf32>
      %dot_general3A_105 = tpu.matmul %convert_element_type3A_99, %convert_element_type3A_103, %dot_general3A_104 {dimension_numbers = #tpu.dot_dimension_numbers<[1], [0], [0], [1], [0, 0, 1, 1], [], []>, transpose_lhs_hint = false} : vector<64x128xbf16>, vector<128x64xbf16>, vector<64x64xf32> -> vector<64x64xf32>
      %get3A_106 = arith.constant 0 : index
      %get3A_107 = arith.constant 0 : index
      %get3A_108 = vector.load %arg14[%get3A_106, %get3A_107] : memref<1x64xf32, #tpu.memory_space<vmem>>, vector<1x64xf32>
      %add3A_109 = vector.broadcast %get3A_108 : vector<1x64xf32> to vector<64x64xf32>
      %add3A_110 = arith.addf %dot_general3A_105, %add3A_109 : vector<64x64xf32>
      %max3A_111 = arith.constant 0.000000e+00 : f32
      %max3A_112 = vector.broadcast %max3A_111 : f32 to vector<64x64xf32>
      %max3A_113 = arith.maximumf %add3A_110, %max3A_112 : vector<64x64xf32>
      %convert_element_type3A_114 = arith.truncf %max3A_113 : vector<64x64xf32> to vector<64x64xbf16>
      %get3A_115 = arith.constant 0 : index
      %get3A_116 = arith.constant 0 : index
      %get3A_117 = vector.load %arg15[%get3A_115, %get3A_116] : memref<64x1xf32, #tpu.memory_space<vmem>>, vector<64x1xf32>
      %convert_element_type3A_118 = arith.truncf %get3A_117 : vector<64x1xf32> to vector<64x1xbf16>
      %dot_general3A_119 = arith.constant dense<0.000000e+00> : vector<64x1xf32>
      %dot_general3A_120 = tpu.matmul %convert_element_type3A_114, %convert_element_type3A_118, %dot_general3A_119 {dimension_numbers = #tpu.dot_dimension_numbers<[1], [0], [0], [1], [0, 0, 1, 1], [], []>, transpose_lhs_hint = false} : vector<64x64xbf16>, vector<64x1xbf16>, vector<64x1xf32> -> vector<64x1xf32>
      %get3A_121 = arith.constant 0 : index
      %get3A_122 = arith.constant 0 : index
      %get3A_123 = vector.load %arg16[%get3A_121, %get3A_122] : memref<1x1xf32, #tpu.memory_space<vmem>>, vector<1x1xf32>
      %add3A_124 = vector.broadcast %get3A_123 : vector<1x1xf32> to vector<64x1xf32>
      %add3A_125 = arith.addf %dot_general3A_120, %add3A_124 : vector<64x1xf32>
      %swap3A_126 = arith.constant 0 : index
      %swap3A_127 = arith.constant 0 : index
      %swap3A_128 = vector.load %arg17[%swap3A_126, %swap3A_127] : memref<64x1xf32, #tpu.memory_space<vmem>>, vector<64x1xf32>
      tpu.vector_store %arg17[%swap3A_126, %swap3A_127], %add3A_125 {strides = array<i32>} : memref<64x1xf32, #tpu.memory_space<vmem>>, vector<64x1xf32>,
    } else {
    }
    return
  }
  func.func @transform_0(%arg0: i32) -> (i32, i32) {
    %c0_i32 = arith.constant 0 : i32
    %c0_i32_0 = arith.constant 0 : i32
    return %arg0, %c0_i32 : i32, i32
  }
  func.func @transform_1(%arg0: i32) -> (i32, i32) {
    %c0_i32 = arith.constant 0 : i32
    %c0_i32_0 = arith.constant 0 : i32
    return %arg0, %c0_i32 : i32, i32
  }
  func.func @transform_2(%arg0: i32) -> (i32, i32) {
    %c0_i32 = arith.constant 0 : i32
    %c0_i32_0 = arith.constant 0 : i32
    return %arg0, %c0_i32 : i32, i32
  }
  func.func @transform_3(%arg0: i32) -> (i32, i32, i32) {
    %c0_i32 = arith.constant 0 : i32
    %c0_i32_0 = arith.constant 0 : i32
    %c0_i32_1 = arith.constant 0 : i32
    return %arg0, %c0_i32, %c0_i32_0 : i32, i32, i32
  }
  func.func @transform_4(%arg0: i32) -> (i32, i32) {
    %c0_i32 = arith.constant 0 : i32
    %c0_i32_0 = arith.constant 0 : i32
    %c0_i32_1 = arith.constant 0 : i32
    return %c0_i32, %c0_i32_0 : i32, i32
  }
  func.func @transform_5(%arg0: i32) -> (i32, i32) {
    %c0_i32 = arith.constant 0 : i32
    %c0_i32_0 = arith.constant 0 : i32
    %c0_i32_1 = arith.constant 0 : i32
    return %c0_i32, %c0_i32_0 : i32, i32
  }
  func.func @transform_6(%arg0: i32) -> (i32, i32) {
    %c0_i32 = arith.constant 0 : i32
    %c0_i32_0 = arith.constant 0 : i32
    %c0_i32_1 = arith.constant 0 : i32
    return %c0_i32, %c0_i32_0 : i32, i32
  }
  func.func @transform_7(%arg0: i32) -> (i32, i32) {
    %c0_i32 = arith.constant 0 : i32
    %c0_i32_0 = arith.constant 0 : i32
    %c0_i32_1 = arith.constant 0 : i32
    return %c0_i32, %c0_i32_0 : i32, i32
  }
  func.func @transform_8(%arg0: i32) -> (i32, i32) {
    %c0_i32 = arith.constant 0 : i32
    %c0_i32_0 = arith.constant 0 : i32
    %c0_i32_1 = arith.constant 0 : i32
    return %c0_i32, %c0_i32_0 : i32, i32
  }
  func.func @transform_9(%arg0: i32) -> (i32, i32) {
    %c0_i32 = arith.constant 0 : i32
    %c0_i32_0 = arith.constant 0 : i32
    %c0_i32_1 = arith.constant 0 : i32
    return %c0_i32, %c0_i32_0 : i32, i32
  }
  func.func @transform_10(%arg0: i32) -> (i32, i32) {
    %c0_i32 = arith.constant 0 : i32
    %c0_i32_0 = arith.constant 0 : i32
    %c0_i32_1 = arith.constant 0 : i32
    return %c0_i32, %c0_i32_0 : i32, i32
  }
  func.func @transform_11(%arg0: i32) -> (i32, i32) {
    %c0_i32 = arith.constant 0 : i32
    %c0_i32_0 = arith.constant 0 : i32
    %c0_i32_1 = arith.constant 0 : i32
    return %c0_i32, %c0_i32_0 : i32, i32
  }
  func.func @transform_12(%arg0: i32) -> (i32, i32) {
    %c0_i32 = arith.constant 0 : i32
    %c0_i32_0 = arith.constant 0 : i32
    %c0_i32_1 = arith.constant 0 : i32
    return %c0_i32, %c0_i32_0 : i32, i32
  }
  func.func @transform_13(%arg0: i32) -> (i32, i32) {
    %c0_i32 = arith.constant 0 : i32
    %c0_i32_0 = arith.constant 0 : i32
    %c0_i32_1 = arith.constant 0 : i32
    return %c0_i32, %c0_i32_0 : i32, i32
  }
  func.func @transform_14(%arg0: i32) -> (i32, i32) {
    %c0_i32 = arith.constant 0 : i32
    %c0_i32_0 = arith.constant 0 : i32
    %c0_i32_1 = arith.constant 0 : i32
    return %c0_i32, %c0_i32_0 : i32, i32
  }
  func.func @transform_15(%arg0: i32) -> (i32, i32) {
    %c0_i32 = arith.constant 0 : i32
    %c0_i32_0 = arith.constant 0 : i32
    %c0_i32_1 = arith.constant 0 : i32
    return %c0_i32, %c0_i32_0 : i32, i32
  }
  func.func @transform_16(%arg0: i32) -> (i32, i32) {
    %c0_i32 = arith.constant 0 : i32
    %c0_i32_0 = arith.constant 0 : i32
    %c0_i32_1 = arith.constant 0 : i32
    return %c0_i32, %c0_i32_0 : i32, i32
  }
}

</mosaic_0001>

<sc_bundles>
// kernel: kernel.10.cloned.1.call-start
scs
__scs_entry_jumppad:
0x0: {  	(pc) =	sbr.rel $0x88, $3  }
0x1: {  	(tag) =	ssettag $0x0;
	lr =	simm.s32 $0x1  }
0x2: {  	[smem:$0x3F7E] =	sst lr;
	_ =	strace $0xD0000000  }
0x3: {  	_ = 	snop  }
0x4: {  	_ = 	snop  }
0x5: {  	_ = 	snop  }
0x6: {  	_ = 	snop  }
0x7: {  	_ = 	snop  }
__scs_overlays_trampoline_lowered:
0x8: {  	[smem:$0x3F8D] =	sst s0  }
0x9: {  	[smem:$0x3F8E] =	sst s1  }
0xa: {  	[smem:$0x3F8F] =	sst s2  }
0xb: {  	[smem:$0x3F90] =	sst s3  }
0xc: {  	[smem:$0x3F91] =	sst s4  }
0xd: {  	[smem:$0x3F92] =	sst s5  }
0xe: {  	[smem:$0x3F93] =	sst s6  }
0xf: {  	[smem:$0x3F94] =	sst s7  }
0x10: {  	[smem:$0x3F95] =	sst s8  }
0x11: {  	[smem:$0x3F96] =	sst s9;
	s0 =	simm.s32 @!p0 $0x0  }
0x12: {  	s1 =	sld [smem:$0x3F7C];
	s0 =	simm.s32 @p0 $0x1  }
0x13: {  	[smem:$0x3F97] =	sst s0;
	s0 =	simm.s32 @!p1 $0x0  }
0x14: {  	s2 =	sld [smem:$0x3F7B];
	s0 =	simm.s32 @p1 $0x1  }
0x15: {  	[smem:$0x3F98] =	sst s0;
	s0 =	simm.s32 @!p2 $0x0  }
0x16: {  	s3 =	sld [smem:$0x3FDB];
	s0 =	simm.s32 @p2 $0x1  }
0x17: {  	s4 =	simm.s32 $0x1BF5;
	[smem:$0x3F9A] =	sst s0  }
0x18: {  	s0 =	sld [smem:$0x3F7D];
	_ =	swait.ge [sflag:s4], $0x0  }
0x19: {  	s7 =	sld [smem:$0x3F7E]  }
0x1a: {  	s8 =	sadd.s32 $0xFFFFE003, lr  }
0x1b: {  	s9 =	sadd.s32 $0xFFFFFEF7, lr;
	s5 =	simm.s32 $0xFFFFFFFF;
	p2 =	slt.u32 s8, $0xFFFFF086  }
0x1c: {  	p1 =	slt.u32 s9, $0xF7A;
	s5 =	simm.s32 @!p2 $0x0  }
0x1d: {  	s5 =	simm.s32 @p1 $0x1;
	p0 =	seq.s32 s7, s2  }
0x1e: {  	s7 =	smul.u32 @!p0 $0xF7A, s2;
	p2 =	seq.s32 @!p0 s5, $0x0  }
0x1f: {  	s9 =	smul.u32 $0xF7A, s1;
	s8 =	simm.s32 @!p0 $0x1BF5;
	p2 =	por !p2, p0  }
0x20: {  	[sflag:s8] =	ssyncset.s32 @!p0 $0xFFFFF086;
	s6 =	sadd.s32 @!p0 s3, s7;
	s7 =	simm.s32 @!p0 $0x108  }
0x21: {  	s3 =	sadd.s32 s3, s9;
	s6 =	sadd.s32 @!p0 $0x88, s6;
	s7 =	simm.s32 @p2 $0x1082  }
0x22: {  	[simem:s7], [sflag:s8] =	dma.local @!p0 [hbm:s6], $0xF7A  }
0x23: {  	s9 =	sor.u32 $0xD0000000, s2;
	s6 =	simm.s32 $0x108;
	_ =	swait.ge @!p0 [sflag:s8], $0x0  }
0x24: {  	s3 =	sadd.s32 $0x88, s3;
	s6 =	simm.s32 @!p1 $0x1082;
	[sflag:s4] =	ssyncset.s32 $0xFFFFF086  }
0x25: {  	[simem:s6], [sflag:s4] =	dma.local [hbm:s3], $0xF7A  }
0x26: {  	[smem:$0x3F7E] =	sst s1;
	(tag) =	ssettag s2;
	_ =	strace s9  }
0x27: {  	s1 =	sld [smem:$0x3F8E]  }
0x28: {  	s2 =	sld [smem:$0x3F8F]  }
0x29: {  	s4 =	sld [smem:$0x3F91]  }
0x2a: {  	p0 =	seq.s32 s5, $0x0;
	s5 =	sld [smem:$0x3F92]  }
0x2b: {  	s6 =	sld [smem:$0x3F93]  }
0x2c: {  	s7 =	sld [smem:$0x3F94]  }
0x2d: {  	s3 =	simm.s32 $0x108;
	s8 =	sld [smem:$0x3F95]  }
0x2e: {  	s3 =	simm.s32 @!p0 $0x1082;
	s9 =	sld [smem:$0x3F96]  }
0x2f: {  	lr =	sadd.s32 s0, s3;
	s0 =	sld [smem:$0x3F8D]  }
0x30: {  	s3 =	sld [smem:$0x3F90]  }
0x31: {  	[smem:$0x3F99] =	sst s10  }
0x32: {  	s10 =	sld [smem:$0x3F97];
	_ =	sdelay $0x3  }
0x33: {  	p0 =	seq.s32 s10, $0x1;
	s10 =	sld [smem:$0x3F99];
	_ =	sdelay $0x3  }
0x34: {  	[smem:$0x3F99] =	sst s10  }
0x35: {  	s10 =	sld [smem:$0x3F98];
	_ =	sdelay $0x3  }
0x36: {  	p1 =	seq.s32 s10, $0x1;
	s10 =	sld [smem:$0x3F99];
	_ =	sdelay $0x3  }
0x37: {  	[smem:$0x3F99] =	sst s10  }
0x38: {  	s10 =	sld [smem:$0x3F9A]  }
0x39: {  	_ = 	snop;
	(pc) =	sbr.ind lr, $3  }
0x3a: {  	_ = 	snop  }
0x3b: {  	_ = 	snop  }
0x3c: {  	p2 =	seq.s32 s10, $0x1;
	s10 =	sld [smem:$0x3F99]  }
0x3d: {  	_ =	shalt  }
0x3e: {  	_ =	shalt  }
0x3f: {  	_ =	shalt  }
0x40: {  	_ =	shalt  }
0x41: {  	_ =	shalt  }
0x42: {  	_ =	shalt  }
0x43: {  	_ =	shalt  }
0x44: {  	_ =	shalt  }
0x45: {  	_ =	shalt  }
0x46: {  	_ =	shalt  }
0x47: {  	_ =	shalt  }
0x48: {  	_ =	shalt  }
0x49: {  	_ =	shalt  }
0x4a: {  	_ =	shalt  }
0x4b: {  	_ =	shalt  }
0x4c: {  	_ =	shalt  }
0x4d: {  	_ =	shalt  }
0x4e: {  	_ =	shalt  }
0x4f: {  	_ =	shalt  }
0x50: {  	_ =	shalt  }
0x51: {  	_ =	shalt  }
0x52: {  	_ =	shalt  }
0x53: {  	_ =	shalt  }
0x54: {  	_ =	shalt  }
0x55: {  	_ =	shalt  }
0x56: {  	_ =	shalt  }
0x57: {  	_ =	shalt  }
0x58: {  	_ =	shalt  }
0x59: {  	_ =	shalt  }
0x5a: {  	_ =	shalt  }
0x5b: {  	_ =	shalt  }
0x5c: {  	_ =	shalt  }
0x5d: {  	_ =	shalt  }
0x5e: {  	_ =	shalt  }
0x5f: {  	_ =	shalt  }
0x60: {  	_ =	shalt  }
0x61: {  	_ =	shalt  }
0x62: {  	_ =	shalt  }
0x63: {  	_ =	shalt  }
0x64: {  	_ =	shalt  }
0x65: {  	_ =	shalt  }
0x66: {  	_ =	shalt  }
0x67: {  	_ =	shalt  }
0x68: {  	_ =	shalt  }
0x69: {  	_ =	shalt  }
0x6a: {  	_ =	shalt  }
0x6b: {  	_ =	shalt  }
0x6c: {  	_ =	shalt  }
0x6d: {  	_ =	shalt  }
0x6e: {  	_ =	shalt  }
0x6f: {  	_ =	shalt  }
0x70: {  	_ =	shalt  }
0x71: {  	_ =	shalt  }
0x72: {  	_ =	shalt  }
0x73: {  	_ =	shalt  }
0x74: {  	_ =	shalt  }
0x75: {  	_ =	shalt  }
0x76: {  	_ =	shalt  }
0x77: {  	_ =	shalt  }
0x78: {  	_ =	shalt  }
0x79: {  	_ =	shalt  }
0x7a: {  	_ =	shalt  }
0x7b: {  	_ =	shalt  }
0x7c: {  	_ =	shalt  }
0x7d: {  	_ =	shalt  }
0x7e: {  	_ =	shalt  }
0x7f: {  	_ =	shalt  }
0x80: {  	_ =	shalt  }
0x81: {  	_ =	shalt  }
0x82: {  	_ =	shalt  }
0x83: {  	_ =	shalt  }
0x84: {  	_ =	shalt  }
0x85: {  	_ =	shalt  }
0x86: {  	_ =	shalt  }
0x87: {  	_ =	shalt  }
.Lfunc_end0:
.L_simem_size_0:
called_computation_lowered:
.L_overlay_start_0:
0x88: {  	s2 =	sld [smem:$0x3FD9]  }
0x89: {  	s3 =	sld [smem:$0x3FFE];
	_ =	sdelay $0x1  }
0x8a: {  	s1 =	srdreg.scid  }
0x8b: {  	s0 =	sand.u32 $0x1, s1  }
0x8c: {  	s17 =	sshll.u32 s0, $0xA;
	s2 =	sadd.s32 s3, s2  }
0x8d: {  	s2 =	sadd.s32 s2, s17  }
0x8e: {  	[smem:$0x3FA5] =	sst s2  }
0x8f: {  	_ = 	snop  }
0x90: {  	s2 =	sld [smem:$0x3FC9];
	(tm) =	ssettm $0x1  }
0x91: {  	s18 =	sld [smem:$0x3FFB];
	_ =	sdelay $0x3  }
0x92: {  	_ =	strace s18  }
0x93: {  	s3 =	sld [smem:$0x3FFC];
	_ =	sdelay $0x3  }
0x94: {  	_ =	strace s3  }
0x95: {  	s3 =	sld [smem:$0x3FFD];
	_ =	sdelay $0x3  }
0x96: {  	_ =	strace s3  }
0x97: {  	_ =	strace $0x8FFFFFFF  }
0x98: {  	s19 =	sld [smem:$0x3FDB];
	_ =	sdelay $0x1  }
0x99: {  	s4 =	simm.s32 $_scs_section_size  }
0x9a: {  	s5 =	simm.s32 $_size__tile_overlayer_lowered;
	s6 =	simm.s32 $_tile_overlayer_lowered  }
0x9b: {  	s22 =	simm.s32 $0x1BFF;
	s21 =	sshll.u32 s6, $0x1;
	s3 =	sadd.s32 s4, s19  }
0x9c: {  	s7 =	simm.s32 $0x0;
	s20 =	sshll.u32 s5, $0x1;
	s5 =	sadd.s32 s21, s3  }
0x9d: {  	[timem:s7], [sflag:s22] =	dma.local [hbm:s5], s20  }
0x9e: {  	_ =	swait.ge [sflag:s22], s20  }
0x9f: {  	s4 =	ssub.s32 $0x0, s20;
	[sflag:s22] =	ssyncset.done $0x0  }
0xa0: {  	[sflag:s22] =	ssyncadd.s32 s4;
	_ =	sdelay $0x1  }
0xa1: {  	s23 =	simm.s32 $0x1B8B  }
0xa2: {  	_ =	swait.ge [sflag:s23], $0x1  }
0xa3: {  	[sflag:s23] =	ssyncset.done $0x0  }
0xa4: {  	s25 =	simm.s32 $0x1B8E;
	s24 =	sld [smem:$0x3FFE];
	[sflag:s23] =	ssyncadd.s32 $0xFFFFFFFF  }
0xa5: {  	s26 =	simm.s32 $execute0_lowered;
	[smem:$0x3FD2] =	sst s25  }
0xa6: {  	s5 =	sshll.u32 s26, $0x1;
	_ =	strace $0x80000046;
	[dreg:$0x1] =	wrdreg $0xFFFFFFFF  }
0xa7: {  	s28 =	simm.s32 $_size_execute0_lowered;
	s3 =	sadd.s32 s3, s5;
	[dreg:$0x0] =	wrdreg $0x0  }
0xa8: {  	s5 =	sshll.u32 s28, $0x1;
	[dreg:$0x2] =	wrdreg s3  }
0xa9: {  	[dreg:$0x3] =	wrdreg s5  }
0xaa: {  	[dreg:$0x4] =	wrdreg $0xC0  }
0xab: {  	_ =	task [dreg:s7], $0x5FFFF  }
0xac: {  	[dreg:$0x1] =	wrdreg $0xFFFFFFFF  }
0xad: {  	[dreg:$0x0] =	wrdreg $0x60  }
0xae: {  	[dreg:$0x2] =	wrdreg s2  }
0xaf: {  	[dreg:$0x3] =	wrdreg s24  }
0xb0: {  	[dreg:$0x4] =	wrdreg $0x79000  }
0xb1: {  	[dreg:$0x5] =	wrdreg $0x9  }
0xb2: {  	_ =	task.clear_ibuf [dreg:s7], $0x6FFFF;
	_ =	strace $0x90000046  }
0xb3: {  	s29 =	simm.s32 $0x9;
	_ =	strace $0x80000048  }
0xb4: {  	_ =	swait.ge [sflag:s29], $0x1  }
0xb5: {  	[sflag:s29] =	ssyncadd.s32 $0xFFFFFFFF  }
0xb6: {  	_ =	strace $0x90000048  }
0xb7: {  	_ =	sfence  }
0xb8: {  	s30 =	sld [smem:$0x0];
	_ =	sdelay $0x2  }
0xb9: {  	s31 =	sshll.u32 s1, $0xD;
	s1 =	sshrl.u32 s1, $0x2  }
0xba: {  	s3 =	sand.u32 $0x4000, s31;
	s1 =	sadd.s32 s1, s30  }
0xbb: {  	s0 =	sor.u32 s3, s0;
	s1 =	sshll.u32 s1, $0x11  }
0xbc: {  	s0 =	sor.u32 s1, s0  }
0xbd: {  	s0 =	sadd.s32 $0x8F2B, s0  }
0xbe: {  	[sflag:s0] =	ssyncadd.remote.s32 $0x1  }
0xbf: {  	_ =	sfence.sel $0xFFFF  }
0xc0: {  	[dreg:$0x0] =	wrdreg $0xFFFFFFFF;
	(pc) =	sbr.abs _section_cstart, $3  }
0xc1: {  	[dreg:$0x1] =	wrdreg $0xFFFFFFFF  }
0xc2: {  	_ =	task.clear_ibuf [dreg:s7], $0x2FFFF;
	_ =	strace $0x9FFFFFFF  }
0xc3: {  	(tm) =	ssettm $0x7FFFFFFF  }
tec
execute0_lowered:
.L_overlay_start_1:
0x0: {  	(tag) =	ssettag $0x1  }
0x1: {  	s1 =	rddreg [dreg:$0x0]  }
0x2: {  	s8 =	rddreg [dreg:$0x1]  }
0x3: {  	s2 =	rddreg [dreg:$0x2]  }
0x4: {  	s3 =	srdreg.scid;
	s0 =	rddreg [dreg:$0x3];
	s4 =	simm.s32 $0x0  }
0x5: {  	s14 =	simm.s32 $0x2;
	s15 =	simm.s32 $0x80;
	s16 =	simm.s32 $0x50  }
0x6: {  	s17 =	simm.s32 $0x100;
	s18 =	simm.s32 $0x2900;
	s19 =	simm.s32 $0x1  }
0x7: {  	s20 =	simm.s32 $0x0;
	s9 =	sand.u32 $0x1, s3;
	[smem:$0x7FF] =	sst s4  }
0x8: {  	s3 =	stileid.u32;
	s6 =	sadd.s32 $0x4F1200, s8;
	s7 =	smul.u32 $0x138800, s9  }
0x9: {  	s5 =	sadd.s32 $0x4FB000, s8;
	s10 =	smul.u32 $0x2800, s3;
	_ =	strace $0x80000047  }
0xa: {  	s11 =	ssub.s32 $0x2, s9;
	s29 =	smul.u32 $0xA000, s3;
	s30 =	sshll.u32 s3, $0x1  }
0xb: {  	s13 =	ssub.s32 $0x8C, s3;
	s28 =	sshrl.u32 s11, $0x1;
	s9 =	sor.u32 s9, s30  }
0xc: {  	s10 =	sadd.s32 s10, s7;
	s7 =	sadd.s32 $0x4E7400, s8;
	s11 =	ssub.s32 s11, s28  }
0xd: {  	s31 =	sshrl.u32 s29, $0x2;
	s9 =	smul.u32 $0x2710, s9;
	s10 =	sshrl.u32 s10, $0x3  }
0xe: {  	s12 =	sadd.s32 s10, s8;
	s8 =	sshrl.u32 s13, $0x4;
	s10 =	smax.u32 s11, $0x1  }
0xf: {  	v0 =	vimm.f32 $0.0e+00;
	s11 =	sadd.s32 s31, s2;
	s13 =	simm.s32 $0x5100;
	s12 =	sadd.s32 $0x5400, s12  }
.LBB2_1:
0x10: {  	s21 =	simm.s32 $0x0;
	s22 =	simm.s32 $0x200  }
.LBB2_2:
0x11: {  	p0 =	sne.s32 s22, $0x9E00;
	[tilespmem:s21+$0x5170] =	vst v0  }
0x12: {  	[tilespmem:s21+$0x5100] =	vst v0  }
0x13: {  	[tilespmem:s21+$0x5110] =	vst v0  }
.Ltmp0:
0x14: {  	[tilespmem:s21+$0x5120] =	vst v0;
	(pc) =	sbr.rel @p0 .LBB2_2-.Ltmp0, $4  }
0x15: {  	[tilespmem:s21+$0x5130] =	vst v0  }
0x16: {  	[tilespmem:s21+$0x5140] =	vst v0  }
0x17: {  	[tilespmem:s21+$0x5150] =	vst v0  }
0x18: {  	[tilespmem:s21+$0x5160] =	vst v0;
	s21 =	sshra.s32 s22, $0x2;
	s22 =	sadd.s32 $0x200, s22  }
0x19: {  	[tilespmem:s21+$0x5170] =	vst v0  }
0x1a: {  	[tilespmem:s21+$0x5100] =	vst v0  }
0x1b: {  	[tilespmem:s21+$0x5110] =	vst v0  }
0x1c: {  	[tilespmem:s21+$0x5120] =	vst v0  }
0x1d: {  	[tilespmem:s21+$0x5130] =	vst v0  }
0x1e: {  	[tilespmem:s21+$0x5140] =	vst v0;
	p0 =	sne.s32 s8, $0x1  }
.Ltmp1:
0x1f: {  	[tilespmem:s21+$0x5150] =	vst v0;
	(pc) =	sbr.rel @!p0 .LBB2_5-.Ltmp1, $4  }
0x20: {  	[tilespmem:s21+$0x5160] =	vst v0  }
0x21: {  	[spmem:s11] =	stream.linear.scatter [tilespmem:s13], [sflag:$0x2], $0x2800, $0x38;
	[tilespmem:$0x1B180] =	vst v63  }
0x22: {  	_ =	swait.ge [sflag:s14], $0x2800  }
0x23: {  	s21 =	sadd.s32 $0xFFFFFFFF, s8;
	s22 =	smov.u32 s11;
	[sflag:s14] =	ssyncset.done $0x0  }
.LBB2_4:
0x24: {  	p1 =	sne.s32 s21, $0x1;
	[sflag:s14] =	ssyncadd.s32 $0xFFFFD800;
	s22 =	sadd.s32 $0x28000, s22  }
.Ltmp2:
0x25: {  	s21 =	sadd.s32 $0xFFFFFFFF, s21;
	(pc) =	sbr.rel @p1 .LBB2_4-.Ltmp2, $4  }
0x26: {  	_ = 	snop  }
0x27: {  	[spmem:s22] =	stream.linear.scatter [tilespmem:s13], [sflag:$0x2], $0x2800, $0x38;
	[tilespmem:$0x1B180] =	vst v63  }
0x28: {  	_ =	swait.ge [sflag:s14], $0x2800  }
0x29: {  	[sflag:s14] =	ssyncset.done $0x0  }
.LBB2_5:
0x2a: {  	[sflag:s14] =	ssyncadd.s32 $0xFFFFD800  }
0x2b: {  	s21 =	simm.s32 $0x0;
	s22 =	simm.s32 $0x0;
	[bflag:$0x0] =	sbarrier.arrive $0xFFFF  }
.LBB2_6:
0x2c: {  	s23 =	smul.u32 $0x50, s22;
	_ =	sdelay $0x1  }
0x2d: {  	s23 =	sadd.s32 s9, s23  }
0x2e: {  	s24 =	sshrl.u32 s23, $0x3  }
0x2f: {  	s25 =	sadd.s32 s6, s24  }
0x30: {  	[tilespmem:s21], [sflag:$0x2] =	stream.linear.gather [hbm4b:s25+s21], $0x50, $0x38;
	[tilespmem:$0x1B180] =	vst v63  }
0x31: {  	_ =	swait.ge [sflag:s14], $0x50  }
0x32: {  	[sflag:s14] =	ssyncset.done $0x0  }
0x33: {  	s24 =	sadd.s32 s7, s24;
	[sflag:s14] =	ssyncadd.s32 $0xFFFFFFB0  }
0x34: {  	[tilespmem:s15], [sflag:$0x2] =	stream.linear.gather [hbm4b:s24+s21], $0x50, $0x38;
	[tilespmem:$0x1B180] =	vst v63  }
0x35: {  	_ =	swait.ge [sflag:s14], $0x50  }
0x36: {  	[sflag:s14] =	ssyncset.done $0x0  }
0x37: {  	s23 =	sshll.u32 s23, $0x4;
	[sflag:s14] =	ssyncadd.s32 $0xFFFFFFB0  }
0x38: {  	[tilespmem:s17], [sflag:$0x1] =	stream.indirect.gather [hbm4b:s1+s16], $0x80, s21, s16, $0xb8;
	[tilespmem:$0x1B180] =	vst v63  }
0x39: {  	s23 =	sadd.s32 s5, s23  }
0x3a: {  	[tilespmem:s18], [sflag:$0x2] =	stream.linear.gather [hbm4b:s23+s21], $0x2800, $0x38;
	[tilespmem:$0x1B180] =	vst v63  }
0x3b: {  	_ =	swait.ge [sflag:s14], $0x2800  }
0x3c: {  	[sflag:s14] =	ssyncset.done $0x0  }
0x3d: {  	[sflag:s14] =	ssyncadd.s32 $0xFFFFD800  }
0x3e: {  	_ =	swait.ge [sflag:s19], $0x2800  }
0x3f: {  	[sflag:s19] =	ssyncset.done $0x0  }
0x40: {  	s23 =	simm.s32 $0x0;
	[sflag:s19] =	ssyncadd.s32 $0xFFFFD800  }
0x41: {  	v7 =	vld [tilespmem:s23+$0x2900]  }
0x42: {  	v12 =	vld [tilespmem:s23+$0x2910]  }
0x43: {  	v6 =	vld [tilespmem:s23+$0x2920]  }
0x44: {  	v5 =	vld [tilespmem:s23+$0x2930]  }
0x45: {  	v4 =	vld [tilespmem:s23+$0x2940]  }
0x46: {  	v3 =	vld [tilespmem:s23+$0x2950]  }
0x47: {  	v2 =	vld [tilespmem:s23+$0x2960]  }
0x48: {  	v1 =	vld [tilespmem:s23+$0x2970]  }
0x49: {  	v13 =	vld [tilespmem:s23+$0x100]  }
0x4a: {  	v14 =	vld [tilespmem:s23+$0x110]  }
0x4b: {  	v11 =	vld [tilespmem:s23+$0x120]  }
0x4c: {  	v10 =	vld [tilespmem:s23+$0x130]  }
0x4d: {  	v9 =	vld [tilespmem:s23+$0x140]  }
0x4e: {  	v8 =	vld [tilespmem:s23+$0x150];
	v13 =	vadd.f32 v7, v13  }
0x4f: {  	s24 =	simm.s32 $0x200;
	v12 =	vadd.f32 v12, v14;
	v7 =	vld [tilespmem:s23+$0x160]  }
.LBB2_7:
0x50: {  	s25 =	sshra.s32 s24, $0x2;
	p1 =	sne.s32 s24, $0x9E00;
	v13 =	vmax.f32 v13, $0.0e+00;
	v6 =	vadd.f32 v6, v11;
	v11 =	vld [tilespmem:s23+$0x170]  }
0x51: {  	v14 =	vld [tilespmem:s25+$0x2900];
	[tilespmem:s23+$0x100] =	vst v13;
	v12 =	vmax.f32 v12, $0.0e+00;
	v5 =	vadd.f32 v5, v10  }
0x52: {  	v15 =	vld [tilespmem:s25+$0x2910];
	[tilespmem:s23+$0x110] =	vst v12;
	v10 =	vmax.f32 v6, $0.0e+00;
	v4 =	vadd.f32 v4, v9  }
0x53: {  	v6 =	vld [tilespmem:s25+$0x2920];
	[tilespmem:s23+$0x120] =	vst v10;
	v9 =	vmax.f32 v5, $0.0e+00;
	v3 =	vadd.f32 v3, v8  }
0x54: {  	v5 =	vld [tilespmem:s25+$0x2930];
	[tilespmem:s23+$0x130] =	vst v9;
	v8 =	vmax.f32 v4, $0.0e+00;
	v2 =	vadd.f32 v2, v7  }
0x55: {  	v4 =	vld [tilespmem:s25+$0x2940];
	[tilespmem:s23+$0x140] =	vst v8;
	v7 =	vmax.f32 v3, $0.0e+00;
	v1 =	vadd.f32 v1, v11  }
0x56: {  	v3 =	vld [tilespmem:s25+$0x2950];
	[tilespmem:s23+$0x150] =	vst v7;
	v7 =	vmax.f32 v2, $0.0e+00  }
0x57: {  	v2 =	vld [tilespmem:s25+$0x2960];
	[tilespmem:s23+$0x160] =	vst v7;
	v7 =	vmax.f32 v1, $0.0e+00  }
0x58: {  	v1 =	vld [tilespmem:s25+$0x2970];
	[tilespmem:s23+$0x170] =	vst v7;
	s23 =	smov.u32 s25  }
0x59: {  	v7 =	vld [tilespmem:s23+$0x100]  }
0x5a: {  	v12 =	vld [tilespmem:s23+$0x110]  }
.Ltmp3:
0x5b: {  	v11 =	vld [tilespmem:s23+$0x120];
	(pc) =	sbr.rel @p1 .LBB2_7-.Ltmp3, $4  }
0x5c: {  	v10 =	vld [tilespmem:s23+$0x130]  }
0x5d: {  	v9 =	vld [tilespmem:s23+$0x140]  }
0x5e: {  	v13 =	vadd.f32 v14, v7;
	v8 =	vld [tilespmem:s23+$0x150]  }
0x5f: {  	s24 =	sadd.s32 $0x200, s24;
	v12 =	vadd.f32 v15, v12;
	v7 =	vld [tilespmem:s23+$0x160]  }
0x60: {  	v13 =	vmax.f32 v13, $0.0e+00;
	v6 =	vadd.f32 v6, v11;
	v63 =	vld [tilespmem:s23+$0x170]  }
0x61: {  	[tilespmem:s23+$0x100] =	vst v13;
	v12 =	vmax.f32 v12, $0.0e+00;
	v5 =	vadd.f32 v5, v10  }
0x62: {  	[tilespmem:s23+$0x110] =	vst v12;
	v6 =	vmax.f32 v6, $0.0e+00;
	v4 =	vadd.f32 v4, v9  }
0x63: {  	[tilespmem:s23+$0x120] =	vst v6;
	v5 =	vmax.f32 v5, $0.0e+00;
	v3 =	vadd.f32 v3, v8  }
0x64: {  	[tilespmem:s23+$0x130] =	vst v5;
	v4 =	vmax.f32 v4, $0.0e+00;
	v2 =	vadd.f32 v2, v7  }
0x65: {  	[tilespmem:s23+$0x140] =	vst v4;
	v3 =	vmax.f32 v3, $0.0e+00;
	v1 =	vadd.f32 v1, v63  }
0x66: {  	s22 =	sadd.s32 $0x1, s22;
	[tilespmem:s23+$0x150] =	vst v3;
	v2 =	vmax.f32 v2, $0.0e+00  }
0x67: {  	p1 =	sne.s32 s22, $0x7D;
	[tilespmem:s23+$0x160] =	vst v2;
	v1 =	vmax.f32 v1, $0.0e+00  }
.Ltmp4:
0x68: {  	[tilespmem:s23+$0x170] =	vst v1;
	(pc) =	sbr.rel @p1 .LBB2_6-.Ltmp4, $4  }
0x69: {  	[spmem:s2] =	stream.indirect.scatter.add.f32 [tilespmem:s17], [sflag:$0x2], $0x80, s15, s16, $0xb8;
	[tilespmem:$0x1B180] =	vst v63  }
0x6a: {  	_ =	swait.ge [sflag:s14], $0x2800  }
0x6b: {  	[sflag:s14] =	ssyncset.done $0x0  }
0x6c: {  	[sflag:s14] =	ssyncadd.s32 $0xFFFFD800  }
0x6d: {  	[bflag:$0x0] =	sbarrier.arrive $0xFFFF  }
0x6e: {  	[tilespmem:s13], [sflag:$0x2] =	stream.linear.gather [spmem:s11], $0x2800, $0x38;
	[tilespmem:$0x1B180] =	vst v63  }
0x6f: {  	_ =	swait.ge [sflag:s14], $0x2800  }
.Ltmp5:
0x70: {  	[sflag:s14] =	ssyncset.done $0x0;
	(pc) =	sbr.rel @!p0 .LBB2_11-.Ltmp5, $4  }
0x71: {  	[sflag:s14] =	ssyncadd.s32 $0xFFFFD800  }
0x72: {  	[hbm4b:s12+s4] =	stream.linear.scatter [tilespmem:s13], [sflag:$0x2], $0x2800, $0x38;
	[tilespmem:$0x1B180] =	vst v63  }
0x73: {  	s21 =	sadd.s32 $0xFFFFFFFF, s8;
	_ =	swait.ge [sflag:s14], $0x2800  }
0x74: {  	s22 =	smov.u32 s11;
	s23 =	smov.u32 s12;
	[sflag:s14] =	ssyncset.done $0x0  }
.LBB2_10:
0x75: {  	[sflag:s14] =	ssyncadd.s32 $0xFFFFD800;
	s22 =	sadd.s32 $0x28000, s22;
	s23 =	sadd.s32 $0x5000, s23  }
0x76: {  	[tilespmem:s13], [sflag:$0x2] =	stream.linear.gather [spmem:s22], $0x2800, $0x38;
	[tilespmem:$0x1B180] =	vst v63  }
0x77: {  	p0 =	sne.s32 s21, $0x1;
	s21 =	sadd.s32 $0xFFFFFFFF, s21;
	_ =	swait.ge [sflag:s14], $0x2800  }
.Ltmp6:
0x78: {  	[sflag:s14] =	ssyncset.done $0x0;
	(pc) =	sbr.rel @p0 .LBB2_10-.Ltmp6, $4  }
0x79: {  	[sflag:s14] =	ssyncadd.s32 $0xFFFFD800  }
0x7a: {  	[hbm4b:s23+s4] =	stream.linear.scatter [tilespmem:s13], [sflag:$0x2], $0x2800, $0x38;
	[tilespmem:$0x1B180] =	vst v63  }
0x7b: {  	_ =	swait.ge [sflag:s14], $0x2800  }
0x7c: {  	[sflag:s14] =	ssyncset.done $0x0  }
.LBB2_11:
0x7d: {  	s20 =	sadd.s32 $0x1, s20  }
0x7e: {  	p0 =	sne.s32 s20, s10  }
.Ltmp7:
0x7f: {  	_ = 	snop;
	(pc) =	sbr.rel @p0 .LBB2_1-.Ltmp7, $2  }
0x80: {  	_ =	sdelay $0x2  }
0x81: {  	[sflag:s14] =	ssyncadd.s32 $0xFFFFD800  }
0x82: {  	_ =	sfence.sel $0x180000  }
0x83: {  	[bflag:$0x0] =	sbarrier.arrive $0xFFFF  }
0x84: {  	p0 =	sne.s32 s3, $0x0;
	_ =	strace $0x90000047  }
0x85: {  	s0 =	sadd.s32 @!p0 $0x100000, s0;
	[bflag:$0x2] =	sbarrier.arrive $0xFFFF  }
0x86: {  	[sflag:s0] =	ssyncadd.tile.s32 @!p0 $0x1;
	_ =	shalt  }
.Lfunc_end2:
_tile_overlayer_lowered:
.L_overlay_start_2:
0x87: {  	(tag) =	ssettag $0x2  }
0x88: {  	s0 =	rddreg [dreg:$0x0];
	s2 =	stileid.u32  }
0x89: {  	s1 =	rddreg [dreg:$0x1];
	p0 =	sne.s32 s2, $0x0  }
0x8a: {  	s3 =	rddreg [dreg:$0x2];
	[bflag:$0x3] =	sbarrier.arrive $0xFFFF;
	s2 =	simm.s32 @!p0 $0x1C02  }
0x8b: {  	[timem:s3], [sflag:s2] =	dma.local @!p0 [hbm:s0], s1  }
0x8c: {  	s0 =	simm.s32 @!p0 $0x2  }
0x8d: {  	_ =	swait.ge @!p0 [sflag:s0], s1  }
0x8e: {  	s1 =	ssub.s32 @!p0 $0x0, s1;
	[sflag:s0] =	ssyncset.done @!p0 $0x0  }
0x8f: {  	[sflag:s0] =	ssyncadd.s32 @!p0 s1  }
0x90: {  	[bflag:$0x3] =	sbarrier.arrive $0xFFFF  }
0x91: {  	_ =	shalt  }

// kernel: kernel.13.cloned.1.call-start
scs
__scs_entry_jumppad:
0x0: {  	(pc) =	sbr.rel $0x88, $3  }
0x1: {  	(tag) =	ssettag $0x0;
	lr =	simm.s32 $0x1  }
0x2: {  	[smem:$0x3F7E] =	sst lr;
	_ =	strace $0xD0000000  }
0x3: {  	_ = 	snop  }
0x4: {  	_ = 	snop  }
0x5: {  	_ = 	snop  }
0x6: {  	_ = 	snop  }
0x7: {  	_ = 	snop  }
__scs_overlays_trampoline_lowered:
0x8: {  	[smem:$0x3F8D] =	sst s0  }
0x9: {  	[smem:$0x3F8E] =	sst s1  }
0xa: {  	[smem:$0x3F8F] =	sst s2  }
0xb: {  	[smem:$0x3F90] =	sst s3  }
0xc: {  	[smem:$0x3F91] =	sst s4  }
0xd: {  	[smem:$0x3F92] =	sst s5  }
0xe: {  	[smem:$0x3F93] =	sst s6  }
0xf: {  	[smem:$0x3F94] =	sst s7  }
0x10: {  	[smem:$0x3F95] =	sst s8  }
0x11: {  	[smem:$0x3F96] =	sst s9;
	s0 =	simm.s32 @!p0 $0x0  }
0x12: {  	s1 =	sld [smem:$0x3F7C];
	s0 =	simm.s32 @p0 $0x1  }
0x13: {  	[smem:$0x3F97] =	sst s0;
	s0 =	simm.s32 @!p1 $0x0  }
0x14: {  	s2 =	sld [smem:$0x3F7B];
	s0 =	simm.s32 @p1 $0x1  }
0x15: {  	[smem:$0x3F98] =	sst s0;
	s0 =	simm.s32 @!p2 $0x0  }
0x16: {  	s3 =	sld [smem:$0x3FDB];
	s0 =	simm.s32 @p2 $0x1  }
0x17: {  	s4 =	simm.s32 $0x1BF5;
	[smem:$0x3F9A] =	sst s0  }
0x18: {  	s0 =	sld [smem:$0x3F7D];
	_ =	swait.ge [sflag:s4], $0x0  }
0x19: {  	s7 =	sld [smem:$0x3F7E]  }
0x1a: {  	s8 =	sadd.s32 $0xFFFFE003, lr  }
0x1b: {  	s9 =	sadd.s32 $0xFFFFFEF7, lr;
	s5 =	simm.s32 $0xFFFFFFFF;
	p2 =	slt.u32 s8, $0xFFFFF086  }
0x1c: {  	p1 =	slt.u32 s9, $0xF7A;
	s5 =	simm.s32 @!p2 $0x0  }
0x1d: {  	s5 =	simm.s32 @p1 $0x1;
	p0 =	seq.s32 s7, s2  }
0x1e: {  	s7 =	smul.u32 @!p0 $0xF7A, s2;
	p2 =	seq.s32 @!p0 s5, $0x0  }
0x1f: {  	s9 =	smul.u32 $0xF7A, s1;
	s8 =	simm.s32 @!p0 $0x1BF5;
	p2 =	por !p2, p0  }
0x20: {  	[sflag:s8] =	ssyncset.s32 @!p0 $0xFFFFF086;
	s6 =	sadd.s32 @!p0 s3, s7;
	s7 =	simm.s32 @!p0 $0x108  }
0x21: {  	s3 =	sadd.s32 s3, s9;
	s6 =	sadd.s32 @!p0 $0x88, s6;
	s7 =	simm.s32 @p2 $0x1082  }
0x22: {  	[simem:s7], [sflag:s8] =	dma.local @!p0 [hbm:s6], $0xF7A  }
0x23: {  	s9 =	sor.u32 $0xD0000000, s2;
	s6 =	simm.s32 $0x108;
	_ =	swait.ge @!p0 [sflag:s8], $0x0  }
0x24: {  	s3 =	sadd.s32 $0x88, s3;
	s6 =	simm.s32 @!p1 $0x1082;
	[sflag:s4] =	ssyncset.s32 $0xFFFFF086  }
0x25: {  	[simem:s6], [sflag:s4] =	dma.local [hbm:s3], $0xF7A  }
0x26: {  	[smem:$0x3F7E] =	sst s1;
	(tag) =	ssettag s2;
	_ =	strace s9  }
0x27: {  	s1 =	sld [smem:$0x3F8E]  }
0x28: {  	s2 =	sld [smem:$0x3F8F]  }
0x29: {  	s4 =	sld [smem:$0x3F91]  }
0x2a: {  	p0 =	seq.s32 s5, $0x0;
	s5 =	sld [smem:$0x3F92]  }
0x2b: {  	s6 =	sld [smem:$0x3F93]  }
0x2c: {  	s7 =	sld [smem:$0x3F94]  }
0x2d: {  	s3 =	simm.s32 $0x108;
	s8 =	sld [smem:$0x3F95]  }
0x2e: {  	s3 =	simm.s32 @!p0 $0x1082;
	s9 =	sld [smem:$0x3F96]  }
0x2f: {  	lr =	sadd.s32 s0, s3;
	s0 =	sld [smem:$0x3F8D]  }
0x30: {  	s3 =	sld [smem:$0x3F90]  }
0x31: {  	[smem:$0x3F99] =	sst s10  }
0x32: {  	s10 =	sld [smem:$0x3F97];
	_ =	sdelay $0x3  }
0x33: {  	p0 =	seq.s32 s10, $0x1;
	s10 =	sld [smem:$0x3F99];
	_ =	sdelay $0x3  }
0x34: {  	[smem:$0x3F99] =	sst s10  }
0x35: {  	s10 =	sld [smem:$0x3F98];
	_ =	sdelay $0x3  }
0x36: {  	p1 =	seq.s32 s10, $0x1;
	s10 =	sld [smem:$0x3F99];
	_ =	sdelay $0x3  }
0x37: {  	[smem:$0x3F99] =	sst s10  }
0x38: {  	s10 =	sld [smem:$0x3F9A]  }
0x39: {  	_ = 	snop;
	(pc) =	sbr.ind lr, $3  }
0x3a: {  	_ = 	snop  }
0x3b: {  	_ = 	snop  }
0x3c: {  	p2 =	seq.s32 s10, $0x1;
	s10 =	sld [smem:$0x3F99]  }
0x3d: {  	_ =	shalt  }
0x3e: {  	_ =	shalt  }
0x3f: {  	_ =	shalt  }
0x40: {  	_ =	shalt  }
0x41: {  	_ =	shalt  }
0x42: {  	_ =	shalt  }
0x43: {  	_ =	shalt  }
0x44: {  	_ =	shalt  }
0x45: {  	_ =	shalt  }
0x46: {  	_ =	shalt  }
0x47: {  	_ =	shalt  }
0x48: {  	_ =	shalt  }
0x49: {  	_ =	shalt  }
0x4a: {  	_ =	shalt  }
0x4b: {  	_ =	shalt  }
0x4c: {  	_ =	shalt  }
0x4d: {  	_ =	shalt  }
0x4e: {  	_ =	shalt  }
0x4f: {  	_ =	shalt  }
0x50: {  	_ =	shalt  }
0x51: {  	_ =	shalt  }
0x52: {  	_ =	shalt  }
0x53: {  	_ =	shalt  }
0x54: {  	_ =	shalt  }
0x55: {  	_ =	shalt  }
0x56: {  	_ =	shalt  }
0x57: {  	_ =	shalt  }
0x58: {  	_ =	shalt  }
0x59: {  	_ =	shalt  }
0x5a: {  	_ =	shalt  }
0x5b: {  	_ =	shalt  }
0x5c: {  	_ =	shalt  }
0x5d: {  	_ =	shalt  }
0x5e: {  	_ =	shalt  }
0x5f: {  	_ =	shalt  }
0x60: {  	_ =	shalt  }
0x61: {  	_ =	shalt  }
0x62: {  	_ =	shalt  }
0x63: {  	_ =	shalt  }
0x64: {  	_ =	shalt  }
0x65: {  	_ =	shalt  }
0x66: {  	_ =	shalt  }
0x67: {  	_ =	shalt  }
0x68: {  	_ =	shalt  }
0x69: {  	_ =	shalt  }
0x6a: {  	_ =	shalt  }
0x6b: {  	_ =	shalt  }
0x6c: {  	_ =	shalt  }
0x6d: {  	_ =	shalt  }
0x6e: {  	_ =	shalt  }
0x6f: {  	_ =	shalt  }
0x70: {  	_ =	shalt  }
0x71: {  	_ =	shalt  }
0x72: {  	_ =	shalt  }
0x73: {  	_ =	shalt  }
0x74: {  	_ =	shalt  }
0x75: {  	_ =	shalt  }
0x76: {  	_ =	shalt  }
0x77: {  	_ =	shalt  }
0x78: {  	_ =	shalt  }
0x79: {  	_ =	shalt  }
0x7a: {  	_ =	shalt  }
0x7b: {  	_ =	shalt  }
0x7c: {  	_ =	shalt  }
0x7d: {  	_ =	shalt  }
0x7e: {  	_ =	shalt  }
0x7f: {  	_ =	shalt  }
0x80: {  	_ =	shalt  }
0x81: {  	_ =	shalt  }
0x82: {  	_ =	shalt  }
0x83: {  	_ =	shalt  }
0x84: {  	_ =	shalt  }
0x85: {  	_ =	shalt  }
0x86: {  	_ =	shalt  }
0x87: {  	_ =	shalt  }
.Lfunc_end0:
.L_simem_size_0:
called_computation.1_lowered:
.L_overlay_start_0:
0x88: {  	s2 =	sld [smem:$0x3FD9]  }
0x89: {  	s3 =	sld [smem:$0x3FFE];
	_ =	sdelay $0x1  }
0x8a: {  	s1 =	srdreg.scid  }
0x8b: {  	s0 =	sand.u32 $0x1, s1  }
0x8c: {  	s16 =	sshll.u32 s0, $0xA;
	s2 =	sadd.s32 s3, s2  }
0x8d: {  	s2 =	sadd.s32 s2, s16  }
0x8e: {  	[smem:$0x3FA5] =	sst s2  }
0x8f: {  	_ = 	snop  }
0x90: {  	(tm) =	ssettm $0x1  }
0x91: {  	s17 =	sld [smem:$0x3FFB];
	_ =	sdelay $0x3  }
0x92: {  	_ =	strace s17  }
0x93: {  	s2 =	sld [smem:$0x3FFC];
	_ =	sdelay $0x3  }
0x94: {  	_ =	strace s2  }
0x95: {  	s2 =	sld [smem:$0x3FFD];
	_ =	sdelay $0x3  }
0x96: {  	_ =	strace s2  }
0x97: {  	_ =	strace $0x8FFFFFFF  }
0x98: {  	s18 =	sld [smem:$0x3FDB];
	_ =	sdelay $0x1  }
0x99: {  	s19 =	simm.s32 $_scs_section_size  }
0x9a: {  	s4 =	simm.s32 $_size__tile_overlayer_lowered;
	s5 =	simm.s32 $_tile_overlayer_lowered  }
0x9b: {  	s22 =	simm.s32 $0x1BFF;
	s21 =	sshll.u32 s5, $0x1;
	s2 =	sadd.s32 s19, s18  }
0x9c: {  	s6 =	simm.s32 $0x0;
	s20 =	sshll.u32 s4, $0x1;
	s4 =	sadd.s32 s21, s2  }
0x9d: {  	[timem:s6], [sflag:s22] =	dma.local [hbm:s4], s20  }
0x9e: {  	_ =	swait.ge [sflag:s22], s20  }
0x9f: {  	s3 =	ssub.s32 $0x0, s20;
	[sflag:s22] =	ssyncset.done $0x0  }
0xa0: {  	[sflag:s22] =	ssyncadd.s32 s3;
	_ =	sdelay $0x1  }
0xa1: {  	s23 =	simm.s32 $0x1B8B  }
0xa2: {  	_ =	swait.ge [sflag:s23], $0x1  }
0xa3: {  	[sflag:s23] =	ssyncset.done $0x0  }
0xa4: {  	s25 =	simm.s32 $0x1B8E;
	s24 =	sld [smem:$0x3FFE];
	[sflag:s23] =	ssyncadd.s32 $0xFFFFFFFF  }
0xa5: {  	s26 =	simm.s32 $execute0_lowered;
	[smem:$0x3FD2] =	sst s25  }
0xa6: {  	s4 =	sshll.u32 s26, $0x1;
	_ =	strace $0x80000049;
	[dreg:$0x1] =	wrdreg $0xFFFFFFFF  }
0xa7: {  	s28 =	simm.s32 $_size_execute0_lowered;
	s2 =	sadd.s32 s2, s4;
	[dreg:$0x0] =	wrdreg $0x0  }
0xa8: {  	s4 =	sshll.u32 s28, $0x1;
	[dreg:$0x2] =	wrdreg s2  }
0xa9: {  	[dreg:$0x3] =	wrdreg s4  }
0xaa: {  	[dreg:$0x4] =	wrdreg $0xC0  }
0xab: {  	_ =	task [dreg:s6], $0x5FFFF  }
0xac: {  	[dreg:$0x1] =	wrdreg $0xFFFFFFFF  }
0xad: {  	[dreg:$0x0] =	wrdreg $0x60  }
0xae: {  	[dreg:$0x2] =	wrdreg s24  }
0xaf: {  	[dreg:$0x3] =	wrdreg $0x79000  }
0xb0: {  	[dreg:$0x4] =	wrdreg $0x9  }
0xb1: {  	_ =	task.clear_ibuf [dreg:s6], $0x5FFFF;
	_ =	strace $0x90000049  }
0xb2: {  	s29 =	simm.s32 $0x9;
	_ =	strace $0x8000004B  }
0xb3: {  	_ =	swait.ge [sflag:s29], $0x1  }
0xb4: {  	[sflag:s29] =	ssyncadd.s32 $0xFFFFFFFF  }
0xb5: {  	_ =	strace $0x9000004B  }
0xb6: {  	_ =	sfence  }
0xb7: {  	s30 =	sld [smem:$0x0];
	_ =	sdelay $0x2  }
0xb8: {  	s31 =	sshll.u32 s1, $0xD;
	s1 =	sshrl.u32 s1, $0x2  }
0xb9: {  	s3 =	sand.u32 $0x4000, s31;
	s1 =	sadd.s32 s1, s30  }
0xba: {  	s0 =	sor.u32 s3, s0;
	s1 =	sshll.u32 s1, $0x11  }
0xbb: {  	s0 =	sor.u32 s1, s0  }
0xbc: {  	s0 =	sadd.s32 $0x8F2B, s0  }
0xbd: {  	[sflag:s0] =	ssyncadd.remote.s32 $0x1  }
0xbe: {  	_ =	sfence.sel $0xFFFF  }
0xbf: {  	[dreg:$0x0] =	wrdreg $0xFFFFFFFF;
	(pc) =	sbr.abs _section_cstart, $3  }
0xc0: {  	[dreg:$0x1] =	wrdreg $0xFFFFFFFF  }
0xc1: {  	_ =	task.clear_ibuf [dreg:s6], $0x2FFFF;
	_ =	strace $0x9FFFFFFF  }
0xc2: {  	(tm) =	ssettm $0x7FFFFFFF  }
0xc3: {  	_ =	shalt  }
tec
execute0_lowered:
.L_overlay_start_1:
0x0: {  	(tag) =	ssettag $0x1  }
0x1: {  	s8 =	rddreg [dreg:$0x0]  }
0x2: {  	s1 =	rddreg [dreg:$0x1];
	s2 =	srdreg.scid  }
0x3: {  	s0 =	rddreg [dreg:$0x2];
	s3 =	simm.s32 $0x0;
	s14 =	simm.s32 $0x2  }
0x4: {  	s15 =	simm.s32 $0x80;
	s16 =	simm.s32 $0x50;
	s17 =	simm.s32 $0x100  }
0x5: {  	s18 =	simm.s32 $0x2900;
	s19 =	simm.s32 $0x1;
	s20 =	simm.s32 $0x0  }
0x6: {  	s9 =	sand.u32 $0x1, s2;
	[smem:$0x7FF] =	sst s3;
	s4 =	sadd.s32 $0x5400, s8  }
0x7: {  	s2 =	stileid.u32;
	s6 =	sadd.s32 $0x4F1200, s8;
	s7 =	smul.u32 $0x138800, s9  }
0x8: {  	s5 =	sadd.s32 $0x9DD000, s8;
	s10 =	smul.u32 $0x2800, s2;
	_ =	strace $0x8000004A  }
0x9: {  	s11 =	ssub.s32 $0x2, s9;
	s29 =	smul.u32 $0xA000, s2;
	s30 =	sshll.u32 s2, $0x1  }
0xa: {  	s13 =	ssub.s32 $0x8C, s2;
	s28 =	sshrl.u32 s11, $0x1;
	s9 =	sor.u32 s9, s30  }
0xb: {  	s10 =	sadd.s32 s10, s7;
	s7 =	sadd.s32 $0x4E7400, s8;
	s11 =	ssub.s32 s11, s28  }
0xc: {  	s31 =	sshrl.u32 s29, $0x2;
	s9 =	smul.u32 $0x2710, s9;
	s10 =	sshrl.u32 s10, $0x3  }
0xd: {  	s12 =	sadd.s32 s10, s8;
	s8 =	sshrl.u32 s13, $0x4;
	s10 =	smax.u32 s11, $0x1  }
0xe: {  	v0 =	vimm.f32 $0.0e+00;
	s11 =	sadd.s32 s31, s1;
	s13 =	simm.s32 $0x5100;
	s12 =	sadd.s32 $0x2C600, s12  }
.LBB2_1:
0xf: {  	s21 =	simm.s32 $0x0;
	s22 =	simm.s32 $0x200  }
.LBB2_2:
0x10: {  	p0 =	sne.s32 s22, $0x9E00;
	[tilespmem:s21+$0x5170] =	vst v0  }
0x11: {  	[tilespmem:s21+$0x5100] =	vst v0  }
0x12: {  	[tilespmem:s21+$0x5110] =	vst v0  }
.Ltmp0:
0x13: {  	[tilespmem:s21+$0x5120] =	vst v0;
	(pc) =	sbr.rel @p0 .LBB2_2-.Ltmp0, $4  }
0x14: {  	[tilespmem:s21+$0x5130] =	vst v0  }
0x15: {  	[tilespmem:s21+$0x5140] =	vst v0  }
0x16: {  	[tilespmem:s21+$0x5150] =	vst v0  }
0x17: {  	[tilespmem:s21+$0x5160] =	vst v0;
	s21 =	sshra.s32 s22, $0x2;
	s22 =	sadd.s32 $0x200, s22  }
0x18: {  	[tilespmem:s21+$0x5170] =	vst v0  }
0x19: {  	[tilespmem:s21+$0x5100] =	vst v0  }
0x1a: {  	[tilespmem:s21+$0x5110] =	vst v0  }
0x1b: {  	[tilespmem:s21+$0x5120] =	vst v0  }
0x1c: {  	[tilespmem:s21+$0x5130] =	vst v0  }
0x1d: {  	[tilespmem:s21+$0x5140] =	vst v0;
	p0 =	sne.s32 s8, $0x1  }
.Ltmp1:
0x1e: {  	[tilespmem:s21+$0x5150] =	vst v0;
	(pc) =	sbr.rel @!p0 .LBB2_5-.Ltmp1, $4  }
0x1f: {  	[tilespmem:s21+$0x5160] =	vst v0  }
0x20: {  	[spmem:s11] =	stream.linear.scatter [tilespmem:s13], [sflag:$0x2], $0x2800, $0x38;
	[tilespmem:$0x1B180] =	vst v63  }
0x21: {  	_ =	swait.ge [sflag:s14], $0x2800  }
0x22: {  	s21 =	sadd.s32 $0xFFFFFFFF, s8;
	s22 =	smov.u32 s11;
	[sflag:s14] =	ssyncset.done $0x0  }
.LBB2_4:
0x23: {  	p1 =	sne.s32 s21, $0x1;
	[sflag:s14] =	ssyncadd.s32 $0xFFFFD800;
	s22 =	sadd.s32 $0x28000, s22  }
.Ltmp2:
0x24: {  	s21 =	sadd.s32 $0xFFFFFFFF, s21;
	(pc) =	sbr.rel @p1 .LBB2_4-.Ltmp2, $4  }
0x25: {  	_ = 	snop  }
0x26: {  	[spmem:s22] =	stream.linear.scatter [tilespmem:s13], [sflag:$0x2], $0x2800, $0x38;
	[tilespmem:$0x1B180] =	vst v63  }
0x27: {  	_ =	swait.ge [sflag:s14], $0x2800  }
0x28: {  	[sflag:s14] =	ssyncset.done $0x0  }
.LBB2_5:
0x29: {  	[sflag:s14] =	ssyncadd.s32 $0xFFFFD800  }
0x2a: {  	s21 =	simm.s32 $0x0;
	s22 =	simm.s32 $0x0;
	[bflag:$0x0] =	sbarrier.arrive $0xFFFF  }
.LBB2_6:
0x2b: {  	s23 =	smul.u32 $0x50, s22;
	_ =	sdelay $0x1  }
0x2c: {  	s23 =	sadd.s32 s9, s23  }
0x2d: {  	s24 =	sshrl.u32 s23, $0x3  }
0x2e: {  	s25 =	sadd.s32 s6, s24  }
0x2f: {  	[tilespmem:s21], [sflag:$0x2] =	stream.linear.gather [hbm4b:s25+s21], $0x50, $0x38;
	[tilespmem:$0x1B180] =	vst v63  }
0x30: {  	_ =	swait.ge [sflag:s14], $0x50  }
0x31: {  	[sflag:s14] =	ssyncset.done $0x0  }
0x32: {  	s24 =	sadd.s32 s7, s24;
	[sflag:s14] =	ssyncadd.s32 $0xFFFFFFB0  }
0x33: {  	[tilespmem:s15], [sflag:$0x2] =	stream.linear.gather [hbm4b:s24+s21], $0x50, $0x38;
	[tilespmem:$0x1B180] =	vst v63  }
0x34: {  	_ =	swait.ge [sflag:s14], $0x50  }
0x35: {  	[sflag:s14] =	ssyncset.done $0x0  }
0x36: {  	s23 =	sshll.u32 s23, $0x4;
	[sflag:s14] =	ssyncadd.s32 $0xFFFFFFB0  }
0x37: {  	[tilespmem:s17], [sflag:$0x1] =	stream.indirect.gather [hbm4b:s4+s16], $0x80, s21, s16, $0xb8;
	[tilespmem:$0x1B180] =	vst v63  }
0x38: {  	s23 =	sadd.s32 s5, s23  }
0x39: {  	[tilespmem:s18], [sflag:$0x2] =	stream.linear.gather [hbm4b:s23+s21], $0x2800, $0x38;
	[tilespmem:$0x1B180] =	vst v63  }
0x3a: {  	_ =	swait.ge [sflag:s14], $0x2800  }
0x3b: {  	[sflag:s14] =	ssyncset.done $0x0  }
0x3c: {  	[sflag:s14] =	ssyncadd.s32 $0xFFFFD800  }
0x3d: {  	_ =	swait.ge [sflag:s19], $0x2800  }
0x3e: {  	[sflag:s19] =	ssyncset.done $0x0  }
0x3f: {  	s23 =	simm.s32 $0x0;
	[sflag:s19] =	ssyncadd.s32 $0xFFFFD800  }
0x40: {  	v7 =	vld [tilespmem:s23+$0x2900]  }
0x41: {  	v12 =	vld [tilespmem:s23+$0x2910]  }
0x42: {  	v6 =	vld [tilespmem:s23+$0x2920]  }
0x43: {  	v5 =	vld [tilespmem:s23+$0x2930]  }
0x44: {  	v4 =	vld [tilespmem:s23+$0x2940]  }
0x45: {  	v3 =	vld [tilespmem:s23+$0x2950]  }
0x46: {  	v2 =	vld [tilespmem:s23+$0x2960]  }
0x47: {  	v1 =	vld [tilespmem:s23+$0x2970]  }
0x48: {  	v13 =	vld [tilespmem:s23+$0x100]  }
0x49: {  	v14 =	vld [tilespmem:s23+$0x110]  }
0x4a: {  	v11 =	vld [tilespmem:s23+$0x120]  }
0x4b: {  	v10 =	vld [tilespmem:s23+$0x130]  }
0x4c: {  	v9 =	vld [tilespmem:s23+$0x140]  }
0x4d: {  	v8 =	vld [tilespmem:s23+$0x150];
	v13 =	vadd.f32 v7, v13  }
0x4e: {  	s24 =	simm.s32 $0x200;
	v12 =	vadd.f32 v12, v14;
	v7 =	vld [tilespmem:s23+$0x160]  }
.LBB2_7:
0x4f: {  	s25 =	sshra.s32 s24, $0x2;
	p1 =	sne.s32 s24, $0x9E00;
	v13 =	vmax.f32 v13, $0.0e+00;
	v6 =	vadd.f32 v6, v11;
	v11 =	vld [tilespmem:s23+$0x170]  }
0x50: {  	v14 =	vld [tilespmem:s25+$0x2900];
	[tilespmem:s23+$0x100] =	vst v13;
	v12 =	vmax.f32 v12, $0.0e+00;
	v5 =	vadd.f32 v5, v10  }
0x51: {  	v15 =	vld [tilespmem:s25+$0x2910];
	[tilespmem:s23+$0x110] =	vst v12;
	v10 =	vmax.f32 v6, $0.0e+00;
	v4 =	vadd.f32 v4, v9  }
0x52: {  	v6 =	vld [tilespmem:s25+$0x2920];
	[tilespmem:s23+$0x120] =	vst v10;
	v9 =	vmax.f32 v5, $0.0e+00;
	v3 =	vadd.f32 v3, v8  }
0x53: {  	v5 =	vld [tilespmem:s25+$0x2930];
	[tilespmem:s23+$0x130] =	vst v9;
	v8 =	vmax.f32 v4, $0.0e+00;
	v2 =	vadd.f32 v2, v7  }
0x54: {  	v4 =	vld [tilespmem:s25+$0x2940];
	[tilespmem:s23+$0x140] =	vst v8;
	v7 =	vmax.f32 v3, $0.0e+00;
	v1 =	vadd.f32 v1, v11  }
0x55: {  	v3 =	vld [tilespmem:s25+$0x2950];
	[tilespmem:s23+$0x150] =	vst v7;
	v7 =	vmax.f32 v2, $0.0e+00  }
0x56: {  	v2 =	vld [tilespmem:s25+$0x2960];
	[tilespmem:s23+$0x160] =	vst v7;
	v7 =	vmax.f32 v1, $0.0e+00  }
0x57: {  	v1 =	vld [tilespmem:s25+$0x2970];
	[tilespmem:s23+$0x170] =	vst v7;
	s23 =	smov.u32 s25  }
0x58: {  	v7 =	vld [tilespmem:s23+$0x100]  }
0x59: {  	v12 =	vld [tilespmem:s23+$0x110]  }
.Ltmp3:
0x5a: {  	v11 =	vld [tilespmem:s23+$0x120];
	(pc) =	sbr.rel @p1 .LBB2_7-.Ltmp3, $4  }
0x5b: {  	v10 =	vld [tilespmem:s23+$0x130]  }
0x5c: {  	v9 =	vld [tilespmem:s23+$0x140]  }
0x5d: {  	v13 =	vadd.f32 v14, v7;
	v8 =	vld [tilespmem:s23+$0x150]  }
0x5e: {  	s24 =	sadd.s32 $0x200, s24;
	v12 =	vadd.f32 v15, v12;
	v7 =	vld [tilespmem:s23+$0x160]  }
0x5f: {  	v13 =	vmax.f32 v13, $0.0e+00;
	v6 =	vadd.f32 v6, v11;
	v63 =	vld [tilespmem:s23+$0x170]  }
0x60: {  	[tilespmem:s23+$0x100] =	vst v13;
	v12 =	vmax.f32 v12, $0.0e+00;
	v5 =	vadd.f32 v5, v10  }
0x61: {  	[tilespmem:s23+$0x110] =	vst v12;
	v6 =	vmax.f32 v6, $0.0e+00;
	v4 =	vadd.f32 v4, v9  }
0x62: {  	[tilespmem:s23+$0x120] =	vst v6;
	v5 =	vmax.f32 v5, $0.0e+00;
	v3 =	vadd.f32 v3, v8  }
0x63: {  	[tilespmem:s23+$0x130] =	vst v5;
	v4 =	vmax.f32 v4, $0.0e+00;
	v2 =	vadd.f32 v2, v7  }
0x64: {  	[tilespmem:s23+$0x140] =	vst v4;
	v3 =	vmax.f32 v3, $0.0e+00;
	v1 =	vadd.f32 v1, v63  }
0x65: {  	s22 =	sadd.s32 $0x1, s22;
	[tilespmem:s23+$0x150] =	vst v3;
	v2 =	vmax.f32 v2, $0.0e+00  }
0x66: {  	p1 =	sne.s32 s22, $0x7D;
	[tilespmem:s23+$0x160] =	vst v2;
	v1 =	vmax.f32 v1, $0.0e+00  }
.Ltmp4:
0x67: {  	[tilespmem:s23+$0x170] =	vst v1;
	(pc) =	sbr.rel @p1 .LBB2_6-.Ltmp4, $4  }
0x68: {  	[spmem:s1] =	stream.indirect.scatter.add.f32 [tilespmem:s17], [sflag:$0x2], $0x80, s15, s16, $0xb8;
	[tilespmem:$0x1B180] =	vst v63  }
0x69: {  	_ =	swait.ge [sflag:s14], $0x2800  }
0x6a: {  	[sflag:s14] =	ssyncset.done $0x0  }
0x6b: {  	[sflag:s14] =	ssyncadd.s32 $0xFFFFD800  }
0x6c: {  	[bflag:$0x0] =	sbarrier.arrive $0xFFFF  }
0x6d: {  	[tilespmem:s13], [sflag:$0x2] =	stream.linear.gather [spmem:s11], $0x2800, $0x38;
	[tilespmem:$0x1B180] =	vst v63  }
0x6e: {  	_ =	swait.ge [sflag:s14], $0x2800  }
.Ltmp5:
0x6f: {  	[sflag:s14] =	ssyncset.done $0x0;
	(pc) =	sbr.rel @!p0 .LBB2_11-.Ltmp5, $4  }
0x70: {  	[sflag:s14] =	ssyncadd.s32 $0xFFFFD800  }
0x71: {  	[hbm4b:s12+s3] =	stream.linear.scatter [tilespmem:s13], [sflag:$0x2], $0x2800, $0x38;
	[tilespmem:$0x1B180] =	vst v63  }
0x72: {  	s21 =	sadd.s32 $0xFFFFFFFF, s8;
	_ =	swait.ge [sflag:s14], $0x2800  }
0x73: {  	s22 =	smov.u32 s11;
	s23 =	smov.u32 s12;
	[sflag:s14] =	ssyncset.done $0x0  }
.LBB2_10:
0x74: {  	[sflag:s14] =	ssyncadd.s32 $0xFFFFD800;
	s22 =	sadd.s32 $0x28000, s22;
	s23 =	sadd.s32 $0x5000, s23  }
0x75: {  	[tilespmem:s13], [sflag:$0x2] =	stream.linear.gather [spmem:s22], $0x2800, $0x38;
	[tilespmem:$0x1B180] =	vst v63  }
0x76: {  	p0 =	sne.s32 s21, $0x1;
	s21 =	sadd.s32 $0xFFFFFFFF, s21;
	_ =	swait.ge [sflag:s14], $0x2800  }
.Ltmp6:
0x77: {  	[sflag:s14] =	ssyncset.done $0x0;
	(pc) =	sbr.rel @p0 .LBB2_10-.Ltmp6, $4  }
0x78: {  	[sflag:s14] =	ssyncadd.s32 $0xFFFFD800  }
0x79: {  	[hbm4b:s23+s3] =	stream.linear.scatter [tilespmem:s13], [sflag:$0x2], $0x2800, $0x38;
	[tilespmem:$0x1B180] =	vst v63  }
0x7a: {  	_ =	swait.ge [sflag:s14], $0x2800  }
0x7b: {  	[sflag:s14] =	ssyncset.done $0x0  }
.LBB2_11:
0x7c: {  	s20 =	sadd.s32 $0x1, s20  }
0x7d: {  	p0 =	sne.s32 s20, s10  }
.Ltmp7:
0x7e: {  	_ = 	snop;
	(pc) =	sbr.rel @p0 .LBB2_1-.Ltmp7, $2  }
0x7f: {  	_ =	sdelay $0x2  }
0x80: {  	[sflag:s14] =	ssyncadd.s32 $0xFFFFD800  }
0x81: {  	_ =	sfence.sel $0x180000  }
0x82: {  	[bflag:$0x0] =	sbarrier.arrive $0xFFFF  }
0x83: {  	p0 =	sne.s32 s2, $0x0;
	_ =	strace $0x9000004A  }
0x84: {  	s0 =	sadd.s32 @!p0 $0x100000, s0;
	[bflag:$0x2] =	sbarrier.arrive $0xFFFF  }
0x85: {  	[sflag:s0] =	ssyncadd.tile.s32 @!p0 $0x1;
	_ =	shalt  }
.Lfunc_end2:
_tile_overlayer_lowered:
.L_overlay_start_2:
0x86: {  	(tag) =	ssettag $0x2  }
0x87: {  	s0 =	rddreg [dreg:$0x0];
	s2 =	stileid.u32  }
0x88: {  	s1 =	rddreg [dreg:$0x1];
	p0 =	sne.s32 s2, $0x0  }
0x89: {  	s3 =	rddreg [dreg:$0x2];
	[bflag:$0x3] =	sbarrier.arrive $0xFFFF;
	s2 =	simm.s32 @!p0 $0x1C02  }
0x8a: {  	[timem:s3], [sflag:s2] =	dma.local @!p0 [hbm:s0], s1  }
0x8b: {  	s0 =	simm.s32 @!p0 $0x2  }
0x8c: {  	_ =	swait.ge @!p0 [sflag:s0], s1  }
0x8d: {  	s1 =	ssub.s32 @!p0 $0x0, s1;
	[sflag:s0] =	ssyncset.done @!p0 $0x0  }
0x8e: {  	[sflag:s0] =	ssyncadd.s32 @!p0 s1  }
0x8f: {  	[bflag:$0x3] =	sbarrier.arrive $0xFFFF  }
0x90: {  	_ =	shalt  }

// kernel: kernel.16.cloned.1.call-start
scs
__scs_entry_jumppad:
0x0: {  	(pc) =	sbr.rel $0x88, $3  }
0x1: {  	(tag) =	ssettag $0x0;
	lr =	simm.s32 $0x1  }
0x2: {  	[smem:$0x3F7E] =	sst lr;
	_ =	strace $0xD0000000  }
0x3: {  	_ = 	snop  }
0x4: {  	_ = 	snop  }
0x5: {  	_ = 	snop  }
0x6: {  	_ = 	snop  }
0x7: {  	_ = 	snop  }
__scs_overlays_trampoline_lowered:
0x8: {  	[smem:$0x3F8D] =	sst s0  }
0x9: {  	[smem:$0x3F8E] =	sst s1  }
0xa: {  	[smem:$0x3F8F] =	sst s2  }
0xb: {  	[smem:$0x3F90] =	sst s3  }
0xc: {  	[smem:$0x3F91] =	sst s4  }
0xd: {  	[smem:$0x3F92] =	sst s5  }
0xe: {  	[smem:$0x3F93] =	sst s6  }
0xf: {  	[smem:$0x3F94] =	sst s7  }
0x10: {  	[smem:$0x3F95] =	sst s8  }
0x11: {  	[smem:$0x3F96] =	sst s9;
	s0 =	simm.s32 @!p0 $0x0  }
0x12: {  	s1 =	sld [smem:$0x3F7C];
	s0 =	simm.s32 @p0 $0x1  }
0x13: {  	[smem:$0x3F97] =	sst s0;
	s0 =	simm.s32 @!p1 $0x0  }
0x14: {  	s2 =	sld [smem:$0x3F7B];
	s0 =	simm.s32 @p1 $0x1  }
0x15: {  	[smem:$0x3F98] =	sst s0;
	s0 =	simm.s32 @!p2 $0x0  }
0x16: {  	s3 =	sld [smem:$0x3FDB];
	s0 =	simm.s32 @p2 $0x1  }
0x17: {  	s4 =	simm.s32 $0x1BF5;
	[smem:$0x3F9A] =	sst s0  }
0x18: {  	s0 =	sld [smem:$0x3F7D];
	_ =	swait.ge [sflag:s4], $0x0  }
0x19: {  	s7 =	sld [smem:$0x3F7E]  }
0x1a: {  	s8 =	sadd.s32 $0xFFFFE003, lr  }
0x1b: {  	s9 =	sadd.s32 $0xFFFFFEF7, lr;
	s5 =	simm.s32 $0xFFFFFFFF;
	p2 =	slt.u32 s8, $0xFFFFF086  }
0x1c: {  	p1 =	slt.u32 s9, $0xF7A;
	s5 =	simm.s32 @!p2 $0x0  }
0x1d: {  	s5 =	simm.s32 @p1 $0x1;
	p0 =	seq.s32 s7, s2  }
0x1e: {  	s7 =	smul.u32 @!p0 $0xF7A, s2;
	p2 =	seq.s32 @!p0 s5, $0x0  }
0x1f: {  	s9 =	smul.u32 $0xF7A, s1;
	s8 =	simm.s32 @!p0 $0x1BF5;
	p2 =	por !p2, p0  }
0x20: {  	[sflag:s8] =	ssyncset.s32 @!p0 $0xFFFFF086;
	s6 =	sadd.s32 @!p0 s3, s7;
	s7 =	simm.s32 @!p0 $0x108  }
0x21: {  	s3 =	sadd.s32 s3, s9;
	s6 =	sadd.s32 @!p0 $0x88, s6;
	s7 =	simm.s32 @p2 $0x1082  }
0x22: {  	[simem:s7], [sflag:s8] =	dma.local @!p0 [hbm:s6], $0xF7A  }
0x23: {  	s9 =	sor.u32 $0xD0000000, s2;
	s6 =	simm.s32 $0x108;
	_ =	swait.ge @!p0 [sflag:s8], $0x0  }
0x24: {  	s3 =	sadd.s32 $0x88, s3;
	s6 =	simm.s32 @!p1 $0x1082;
	[sflag:s4] =	ssyncset.s32 $0xFFFFF086  }
0x25: {  	[simem:s6], [sflag:s4] =	dma.local [hbm:s3], $0xF7A  }
0x26: {  	[smem:$0x3F7E] =	sst s1;
	(tag) =	ssettag s2;
	_ =	strace s9  }
0x27: {  	s1 =	sld [smem:$0x3F8E]  }
0x28: {  	s2 =	sld [smem:$0x3F8F]  }
0x29: {  	s4 =	sld [smem:$0x3F91]  }
0x2a: {  	p0 =	seq.s32 s5, $0x0;
	s5 =	sld [smem:$0x3F92]  }
0x2b: {  	s6 =	sld [smem:$0x3F93]  }
0x2c: {  	s7 =	sld [smem:$0x3F94]  }
0x2d: {  	s3 =	simm.s32 $0x108;
	s8 =	sld [smem:$0x3F95]  }
0x2e: {  	s3 =	simm.s32 @!p0 $0x1082;
	s9 =	sld [smem:$0x3F96]  }
0x2f: {  	lr =	sadd.s32 s0, s3;
	s0 =	sld [smem:$0x3F8D]  }
0x30: {  	s3 =	sld [smem:$0x3F90]  }
0x31: {  	[smem:$0x3F99] =	sst s10  }
0x32: {  	s10 =	sld [smem:$0x3F97];
	_ =	sdelay $0x3  }
0x33: {  	p0 =	seq.s32 s10, $0x1;
	s10 =	sld [smem:$0x3F99];
	_ =	sdelay $0x3  }
0x34: {  	[smem:$0x3F99] =	sst s10  }
0x35: {  	s10 =	sld [smem:$0x3F98];
	_ =	sdelay $0x3  }
0x36: {  	p1 =	seq.s32 s10, $0x1;
	s10 =	sld [smem:$0x3F99];
	_ =	sdelay $0x3  }
0x37: {  	[smem:$0x3F99] =	sst s10  }
0x38: {  	s10 =	sld [smem:$0x3F9A]  }
0x39: {  	_ = 	snop;
	(pc) =	sbr.ind lr, $3  }
0x3a: {  	_ = 	snop  }
0x3b: {  	_ = 	snop  }
0x3c: {  	p2 =	seq.s32 s10, $0x1;
	s10 =	sld [smem:$0x3F99]  }
0x3d: {  	_ =	shalt  }
0x3e: {  	_ =	shalt  }
0x3f: {  	_ =	shalt  }
0x40: {  	_ =	shalt  }
0x41: {  	_ =	shalt  }
0x42: {  	_ =	shalt  }
0x43: {  	_ =	shalt  }
0x44: {  	_ =	shalt  }
0x45: {  	_ =	shalt  }
0x46: {  	_ =	shalt  }
0x47: {  	_ =	shalt  }
0x48: {  	_ =	shalt  }
0x49: {  	_ =	shalt  }
0x4a: {  	_ =	shalt  }
0x4b: {  	_ =	shalt  }
0x4c: {  	_ =	shalt  }
0x4d: {  	_ =	shalt  }
0x4e: {  	_ =	shalt  }
0x4f: {  	_ =	shalt  }
0x50: {  	_ =	shalt  }
0x51: {  	_ =	shalt  }
0x52: {  	_ =	shalt  }
0x53: {  	_ =	shalt  }
0x54: {  	_ =	shalt  }
0x55: {  	_ =	shalt  }
0x56: {  	_ =	shalt  }
0x57: {  	_ =	shalt  }
0x58: {  	_ =	shalt  }
0x59: {  	_ =	shalt  }
0x5a: {  	_ =	shalt  }
0x5b: {  	_ =	shalt  }
0x5c: {  	_ =	shalt  }
0x5d: {  	_ =	shalt  }
0x5e: {  	_ =	shalt  }
0x5f: {  	_ =	shalt  }
0x60: {  	_ =	shalt  }
0x61: {  	_ =	shalt  }
0x62: {  	_ =	shalt  }
0x63: {  	_ =	shalt  }
0x64: {  	_ =	shalt  }
0x65: {  	_ =	shalt  }
0x66: {  	_ =	shalt  }
0x67: {  	_ =	shalt  }
0x68: {  	_ =	shalt  }
0x69: {  	_ =	shalt  }
0x6a: {  	_ =	shalt  }
0x6b: {  	_ =	shalt  }
0x6c: {  	_ =	shalt  }
0x6d: {  	_ =	shalt  }
0x6e: {  	_ =	shalt  }
0x6f: {  	_ =	shalt  }
0x70: {  	_ =	shalt  }
0x71: {  	_ =	shalt  }
0x72: {  	_ =	shalt  }
0x73: {  	_ =	shalt  }
0x74: {  	_ =	shalt  }
0x75: {  	_ =	shalt  }
0x76: {  	_ =	shalt  }
0x77: {  	_ =	shalt  }
0x78: {  	_ =	shalt  }
0x79: {  	_ =	shalt  }
0x7a: {  	_ =	shalt  }
0x7b: {  	_ =	shalt  }
0x7c: {  	_ =	shalt  }
0x7d: {  	_ =	shalt  }
0x7e: {  	_ =	shalt  }
0x7f: {  	_ =	shalt  }
0x80: {  	_ =	shalt  }
0x81: {  	_ =	shalt  }
0x82: {  	_ =	shalt  }
0x83: {  	_ =	shalt  }
0x84: {  	_ =	shalt  }
0x85: {  	_ =	shalt  }
0x86: {  	_ =	shalt  }
0x87: {  	_ =	shalt  }
.Lfunc_end0:
.L_simem_size_0:
called_computation.2_lowered:
.L_overlay_start_0:
0x88: {  	s2 =	sld [smem:$0x3FD9]  }
0x89: {  	s3 =	sld [smem:$0x3FFE];
	_ =	sdelay $0x1  }
0x8a: {  	s1 =	srdreg.scid  }
0x8b: {  	s0 =	sand.u32 $0x1, s1  }
0x8c: {  	s16 =	sshll.u32 s0, $0xA;
	s2 =	sadd.s32 s3, s2  }
0x8d: {  	s2 =	sadd.s32 s2, s16  }
0x8e: {  	[smem:$0x3FA5] =	sst s2  }
0x8f: {  	_ = 	snop  }
0x90: {  	(tm) =	ssettm $0x1  }
0x91: {  	s17 =	sld [smem:$0x3FFB];
	_ =	sdelay $0x3  }
0x92: {  	_ =	strace s17  }
0x93: {  	s2 =	sld [smem:$0x3FFC];
	_ =	sdelay $0x3  }
0x94: {  	_ =	strace s2  }
0x95: {  	s2 =	sld [smem:$0x3FFD];
	_ =	sdelay $0x3  }
0x96: {  	_ =	strace s2  }
0x97: {  	_ =	strace $0x8FFFFFFF  }
0x98: {  	s18 =	sld [smem:$0x3FDB];
	_ =	sdelay $0x1  }
0x99: {  	s19 =	simm.s32 $_scs_section_size  }
0x9a: {  	s4 =	simm.s32 $_size__tile_overlayer_lowered;
	s5 =	simm.s32 $_tile_overlayer_lowered  }
0x9b: {  	s22 =	simm.s32 $0x1BFF;
	s21 =	sshll.u32 s5, $0x1;
	s2 =	sadd.s32 s19, s18  }
0x9c: {  	s6 =	simm.s32 $0x0;
	s20 =	sshll.u32 s4, $0x1;
	s4 =	sadd.s32 s21, s2  }
0x9d: {  	[timem:s6], [sflag:s22] =	dma.local [hbm:s4], s20  }
0x9e: {  	_ =	swait.ge [sflag:s22], s20  }
0x9f: {  	s3 =	ssub.s32 $0x0, s20;
	[sflag:s22] =	ssyncset.done $0x0  }
0xa0: {  	[sflag:s22] =	ssyncadd.s32 s3;
	_ =	sdelay $0x1  }
0xa1: {  	s23 =	simm.s32 $0x1B8B  }
0xa2: {  	_ =	swait.ge [sflag:s23], $0x1  }
0xa3: {  	[sflag:s23] =	ssyncset.done $0x0  }
0xa4: {  	s25 =	simm.s32 $0x1B8E;
	s24 =	sld [smem:$0x3FFE];
	[sflag:s23] =	ssyncadd.s32 $0xFFFFFFFF  }
0xa5: {  	s26 =	simm.s32 $execute0_lowered;
	[smem:$0x3FD2] =	sst s25  }
0xa6: {  	s4 =	sshll.u32 s26, $0x1;
	_ =	strace $0x8000004C;
	[dreg:$0x1] =	wrdreg $0xFFFFFFFF  }
0xa7: {  	s28 =	simm.s32 $_size_execute0_lowered;
	s2 =	sadd.s32 s2, s4;
	[dreg:$0x0] =	wrdreg $0x0  }
0xa8: {  	s4 =	sshll.u32 s28, $0x1;
	[dreg:$0x2] =	wrdreg s2  }
0xa9: {  	[dreg:$0x3] =	wrdreg s4  }
0xaa: {  	[dreg:$0x4] =	wrdreg $0xC0  }
0xab: {  	_ =	task [dreg:s6], $0x5FFFF  }
0xac: {  	[dreg:$0x1] =	wrdreg $0xFFFFFFFF  }
0xad: {  	[dreg:$0x0] =	wrdreg $0x60  }
0xae: {  	[dreg:$0x2] =	wrdreg s24  }
0xaf: {  	[dreg:$0x3] =	wrdreg $0x79000  }
0xb0: {  	[dreg:$0x4] =	wrdreg $0x9  }
0xb1: {  	_ =	task.clear_ibuf [dreg:s6], $0x5FFFF;
	_ =	strace $0x9000004C  }
0xb2: {  	s29 =	simm.s32 $0x9;
	_ =	strace $0x8000004E  }
0xb3: {  	_ =	swait.ge [sflag:s29], $0x1  }
0xb4: {  	[sflag:s29] =	ssyncadd.s32 $0xFFFFFFFF  }
0xb5: {  	_ =	strace $0x9000004E  }
0xb6: {  	_ =	sfence  }
0xb7: {  	s30 =	sld [smem:$0x0];
	_ =	sdelay $0x2  }
0xb8: {  	s31 =	sshll.u32 s1, $0xD;
	s1 =	sshrl.u32 s1, $0x2  }
0xb9: {  	s3 =	sand.u32 $0x4000, s31;
	s1 =	sadd.s32 s1, s30  }
0xba: {  	s0 =	sor.u32 s3, s0;
	s1 =	sshll.u32 s1, $0x11  }
0xbb: {  	s0 =	sor.u32 s1, s0  }
0xbc: {  	s0 =	sadd.s32 $0x8F2B, s0  }
0xbd: {  	[sflag:s0] =	ssyncadd.remote.s32 $0x1  }
0xbe: {  	_ =	sfence.sel $0xFFFF  }
0xbf: {  	[dreg:$0x0] =	wrdreg $0xFFFFFFFF;
	(pc) =	sbr.abs _section_cstart, $3  }
0xc0: {  	[dreg:$0x1] =	wrdreg $0xFFFFFFFF  }
0xc1: {  	_ =	task.clear_ibuf [dreg:s6], $0x2FFFF;
	_ =	strace $0x9FFFFFFF  }
0xc2: {  	(tm) =	ssettm $0x7FFFFFFF  }
0xc3: {  	_ =	shalt  }
tec
execute0_lowered:
.L_overlay_start_1:
0x0: {  	(tag) =	ssettag $0x1  }
0x1: {  	s8 =	rddreg [dreg:$0x0]  }
0x2: {  	s1 =	rddreg [dreg:$0x1];
	s2 =	srdreg.scid  }
0x3: {  	s0 =	rddreg [dreg:$0x2];
	s3 =	simm.s32 $0x0;
	s14 =	simm.s32 $0x2  }
0x4: {  	s15 =	simm.s32 $0x80;
	s16 =	simm.s32 $0x50;
	s17 =	simm.s32 $0x100  }
0x5: {  	s18 =	simm.s32 $0x2900;
	s19 =	simm.s32 $0x1;
	s20 =	simm.s32 $0x0  }
0x6: {  	s9 =	sand.u32 $0x1, s2;
	[smem:$0x7FF] =	sst s3;
	s4 =	sadd.s32 $0x2C600, s8  }
0x7: {  	s2 =	stileid.u32;
	s6 =	sadd.s32 $0x4F1200, s8;
	s7 =	smul.u32 $0x138800, s9  }
0x8: {  	s5 =	sadd.s32 $0xEBF000, s8;
	s10 =	smul.u32 $0x2800, s2;
	_ =	strace $0x8000004D  }
0x9: {  	s11 =	ssub.s32 $0x2, s9;
	s29 =	smul.u32 $0xA000, s2;
	s30 =	sshll.u32 s2, $0x1  }
0xa: {  	s13 =	ssub.s32 $0x8C, s2;
	s28 =	sshrl.u32 s11, $0x1;
	s9 =	sor.u32 s9, s30  }
0xb: {  	s10 =	sadd.s32 s10, s7;
	s7 =	sadd.s32 $0x4E7400, s8;
	s11 =	ssub.s32 s11, s28  }
0xc: {  	s31 =	sshrl.u32 s29, $0x2;
	s9 =	smul.u32 $0x2710, s9;
	s10 =	sshrl.u32 s10, $0x3  }
0xd: {  	s12 =	sadd.s32 s10, s8;
	s8 =	sshrl.u32 s13, $0x4;
	s10 =	smax.u32 s11, $0x1  }
0xe: {  	v0 =	vimm.f32 $0.0e+00;
	s11 =	sadd.s32 s31, s1;
	s13 =	simm.s32 $0x5100;
	s12 =	sadd.s32 $0x53800, s12  }
.LBB2_1:
0xf: {  	s21 =	simm.s32 $0x0;
	s22 =	simm.s32 $0x200  }
.LBB2_2:
0x10: {  	p0 =	sne.s32 s22, $0x9E00;
	[tilespmem:s21+$0x5170] =	vst v0  }
0x11: {  	[tilespmem:s21+$0x5100] =	vst v0  }
0x12: {  	[tilespmem:s21+$0x5110] =	vst v0  }
.Ltmp0:
0x13: {  	[tilespmem:s21+$0x5120] =	vst v0;
	(pc) =	sbr.rel @p0 .LBB2_2-.Ltmp0, $4  }
0x14: {  	[tilespmem:s21+$0x5130] =	vst v0  }
0x15: {  	[tilespmem:s21+$0x5140] =	vst v0  }
0x16: {  	[tilespmem:s21+$0x5150] =	vst v0  }
0x17: {  	[tilespmem:s21+$0x5160] =	vst v0;
	s21 =	sshra.s32 s22, $0x2;
	s22 =	sadd.s32 $0x200, s22  }
0x18: {  	[tilespmem:s21+$0x5170] =	vst v0  }
0x19: {  	[tilespmem:s21+$0x5100] =	vst v0  }
0x1a: {  	[tilespmem:s21+$0x5110] =	vst v0  }
0x1b: {  	[tilespmem:s21+$0x5120] =	vst v0  }
0x1c: {  	[tilespmem:s21+$0x5130] =	vst v0  }
0x1d: {  	[tilespmem:s21+$0x5140] =	vst v0;
	p0 =	sne.s32 s8, $0x1  }
.Ltmp1:
0x1e: {  	[tilespmem:s21+$0x5150] =	vst v0;
	(pc) =	sbr.rel @!p0 .LBB2_5-.Ltmp1, $4  }
0x1f: {  	[tilespmem:s21+$0x5160] =	vst v0  }
0x20: {  	[spmem:s11] =	stream.linear.scatter [tilespmem:s13], [sflag:$0x2], $0x2800, $0x38;
	[tilespmem:$0x1B180] =	vst v63  }
0x21: {  	_ =	swait.ge [sflag:s14], $0x2800  }
0x22: {  	s21 =	sadd.s32 $0xFFFFFFFF, s8;
	s22 =	smov.u32 s11;
	[sflag:s14] =	ssyncset.done $0x0  }
.LBB2_4:
0x23: {  	p1 =	sne.s32 s21, $0x1;
	[sflag:s14] =	ssyncadd.s32 $0xFFFFD800;
	s22 =	sadd.s32 $0x28000, s22  }
.Ltmp2:
0x24: {  	s21 =	sadd.s32 $0xFFFFFFFF, s21;
	(pc) =	sbr.rel @p1 .LBB2_4-.Ltmp2, $4  }
0x25: {  	_ = 	snop  }
0x26: {  	[spmem:s22] =	stream.linear.scatter [tilespmem:s13], [sflag:$0x2], $0x2800, $0x38;
	[tilespmem:$0x1B180] =	vst v63  }
0x27: {  	_ =	swait.ge [sflag:s14], $0x2800  }
0x28: {  	[sflag:s14] =	ssyncset.done $0x0  }
.LBB2_5:
0x29: {  	[sflag:s14] =	ssyncadd.s32 $0xFFFFD800  }
0x2a: {  	s21 =	simm.s32 $0x0;
	s22 =	simm.s32 $0x0;
	[bflag:$0x0] =	sbarrier.arrive $0xFFFF  }
.LBB2_6:
0x2b: {  	s23 =	smul.u32 $0x50, s22;
	_ =	sdelay $0x1  }
0x2c: {  	s23 =	sadd.s32 s9, s23  }
0x2d: {  	s24 =	sshrl.u32 s23, $0x3  }
0x2e: {  	s25 =	sadd.s32 s6, s24  }
0x2f: {  	[tilespmem:s21], [sflag:$0x2] =	stream.linear.gather [hbm4b:s25+s21], $0x50, $0x38;
	[tilespmem:$0x1B180] =	vst v63  }
0x30: {  	_ =	swait.ge [sflag:s14], $0x50  }
0x31: {  	[sflag:s14] =	ssyncset.done $0x0  }
0x32: {  	s24 =	sadd.s32 s7, s24;
	[sflag:s14] =	ssyncadd.s32 $0xFFFFFFB0  }
0x33: {  	[tilespmem:s15], [sflag:$0x2] =	stream.linear.gather [hbm4b:s24+s21], $0x50, $0x38;
	[tilespmem:$0x1B180] =	vst v63  }
0x34: {  	_ =	swait.ge [sflag:s14], $0x50  }
0x35: {  	[sflag:s14] =	ssyncset.done $0x0  }
0x36: {  	s23 =	sshll.u32 s23, $0x4;
	[sflag:s14] =	ssyncadd.s32 $0xFFFFFFB0  }
0x37: {  	[tilespmem:s17], [sflag:$0x1] =	stream.indirect.gather [hbm4b:s4+s16], $0x80, s21, s16, $0xb8;
	[tilespmem:$0x1B180] =	vst v63  }
0x38: {  	s23 =	sadd.s32 s5, s23  }
0x39: {  	[tilespmem:s18], [sflag:$0x2] =	stream.linear.gather [hbm4b:s23+s21], $0x2800, $0x38;
	[tilespmem:$0x1B180] =	vst v63  }
0x3a: {  	_ =	swait.ge [sflag:s14], $0x2800  }
0x3b: {  	[sflag:s14] =	ssyncset.done $0x0  }
0x3c: {  	[sflag:s14] =	ssyncadd.s32 $0xFFFFD800  }
0x3d: {  	_ =	swait.ge [sflag:s19], $0x2800  }
0x3e: {  	[sflag:s19] =	ssyncset.done $0x0  }
0x3f: {  	s23 =	simm.s32 $0x0;
	[sflag:s19] =	ssyncadd.s32 $0xFFFFD800  }
0x40: {  	v7 =	vld [tilespmem:s23+$0x2900]  }
0x41: {  	v12 =	vld [tilespmem:s23+$0x2910]  }
0x42: {  	v6 =	vld [tilespmem:s23+$0x2920]  }
0x43: {  	v5 =	vld [tilespmem:s23+$0x2930]  }
0x44: {  	v4 =	vld [tilespmem:s23+$0x2940]  }
0x45: {  	v3 =	vld [tilespmem:s23+$0x2950]  }
0x46: {  	v2 =	vld [tilespmem:s23+$0x2960]  }
0x47: {  	v1 =	vld [tilespmem:s23+$0x2970]  }
0x48: {  	v13 =	vld [tilespmem:s23+$0x100]  }
0x49: {  	v14 =	vld [tilespmem:s23+$0x110]  }
0x4a: {  	v11 =	vld [tilespmem:s23+$0x120]  }
0x4b: {  	v10 =	vld [tilespmem:s23+$0x130]  }
0x4c: {  	v9 =	vld [tilespmem:s23+$0x140]  }
0x4d: {  	v8 =	vld [tilespmem:s23+$0x150];
	v13 =	vadd.f32 v7, v13  }
0x4e: {  	s24 =	simm.s32 $0x200;
	v12 =	vadd.f32 v12, v14;
	v7 =	vld [tilespmem:s23+$0x160]  }
.LBB2_7:
0x4f: {  	s25 =	sshra.s32 s24, $0x2;
	p1 =	sne.s32 s24, $0x9E00;
	v13 =	vmax.f32 v13, $0.0e+00;
	v6 =	vadd.f32 v6, v11;
	v11 =	vld [tilespmem:s23+$0x170]  }
0x50: {  	v14 =	vld [tilespmem:s25+$0x2900];
	[tilespmem:s23+$0x100] =	vst v13;
	v12 =	vmax.f32 v12, $0.0e+00;
	v5 =	vadd.f32 v5, v10  }
0x51: {  	v15 =	vld [tilespmem:s25+$0x2910];
	[tilespmem:s23+$0x110] =	vst v12;
	v10 =	vmax.f32 v6, $0.0e+00;
	v4 =	vadd.f32 v4, v9  }
0x52: {  	v6 =	vld [tilespmem:s25+$0x2920];
	[tilespmem:s23+$0x120] =	vst v10;
	v9 =	vmax.f32 v5, $0.0e+00;
	v3 =	vadd.f32 v3, v8  }
0x53: {  	v5 =	vld [tilespmem:s25+$0x2930];
	[tilespmem:s23+$0x130] =	vst v9;
	v8 =	vmax.f32 v4, $0.0e+00;
	v2 =	vadd.f32 v2, v7  }
0x54: {  	v4 =	vld [tilespmem:s25+$0x2940];
	[tilespmem:s23+$0x140] =	vst v8;
	v7 =	vmax.f32 v3, $0.0e+00;
	v1 =	vadd.f32 v1, v11  }
0x55: {  	v3 =	vld [tilespmem:s25+$0x2950];
	[tilespmem:s23+$0x150] =	vst v7;
	v7 =	vmax.f32 v2, $0.0e+00  }
0x56: {  	v2 =	vld [tilespmem:s25+$0x2960];
	[tilespmem:s23+$0x160] =	vst v7;
	v7 =	vmax.f32 v1, $0.0e+00  }
0x57: {  	v1 =	vld [tilespmem:s25+$0x2970];
	[tilespmem:s23+$0x170] =	vst v7;
	s23 =	smov.u32 s25  }
0x58: {  	v7 =	vld [tilespmem:s23+$0x100]  }
0x59: {  	v12 =	vld [tilespmem:s23+$0x110]  }
.Ltmp3:
0x5a: {  	v11 =	vld [tilespmem:s23+$0x120];
	(pc) =	sbr.rel @p1 .LBB2_7-.Ltmp3, $4  }
0x5b: {  	v10 =	vld [tilespmem:s23+$0x130]  }
0x5c: {  	v9 =	vld [tilespmem:s23+$0x140]  }
0x5d: {  	v13 =	vadd.f32 v14, v7;
	v8 =	vld [tilespmem:s23+$0x150]  }
0x5e: {  	s24 =	sadd.s32 $0x200, s24;
	v12 =	vadd.f32 v15, v12;
	v7 =	vld [tilespmem:s23+$0x160]  }
0x5f: {  	v13 =	vmax.f32 v13, $0.0e+00;
	v6 =	vadd.f32 v6, v11;
	v63 =	vld [tilespmem:s23+$0x170]  }
0x60: {  	[tilespmem:s23+$0x100] =	vst v13;
	v12 =	vmax.f32 v12, $0.0e+00;
	v5 =	vadd.f32 v5, v10  }
0x61: {  	[tilespmem:s23+$0x110] =	vst v12;
	v6 =	vmax.f32 v6, $0.0e+00;
	v4 =	vadd.f32 v4, v9  }
0x62: {  	[tilespmem:s23+$0x120] =	vst v6;
	v5 =	vmax.f32 v5, $0.0e+00;
	v3 =	vadd.f32 v3, v8  }
0x63: {  	[tilespmem:s23+$0x130] =	vst v5;
	v4 =	vmax.f32 v4, $0.0e+00;
	v2 =	vadd.f32 v2, v7  }
0x64: {  	[tilespmem:s23+$0x140] =	vst v4;
	v3 =	vmax.f32 v3, $0.0e+00;
	v1 =	vadd.f32 v1, v63  }
0x65: {  	s22 =	sadd.s32 $0x1, s22;
	[tilespmem:s23+$0x150] =	vst v3;
	v2 =	vmax.f32 v2, $0.0e+00  }
0x66: {  	p1 =	sne.s32 s22, $0x7D;
	[tilespmem:s23+$0x160] =	vst v2;
	v1 =	vmax.f32 v1, $0.0e+00  }
.Ltmp4:
0x67: {  	[tilespmem:s23+$0x170] =	vst v1;
	(pc) =	sbr.rel @p1 .LBB2_6-.Ltmp4, $4  }
0x68: {  	[spmem:s1] =	stream.indirect.scatter.add.f32 [tilespmem:s17], [sflag:$0x2], $0x80, s15, s16, $0xb8;
	[tilespmem:$0x1B180] =	vst v63  }
0x69: {  	_ =	swait.ge [sflag:s14], $0x2800  }
0x6a: {  	[sflag:s14] =	ssyncset.done $0x0  }
0x6b: {  	[sflag:s14] =	ssyncadd.s32 $0xFFFFD800  }
0x6c: {  	[bflag:$0x0] =	sbarrier.arrive $0xFFFF  }
0x6d: {  	[tilespmem:s13], [sflag:$0x2] =	stream.linear.gather [spmem:s11], $0x2800, $0x38;
	[tilespmem:$0x1B180] =	vst v63  }
0x6e: {  	_ =	swait.ge [sflag:s14], $0x2800  }
.Ltmp5:
0x6f: {  	[sflag:s14] =	ssyncset.done $0x0;
	(pc) =	sbr.rel @!p0 .LBB2_11-.Ltmp5, $4  }
0x70: {  	[sflag:s14] =	ssyncadd.s32 $0xFFFFD800  }
0x71: {  	[hbm4b:s12+s3] =	stream.linear.scatter [tilespmem:s13], [sflag:$0x2], $0x2800, $0x38;
	[tilespmem:$0x1B180] =	vst v63  }
0x72: {  	s21 =	sadd.s32 $0xFFFFFFFF, s8;
	_ =	swait.ge [sflag:s14], $0x2800  }
0x73: {  	s22 =	smov.u32 s11;
	s23 =	smov.u32 s12;
	[sflag:s14] =	ssyncset.done $0x0  }
.LBB2_10:
0x74: {  	[sflag:s14] =	ssyncadd.s32 $0xFFFFD800;
	s22 =	sadd.s32 $0x28000, s22;
	s23 =	sadd.s32 $0x5000, s23  }
0x75: {  	[tilespmem:s13], [sflag:$0x2] =	stream.linear.gather [spmem:s22], $0x2800, $0x38;
	[tilespmem:$0x1B180] =	vst v63  }
0x76: {  	p0 =	sne.s32 s21, $0x1;
	s21 =	sadd.s32 $0xFFFFFFFF, s21;
	_ =	swait.ge [sflag:s14], $0x2800  }
.Ltmp6:
0x77: {  	[sflag:s14] =	ssyncset.done $0x0;
	(pc) =	sbr.rel @p0 .LBB2_10-.Ltmp6, $4  }
0x78: {  	[sflag:s14] =	ssyncadd.s32 $0xFFFFD800  }
0x79: {  	[hbm4b:s23+s3] =	stream.linear.scatter [tilespmem:s13], [sflag:$0x2], $0x2800, $0x38;
	[tilespmem:$0x1B180] =	vst v63  }
0x7a: {  	_ =	swait.ge [sflag:s14], $0x2800  }
0x7b: {  	[sflag:s14] =	ssyncset.done $0x0  }
.LBB2_11:
0x7c: {  	s20 =	sadd.s32 $0x1, s20  }
0x7d: {  	p0 =	sne.s32 s20, s10  }
.Ltmp7:
0x7e: {  	_ = 	snop;
	(pc) =	sbr.rel @p0 .LBB2_1-.Ltmp7, $2  }
0x7f: {  	_ =	sdelay $0x2  }
0x80: {  	[sflag:s14] =	ssyncadd.s32 $0xFFFFD800  }
0x81: {  	_ =	sfence.sel $0x180000  }
0x82: {  	[bflag:$0x0] =	sbarrier.arrive $0xFFFF  }
0x83: {  	p0 =	sne.s32 s2, $0x0;
	_ =	strace $0x9000004D  }
0x84: {  	s0 =	sadd.s32 @!p0 $0x100000, s0;
	[bflag:$0x2] =	sbarrier.arrive $0xFFFF  }
0x85: {  	[sflag:s0] =	ssyncadd.tile.s32 @!p0 $0x1;
	_ =	shalt  }
.Lfunc_end2:
_tile_overlayer_lowered:
.L_overlay_start_2:
0x86: {  	(tag) =	ssettag $0x2  }
0x87: {  	s0 =	rddreg [dreg:$0x0];
	s2 =	stileid.u32  }
0x88: {  	s1 =	rddreg [dreg:$0x1];
	p0 =	sne.s32 s2, $0x0  }
0x89: {  	s3 =	rddreg [dreg:$0x2];
	[bflag:$0x3] =	sbarrier.arrive $0xFFFF;
	s2 =	simm.s32 @!p0 $0x1C02  }
0x8a: {  	[timem:s3], [sflag:s2] =	dma.local @!p0 [hbm:s0], s1  }
0x8b: {  	s0 =	simm.s32 @!p0 $0x2  }
0x8c: {  	_ =	swait.ge @!p0 [sflag:s0], s1  }
0x8d: {  	s1 =	ssub.s32 @!p0 $0x0, s1;
	[sflag:s0] =	ssyncset.done @!p0 $0x0  }
0x8e: {  	[sflag:s0] =	ssyncadd.s32 @!p0 s1  }
0x8f: {  	[bflag:$0x3] =	sbarrier.arrive $0xFFFF  }
0x90: {  	_ =	shalt  }

</sc_bundles>
